<compile_context>
chip_gen: v7x
topology: tpu7x:2x2x1
jax: 0.10.2.dev20260603
libtpu: 0.0.44.dev20260713+nightly
codegen_flags: <defaults>
</compile_context>

<pallas_src>
import jax
import jax.numpy as jnp
from jax import lax
from jax.experimental import pallas as pl
from jax.experimental.pallas import tpu as pltpu
from jax.experimental.pallas import tpu_sc as plsc

_N = 10000
_E = 320000
_D = 128
_NPAD = 10240
_NC = 2
_NS = 16
_NW = _NC * _NS
_K = 125
_CH = _E // (_NW * _K)
_RPT = _NPAD // _NS

_BLK = 1000
_GRID = _N // _BLK


def _sc_mesh():
    return plsc.VectorSubcoreMesh(core_axis_name="c", subcore_axis_name="s")



def _deg_body(dst_hbm, ones_hbm, zeros_hbm, out_hbm, dst_v, ones_v, deg_sh):
    cid = lax.axis_index("c")
    sid = lax.axis_index("s")
    wid = sid * _NC + cid
    pltpu.sync_copy(dst_hbm.at[wid], dst_v)
    pltpu.sync_copy(ones_hbm, ones_v)
    rows = pl.ds(sid * _RPT, _RPT)
    pltpu.sync_copy(zeros_hbm.at[rows], deg_sh.at[rows])
    plsc.subcore_barrier()

    @pl.loop(0, _CH)
    def _chunk(j):
        pltpu.sync_copy(ones_v, deg_sh.at[dst_v.at[j]], add=True)

    plsc.subcore_barrier()
    pltpu.sync_copy(deg_sh.at[rows], out_hbm.at[cid, rows])


def _make_deg():
    return pl.kernel(
        _deg_body,
        out_type=jax.ShapeDtypeStruct((_NC, _NPAD), jnp.float32),
        mesh=_sc_mesh(),
        scratch_types=[
            pltpu.VMEM((_CH, _K), jnp.int32),
            pltpu.VMEM((_K,), jnp.float32),
            pltpu.VMEM_SHARED((_NPAD,), jnp.float32),
        ],
    )


def _agg_body(idx_hbm, hs_hbm, out_hbm,
              ibuf_a, ibuf_b, rows_a, rows_b,
              agg_sh, sem_ia, sem_ib, sem_ga, sem_gb):
    cid = lax.axis_index("c")
    sid = lax.axis_index("s")
    wid = sid * _NC + cid
    rows = pl.ds(sid * _RPT, _RPT)

    zv = jnp.zeros((16,), jnp.float32)

    @pl.loop(0, _K)
    def _z(i):
        for c in range(_D // 16):
            rows_a[i, pl.ds(c * 16, 16)] = zv
            rows_b[i, pl.ds(c * 16, 16)] = zv

    base = sid * _RPT

    @pl.when(cid == 0)
    def _():
        @pl.when(sid < _NS - 1)
        def _():
            pltpu.sync_copy(hs_hbm.at[pl.ds(base, _RPT)], agg_sh.at[rows])

        @pl.when(sid == _NS - 1)
        def _():
            pltpu.sync_copy(hs_hbm.at[pl.ds(9600, 400)],
                            agg_sh.at[pl.ds(9600, 400)])
            pltpu.sync_copy(rows_a, agg_sh.at[pl.ds(10000, _K)])
            pltpu.sync_copy(rows_b.at[pl.ds(0, 115)],
                            agg_sh.at[pl.ds(10125, 115)])

    @pl.when(cid != 0)
    def _():
        @pl.loop(0, 5)
        def _f(q):
            pltpu.sync_copy(rows_a, agg_sh.at[pl.ds(base + q * _K, _K)])

        pltpu.sync_copy(rows_b.at[pl.ds(0, 15)],
                        agg_sh.at[pl.ds(base + 5 * _K, 15)])

    plsc.subcore_barrier()

    def start_idx(pair, ibuf, sem):
        pltpu.async_copy(idx_hbm.at[wid, pair], ibuf, sem)

    def wait_idx(pair, ibuf, sem):
        pltpu.make_async_copy(idx_hbm.at[wid, pair], ibuf, sem).wait()

    def start_gather(ibuf, half, buf, sem):
        pltpu.async_copy(hs_hbm.at[ibuf.at[half, 0]], buf, sem)

    def wait_gather(ibuf, half, buf, sem):
        pltpu.make_async_copy(hs_hbm.at[ibuf.at[half, 0]], buf, sem).wait()

    def scatter(buf, ibuf, half):
        pltpu.sync_copy(buf, agg_sh.at[ibuf.at[half, 1]], add=True)

    pltpu.sync_copy(idx_hbm.at[wid, 0], ibuf_a)
    start_gather(ibuf_a, 0, rows_a, sem_ga)
    start_idx(1, ibuf_b, sem_ib)

    @pl.loop(0, _CH, step=4)
    def _quad(j):
        p = j // 4
        wait_gather(ibuf_a, 0, rows_a, sem_ga)
        start_gather(ibuf_a, 1, rows_b, sem_gb)
        scatter(rows_a, ibuf_a, 0)
        wait_idx(2 * p + 1, ibuf_b, sem_ib)
        start_gather(ibuf_b, 0, rows_a, sem_ga)
        wait_gather(ibuf_a, 1, rows_b, sem_gb)
        scatter(rows_b, ibuf_a, 1)

        @pl.when(j + 4 < _CH)
        def _():
            start_idx(2 * p + 2, ibuf_a, sem_ia)

        wait_gather(ibuf_b, 0, rows_a, sem_ga)
        start_gather(ibuf_b, 1, rows_b, sem_gb)
        scatter(rows_a, ibuf_b, 0)

        @pl.when(j + 4 < _CH)
        def _():
            wait_idx(2 * p + 2, ibuf_a, sem_ia)
            start_gather(ibuf_a, 0, rows_a, sem_ga)

        wait_gather(ibuf_b, 1, rows_b, sem_gb)
        scatter(rows_b, ibuf_b, 1)

        @pl.when(j + 6 < _CH)
        def _():
            start_idx(2 * p + 3, ibuf_b, sem_ib)

    plsc.subcore_barrier()
    pltpu.sync_copy(agg_sh.at[rows], out_hbm.at[cid, rows])


def _make_agg():
    return pl.kernel(
        _agg_body,
        out_type=jax.ShapeDtypeStruct((_NC, _NPAD, _D), jnp.float32),
        mesh=_sc_mesh(),
        scratch_types=[
            pltpu.VMEM((2, 2, _K), jnp.int32),
            pltpu.VMEM((2, 2, _K), jnp.int32),
            pltpu.VMEM((_K, _D), jnp.float32),
            pltpu.VMEM((_K, _D), jnp.float32),
            pltpu.VMEM_SHARED((_NPAD, _D), jnp.float32),
            pltpu.SemaphoreType.DMA,
            pltpu.SemaphoreType.DMA,
            pltpu.SemaphoreType.DMA,
            pltpu.SemaphoreType.DMA,
        ],
    )



def _disb_of(degp_ref):
    d = degp_ref[0, :, :] + degp_ref[1, :, :] + 1.0
    return jnp.broadcast_to(lax.rsqrt(d), (_BLK, _D))


def _hs_body(degp_ref, x_ref, w_ref, hs_ref):
    h = jnp.dot(x_ref[...], w_ref[...], precision=lax.Precision.HIGHEST,
                preferred_element_type=jnp.float32)
    hs_ref[...] = _disb_of(degp_ref) * h


def _hs_mul(degp, x, w):
    return pl.pallas_call(
        _hs_body,
        grid=(_GRID,),
        in_specs=[
            pl.BlockSpec((_NC, _BLK, 1), lambda i: (0, i, 0)),
            pl.BlockSpec((_BLK, _D), lambda i: (i, 0)),
            pl.BlockSpec((_D, _D), lambda i: (0, 0)),
        ],
        out_specs=pl.BlockSpec((_BLK, _D), lambda i: (i, 0)),
        out_shape=jax.ShapeDtypeStruct((_N, _D), jnp.float32),
    )(degp, x, w)


def _x1h2_body(agg_ref, degp_ref, b_ref, w_ref, o_ref):
    disb = _disb_of(degp_ref)
    x1 = disb * (agg_ref[0] + agg_ref[1]) + b_ref[...]
    h2 = jnp.dot(x1, w_ref[...], precision=lax.Precision.HIGHEST,
                 preferred_element_type=jnp.float32)
    o_ref[...] = disb * h2


def _x1h2(agg, degp, b, w):
    return pl.pallas_call(
        _x1h2_body,
        grid=(_GRID,),
        in_specs=[
            pl.BlockSpec((_NC, _BLK, _D), lambda i: (0, i, 0)),
            pl.BlockSpec((_NC, _BLK, 1), lambda i: (0, i, 0)),
            pl.BlockSpec((1, _D), lambda i: (0, 0)),
            pl.BlockSpec((_D, _D), lambda i: (0, 0)),
        ],
        out_specs=pl.BlockSpec((_BLK, _D), lambda i: (i, 0)),
        out_shape=jax.ShapeDtypeStruct((_N, _D), jnp.float32),
    )(agg, degp, b, w)


def _final_body(agg_ref, degp_ref, b_ref, o_ref):
    o_ref[...] = (_disb_of(degp_ref) * (agg_ref[0] + agg_ref[1])
                  + b_ref[...])


def _final(agg, degp, b):
    return pl.pallas_call(
        _final_body,
        grid=(_GRID,),
        in_specs=[
            pl.BlockSpec((_NC, _BLK, _D), lambda i: (0, i, 0)),
            pl.BlockSpec((_NC, _BLK, 1), lambda i: (0, i, 0)),
            pl.BlockSpec((1, _D), lambda i: (0, 0)),
        ],
        out_specs=pl.BlockSpec((_BLK, _D), lambda i: (i, 0)),
        out_shape=jax.ShapeDtypeStruct((_N, _D), jnp.float32),
    )(agg, degp, b)



def kernel(adj, in_feat, W1, b1, W2, b2):
    src3 = adj[0].reshape(_NW, _CH, _K)
    dst3 = adj[1].reshape(_NW, _CH, _K)
    idx5 = jnp.stack([src3, dst3], axis=2).reshape(_NW, _CH // 2, 2, 2, _K)
    zeros_1 = jnp.zeros((_NPAD,), jnp.float32)
    ones_k = jnp.ones((_K,), jnp.float32)
    b1r = b1.reshape(1, _D)
    b2r = b2.reshape(1, _D)

    degp = _make_deg()(dst3, ones_k, zeros_1)
    degp = degp.reshape(_NC, _NPAD, 1)
    hs1 = _hs_mul(degp, in_feat, W1)
    agg1 = _make_agg()(idx5, hs1)
    hs2 = _x1h2(agg1, degp, b1r, W2)
    agg2 = _make_agg()(idx5, hs2)
    return _final(agg2, degp, b2r)

# --- scband reference (transcript-rebuilt; emitter-appended) ---
"""Pipeline reference for scband-gcn-with-feature-39281770889758 (READ-ONLY COPY).

The authoritative reference and input builder live on the scoring server;
editing this copy changes nothing except your own understanding.
"""

import jax, jax.numpy as jnp
import numpy as np

N = 10000
E = 320000
D_IN = 128
D_H = 128


def setup_inputs(seed: int = 0) -> dict:
    key = jax.random.key(seed)
    k1, k2, k3, k4 = jax.random.split(key, 4)
    adj = jax.random.randint(k1, (2, E), 0, N)
    in_feat = jax.random.normal(k2, (N, D_IN), dtype=jnp.float32)
    s1 = 1.0 / np.sqrt(D_IN)
    s2 = 1.0 / np.sqrt(D_H)
    W1 = jax.random.uniform(k3, (D_IN, D_H), minval=-s1, maxval=s1, dtype=jnp.float32)
    b1 = jnp.zeros((D_H,), jnp.float32)
    W2 = jax.random.uniform(k4, (D_H, D_H), minval=-s2, maxval=s2, dtype=jnp.float32)
    b2 = jnp.zeros((D_H,), jnp.float32)
    return {"adj": adj, "in_feat": in_feat, "W1": W1, "b1": b1, "W2": W2, "b2": b2}


def _gcn_conv(x, src, dst, W, b):
    # PyG GCNConv: linear transform, then sym-normalized aggregation, then bias
    x = x @ W
    deg = jnp.zeros((N,), x.dtype).at[dst].add(1.0)
    deg_inv_sqrt = jnp.where(deg > 0, jax.lax.rsqrt(jnp.maximum(deg, 1e-12)), 0.0)
    norm = deg_inv_sqrt[src] * deg_inv_sqrt[dst]
    msg = x[src] * norm[:, None]
    out = jnp.zeros((N, x.shape[1]), x.dtype).at[dst].add(msg)
    return out + b


def reference(adj, in_feat, W1, b1, W2, b2):
    # add self loops once (shared by both convs)
    loop = jnp.arange(N, dtype=adj.dtype)
    src = jnp.concatenate([adj[0], loop])
    dst = jnp.concatenate([adj[1], loop])
    x = _gcn_conv(in_feat, src, dst, W1, b1)
    ori = x
    # prop_step=2 -> one extra propagation; norm=False, relu=False => identity; residual=0
    x = _gcn_conv(x, src, dst, W2, b2) + 0.0 * ori
    return x

if __name__ == "__main__":
    import jax
    _d = setup_inputs()
    print(jax.jit(kernel)(*tuple(_d.values())))

</pallas_src>

<mosaic_0001>
#map = affine_map<(d0, d1) -> (0, 0, 0, 0, 0)>
#map1 = affine_map<(d0, d1) -> (0, 0)>
#map2 = affine_map<(d0, d1) -> (0, 0, 0)>
module attributes {stable_mosaic.version = 14 : i64} {
  func.func @_agg_body(%arg0: i32, %arg1: i32, %arg2: memref<32x40x2x2x125xi32, #tpu.memory_space<hbm>>, %arg3: memref<10000x128xf32, #tpu.memory_space<hbm>>, %arg4: memref<2x10240x128xf32, #tpu.memory_space<hbm>>, %arg5: memref<2x2x125xi32, #tpu.memory_space<vmem>>, %arg6: memref<2x2x125xi32, #tpu.memory_space<vmem>>, %arg7: memref<125x128xf32, #tpu.memory_space<vmem>>, %arg8: memref<125x128xf32, #tpu.memory_space<vmem>>, %arg9: memref<10240x128xf32, #tpu.memory_space<vmem_shared>>, %arg10: memref<!tpu.dma_semaphore, #tpu.memory_space<semaphore_mem>>, %arg11: memref<!tpu.dma_semaphore, #tpu.memory_space<semaphore_mem>>, %arg12: memref<!tpu.dma_semaphore, #tpu.memory_space<semaphore_mem>>, %arg13: memref<!tpu.dma_semaphore, #tpu.memory_space<semaphore_mem>>) attributes {dimension_semantics = [#tpu.dimension_semantics<core_parallel>, #tpu.dimension_semantics<subcore_parallel>], iteration_bounds = array<i64: 2, 16>, scalar_prefetch = 0 : i64, scratch_operands = 9 : i64, tpu.core_type = #tpu.core_type<sc_vector_subcore>, window_params = [{transform_indices = #map}, {transform_indices = #map1}, {transform_indices = #map2}]} {
    %mul3A = arith.constant 2 : i32
    %mul3A_0 = arith.muli %arg1, %mul3A : i32
    %add3A = arith.addi %mul3A_0, %arg0 : i32
    %mul3A_1 = arith.constant 640 : i32
    %mul3A_2 = arith.muli %arg1, %mul3A_1 : i32
    %broadcast_in_dim3A = arith.constant 0.000000e+00 : f32
    %broadcast_in_dim3A_3 = vector.broadcast %broadcast_in_dim3A : f32 to vector<16xf32>
    %scan3A = arith.constant 0 : i32
    %scan3A_4 = arith.constant 125 : i32
    %scan3A_5 = arith.addi %scan3A, %scan3A_4 : i32
    %scan3A_6 = arith.constant 1 : i32
    scf.for %scan3A_40 = %scan3A to %scan3A_5 step %scan3A_6  : i32 {
      %mul3A_41 = arith.constant 1 : i32
      %mul3A_42 = arith.muli %scan3A_40, %mul3A_41 : i32
      %add3A_43 = arith.constant 0 : i32
      %add3A_44 = arith.addi %add3A_43, %mul3A_42 : i32
      %swap3A = arith.index_cast %add3A_44 : i32 to index
      %swap3A_45 = arith.constant 0 : index
      %swap3A_46 = tpu.vector_load %arg7[%swap3A, %swap3A_45] {strides = array<i32>} : memref<125x128xf32, #tpu.memory_space<vmem>>, vector<1x16xf32>,
      %swap3A_47 = vector.shape_cast %swap3A_46 : vector<1x16xf32> to vector<16xf32>
      %swap3A_48 = vector.shape_cast %broadcast_in_dim3A_3 : vector<16xf32> to vector<1x16xf32>
      tpu.vector_store %arg7[%swap3A, %swap3A_45], %swap3A_48 {strides = array<i32>} : memref<125x128xf32, #tpu.memory_space<vmem>>, vector<1x16xf32>,
      %swap3A_49 = arith.index_cast %add3A_44 : i32 to index
      %swap3A_50 = arith.constant 0 : index
      %swap3A_51 = tpu.vector_load %arg8[%swap3A_49, %swap3A_50] {strides = array<i32>} : memref<125x128xf32, #tpu.memory_space<vmem>>, vector<1x16xf32>,
      %swap3A_52 = vector.shape_cast %swap3A_51 : vector<1x16xf32> to vector<16xf32>
      %swap3A_53 = vector.shape_cast %broadcast_in_dim3A_3 : vector<16xf32> to vector<1x16xf32>
      tpu.vector_store %arg8[%swap3A_49, %swap3A_50], %swap3A_53 {strides = array<i32>} : memref<125x128xf32, #tpu.memory_space<vmem>>, vector<1x16xf32>,
      %swap3A_54 = arith.index_cast %add3A_44 : i32 to index
      %swap3A_55 = arith.constant 16 : index
      %swap3A_56 = tpu.vector_load %arg7[%swap3A_54, %swap3A_55] {strides = array<i32>} : memref<125x128xf32, #tpu.memory_space<vmem>>, vector<1x16xf32>,
      %swap3A_57 = vector.shape_cast %swap3A_56 : vector<1x16xf32> to vector<16xf32>
      %swap3A_58 = vector.shape_cast %broadcast_in_dim3A_3 : vector<16xf32> to vector<1x16xf32>
      tpu.vector_store %arg7[%swap3A_54, %swap3A_55], %swap3A_58 {strides = array<i32>} : memref<125x128xf32, #tpu.memory_space<vmem>>, vector<1x16xf32>,
      %swap3A_59 = arith.index_cast %add3A_44 : i32 to index
      %swap3A_60 = arith.constant 16 : index
      %swap3A_61 = tpu.vector_load %arg8[%swap3A_59, %swap3A_60] {strides = array<i32>} : memref<125x128xf32, #tpu.memory_space<vmem>>, vector<1x16xf32>,
      %swap3A_62 = vector.shape_cast %swap3A_61 : vector<1x16xf32> to vector<16xf32>
      %swap3A_63 = vector.shape_cast %broadcast_in_dim3A_3 : vector<16xf32> to vector<1x16xf32>
      tpu.vector_store %arg8[%swap3A_59, %swap3A_60], %swap3A_63 {strides = array<i32>} : memref<125x128xf32, #tpu.memory_space<vmem>>, vector<1x16xf32>,
      %swap3A_64 = arith.index_cast %add3A_44 : i32 to index
      %swap3A_65 = arith.constant 32 : index
      %swap3A_66 = tpu.vector_load %arg7[%swap3A_64, %swap3A_65] {strides = array<i32>} : memref<125x128xf32, #tpu.memory_space<vmem>>, vector<1x16xf32>,
      %swap3A_67 = vector.shape_cast %swap3A_66 : vector<1x16xf32> to vector<16xf32>
      %swap3A_68 = vector.shape_cast %broadcast_in_dim3A_3 : vector<16xf32> to vector<1x16xf32>
      tpu.vector_store %arg7[%swap3A_64, %swap3A_65], %swap3A_68 {strides = array<i32>} : memref<125x128xf32, #tpu.memory_space<vmem>>, vector<1x16xf32>,
      %swap3A_69 = arith.index_cast %add3A_44 : i32 to index
      %swap3A_70 = arith.constant 32 : index
      %swap3A_71 = tpu.vector_load %arg8[%swap3A_69, %swap3A_70] {strides = array<i32>} : memref<125x128xf32, #tpu.memory_space<vmem>>, vector<1x16xf32>,
      %swap3A_72 = vector.shape_cast %swap3A_71 : vector<1x16xf32> to vector<16xf32>
      %swap3A_73 = vector.shape_cast %broadcast_in_dim3A_3 : vector<16xf32> to vector<1x16xf32>
      tpu.vector_store %arg8[%swap3A_69, %swap3A_70], %swap3A_73 {strides = array<i32>} : memref<125x128xf32, #tpu.memory_space<vmem>>, vector<1x16xf32>,
      %swap3A_74 = arith.index_cast %add3A_44 : i32 to index
      %swap3A_75 = arith.constant 48 : index
      %swap3A_76 = tpu.vector_load %arg7[%swap3A_74, %swap3A_75] {strides = array<i32>} : memref<125x128xf32, #tpu.memory_space<vmem>>, vector<1x16xf32>,
      %swap3A_77 = vector.shape_cast %swap3A_76 : vector<1x16xf32> to vector<16xf32>
      %swap3A_78 = vector.shape_cast %broadcast_in_dim3A_3 : vector<16xf32> to vector<1x16xf32>
      tpu.vector_store %arg7[%swap3A_74, %swap3A_75], %swap3A_78 {strides = array<i32>} : memref<125x128xf32, #tpu.memory_space<vmem>>, vector<1x16xf32>,
      %swap3A_79 = arith.index_cast %add3A_44 : i32 to index
      %swap3A_80 = arith.constant 48 : index
      %swap3A_81 = tpu.vector_load %arg8[%swap3A_79, %swap3A_80] {strides = array<i32>} : memref<125x128xf32, #tpu.memory_space<vmem>>, vector<1x16xf32>,
      %swap3A_82 = vector.shape_cast %swap3A_81 : vector<1x16xf32> to vector<16xf32>
      %swap3A_83 = vector.shape_cast %broadcast_in_dim3A_3 : vector<16xf32> to vector<1x16xf32>
      tpu.vector_store %arg8[%swap3A_79, %swap3A_80], %swap3A_83 {strides = array<i32>} : memref<125x128xf32, #tpu.memory_space<vmem>>, vector<1x16xf32>,
      %swap3A_84 = arith.index_cast %add3A_44 : i32 to index
      %swap3A_85 = arith.constant 64 : index
      %swap3A_86 = tpu.vector_load %arg7[%swap3A_84, %swap3A_85] {strides = array<i32>} : memref<125x128xf32, #tpu.memory_space<vmem>>, vector<1x16xf32>,
      %swap3A_87 = vector.shape_cast %swap3A_86 : vector<1x16xf32> to vector<16xf32>
      %swap3A_88 = vector.shape_cast %broadcast_in_dim3A_3 : vector<16xf32> to vector<1x16xf32>
      tpu.vector_store %arg7[%swap3A_84, %swap3A_85], %swap3A_88 {strides = array<i32>} : memref<125x128xf32, #tpu.memory_space<vmem>>, vector<1x16xf32>,
      %swap3A_89 = arith.index_cast %add3A_44 : i32 to index
      %swap3A_90 = arith.constant 64 : index
      %swap3A_91 = tpu.vector_load %arg8[%swap3A_89, %swap3A_90] {strides = array<i32>} : memref<125x128xf32, #tpu.memory_space<vmem>>, vector<1x16xf32>,
      %swap3A_92 = vector.shape_cast %swap3A_91 : vector<1x16xf32> to vector<16xf32>
      %swap3A_93 = vector.shape_cast %broadcast_in_dim3A_3 : vector<16xf32> to vector<1x16xf32>
      tpu.vector_store %arg8[%swap3A_89, %swap3A_90], %swap3A_93 {strides = array<i32>} : memref<125x128xf32, #tpu.memory_space<vmem>>, vector<1x16xf32>,
      %swap3A_94 = arith.index_cast %add3A_44 : i32 to index
      %swap3A_95 = arith.constant 80 : index
      %swap3A_96 = tpu.vector_load %arg7[%swap3A_94, %swap3A_95] {strides = array<i32>} : memref<125x128xf32, #tpu.memory_space<vmem>>, vector<1x16xf32>,
      %swap3A_97 = vector.shape_cast %swap3A_96 : vector<1x16xf32> to vector<16xf32>
      %swap3A_98 = vector.shape_cast %broadcast_in_dim3A_3 : vector<16xf32> to vector<1x16xf32>
      tpu.vector_store %arg7[%swap3A_94, %swap3A_95], %swap3A_98 {strides = array<i32>} : memref<125x128xf32, #tpu.memory_space<vmem>>, vector<1x16xf32>,
      %swap3A_99 = arith.index_cast %add3A_44 : i32 to index
      %swap3A_100 = arith.constant 80 : index
      %swap3A_101 = tpu.vector_load %arg8[%swap3A_99, %swap3A_100] {strides = array<i32>} : memref<125x128xf32, #tpu.memory_space<vmem>>, vector<1x16xf32>,
      %swap3A_102 = vector.shape_cast %swap3A_101 : vector<1x16xf32> to vector<16xf32>
      %swap3A_103 = vector.shape_cast %broadcast_in_dim3A_3 : vector<16xf32> to vector<1x16xf32>
      tpu.vector_store %arg8[%swap3A_99, %swap3A_100], %swap3A_103 {strides = array<i32>} : memref<125x128xf32, #tpu.memory_space<vmem>>, vector<1x16xf32>,
      %swap3A_104 = arith.index_cast %add3A_44 : i32 to index
      %swap3A_105 = arith.constant 96 : index
      %swap3A_106 = tpu.vector_load %arg7[%swap3A_104, %swap3A_105] {strides = array<i32>} : memref<125x128xf32, #tpu.memory_space<vmem>>, vector<1x16xf32>,
      %swap3A_107 = vector.shape_cast %swap3A_106 : vector<1x16xf32> to vector<16xf32>
      %swap3A_108 = vector.shape_cast %broadcast_in_dim3A_3 : vector<16xf32> to vector<1x16xf32>
      tpu.vector_store %arg7[%swap3A_104, %swap3A_105], %swap3A_108 {strides = array<i32>} : memref<125x128xf32, #tpu.memory_space<vmem>>, vector<1x16xf32>,
      %swap3A_109 = arith.index_cast %add3A_44 : i32 to index
      %swap3A_110 = arith.constant 96 : index
      %swap3A_111 = tpu.vector_load %arg8[%swap3A_109, %swap3A_110] {strides = array<i32>} : memref<125x128xf32, #tpu.memory_space<vmem>>, vector<1x16xf32>,
      %swap3A_112 = vector.shape_cast %swap3A_111 : vector<1x16xf32> to vector<16xf32>
      %swap3A_113 = vector.shape_cast %broadcast_in_dim3A_3 : vector<16xf32> to vector<1x16xf32>
      tpu.vector_store %arg8[%swap3A_109, %swap3A_110], %swap3A_113 {strides = array<i32>} : memref<125x128xf32, #tpu.memory_space<vmem>>, vector<1x16xf32>,
      %swap3A_114 = arith.index_cast %add3A_44 : i32 to index
      %swap3A_115 = arith.constant 112 : index
      %swap3A_116 = tpu.vector_load %arg7[%swap3A_114, %swap3A_115] {strides = array<i32>} : memref<125x128xf32, #tpu.memory_space<vmem>>, vector<1x16xf32>,
      %swap3A_117 = vector.shape_cast %swap3A_116 : vector<1x16xf32> to vector<16xf32>
      %swap3A_118 = vector.shape_cast %broadcast_in_dim3A_3 : vector<16xf32> to vector<1x16xf32>
      tpu.vector_store %arg7[%swap3A_114, %swap3A_115], %swap3A_118 {strides = array<i32>} : memref<125x128xf32, #tpu.memory_space<vmem>>, vector<1x16xf32>,
      %swap3A_119 = arith.index_cast %add3A_44 : i32 to index
      %swap3A_120 = arith.constant 112 : index
      %swap3A_121 = tpu.vector_load %arg8[%swap3A_119, %swap3A_120] {strides = array<i32>} : memref<125x128xf32, #tpu.memory_space<vmem>>, vector<1x16xf32>,
      %swap3A_122 = vector.shape_cast %swap3A_121 : vector<1x16xf32> to vector<16xf32>
      %swap3A_123 = vector.shape_cast %broadcast_in_dim3A_3 : vector<16xf32> to vector<1x16xf32>
      tpu.vector_store %arg8[%swap3A_119, %swap3A_120], %swap3A_123 {strides = array<i32>} : memref<125x128xf32, #tpu.memory_space<vmem>>, vector<1x16xf32>,
    }
    %scan3A_7 = arith.constant 125 : i32
    %mul3A_8 = arith.constant 640 : i32
    %mul3A_9 = arith.muli %arg1, %mul3A_8 : i32
    %eq3A = arith.constant 0 : i32
    %eq3A_10 = arith.cmpi eq, %arg0, %eq3A : i32
    %convert_element_type3A = arith.extui %eq3A_10 : i1 to i32
    %cond3A = arith.constant 0 : i32
    %cond3A_11 = arith.cmpi ne, %convert_element_type3A, %cond3A : i32
    scf.if %cond3A_11 {
      %lt3A = arith.constant 15 : i32
      %lt3A_40 = arith.cmpi slt, %arg1, %lt3A : i32
      %convert_element_type3A_41 = arith.extui %lt3A_40 : i1 to i32
      %cond3A_42 = arith.constant 0 : i32
      %cond3A_43 = arith.cmpi ne, %convert_element_type3A_41, %cond3A_42 : i32
      scf.if %cond3A_43 {
        "tpu.region"() ({
          %run_scoped3A_49 = tpu.sem_alloc : memref<!tpu.dma_semaphore, #tpu.memory_space<semaphore_mem>>
          %dma_start3A_50 = arith.constant 0 : i32
          %dma_start3A_51 = tpu.memref_slice %arg9[%mul3A_2, %dma_start3A_50] : memref<10240x128xf32, #tpu.memory_space<vmem_shared>> -> memref<640x128xf32, #tpu.memory_space<vmem_shared>>
          %dma_start3A_52 = arith.constant 0 : i32
          %dma_start3A_53 = tpu.memref_slice %arg3[%mul3A_9, %dma_start3A_52] : memref<10000x128xf32, #tpu.memory_space<hbm>> -> memref<640x128xf32, #tpu.memory_space<hbm>>
          tpu.enqueue_dma source(%dma_start3A_53 : memref<640x128xf32, #tpu.memory_space<hbm>>) target(%dma_start3A_51 : memref<640x128xf32, #tpu.memory_space<vmem_shared>>) target_semaphore(%run_scoped3A_49 : memref<!tpu.dma_semaphore, #tpu.memory_space<semaphore_mem>>)
          %dma_wait3A = arith.constant 0 : i32
          %dma_wait3A_54 = tpu.memref_slice %arg9[%mul3A_2, %dma_wait3A] : memref<10240x128xf32, #tpu.memory_space<vmem_shared>> -> memref<640x128xf32, #tpu.memory_space<vmem_shared>>
          %dma_wait3A_55 = arith.constant 0 : i32
          %dma_wait3A_56 = tpu.memref_slice %arg3[%mul3A_9, %dma_wait3A_55] : memref<10000x128xf32, #tpu.memory_space<hbm>> -> memref<640x128xf32, #tpu.memory_space<hbm>>
          tpu.wait_dma2 semaphore(%run_scoped3A_49 : memref<!tpu.dma_semaphore, #tpu.memory_space<semaphore_mem>>) src(%dma_wait3A_56 : memref<640x128xf32, #tpu.memory_space<hbm>>) dst(%dma_wait3A_54 : memref<640x128xf32, #tpu.memory_space<vmem_shared>>)
          tpu.yield
        }) : () -> ()
      } else {
      }
      %eq3A_44 = arith.constant 15 : i32
      %eq3A_45 = arith.cmpi eq, %arg1, %eq3A_44 : i32
      %convert_element_type3A_46 = arith.extui %eq3A_45 : i1 to i32
      %cond3A_47 = arith.constant 0 : i32
      %cond3A_48 = arith.cmpi ne, %convert_element_type3A_46, %cond3A_47 : i32
      scf.if %cond3A_48 {
        "tpu.region"() ({
          %run_scoped3A_49 = tpu.sem_alloc : memref<!tpu.dma_semaphore, #tpu.memory_space<semaphore_mem>>
          %dma_start3A_50 = arith.constant 9600 : i32
          %dma_start3A_51 = arith.constant 0 : i32
          %dma_start3A_52 = tpu.memref_slice %arg9[%dma_start3A_50, %dma_start3A_51] : memref<10240x128xf32, #tpu.memory_space<vmem_shared>> -> memref<400x128xf32, #tpu.memory_space<vmem_shared>>
          %dma_start3A_53 = arith.constant 9600 : i32
          %dma_start3A_54 = arith.constant 0 : i32
          %dma_start3A_55 = tpu.memref_slice %arg3[%dma_start3A_53, %dma_start3A_54] : memref<10000x128xf32, #tpu.memory_space<hbm>> -> memref<400x128xf32, #tpu.memory_space<hbm>>
          tpu.enqueue_dma source(%dma_start3A_55 : memref<400x128xf32, #tpu.memory_space<hbm>>) target(%dma_start3A_52 : memref<400x128xf32, #tpu.memory_space<vmem_shared>>) target_semaphore(%run_scoped3A_49 : memref<!tpu.dma_semaphore, #tpu.memory_space<semaphore_mem>>)
          %dma_wait3A = arith.constant 9600 : i32
          %dma_wait3A_56 = arith.constant 0 : i32
          %dma_wait3A_57 = tpu.memref_slice %arg9[%dma_wait3A, %dma_wait3A_56] : memref<10240x128xf32, #tpu.memory_space<vmem_shared>> -> memref<400x128xf32, #tpu.memory_space<vmem_shared>>
          %dma_wait3A_58 = arith.constant 9600 : i32
          %dma_wait3A_59 = arith.constant 0 : i32
          %dma_wait3A_60 = tpu.memref_slice %arg3[%dma_wait3A_58, %dma_wait3A_59] : memref<10000x128xf32, #tpu.memory_space<hbm>> -> memref<400x128xf32, #tpu.memory_space<hbm>>
          tpu.wait_dma2 semaphore(%run_scoped3A_49 : memref<!tpu.dma_semaphore, #tpu.memory_space<semaphore_mem>>) src(%dma_wait3A_60 : memref<400x128xf32, #tpu.memory_space<hbm>>) dst(%dma_wait3A_57 : memref<400x128xf32, #tpu.memory_space<vmem_shared>>)
          tpu.yield
        }) : () -> ()
        "tpu.region"() ({
          %run_scoped3A_49 = tpu.sem_alloc : memref<!tpu.dma_semaphore, #tpu.memory_space<semaphore_mem>>
          %dma_start3A_50 = arith.constant 10000 : i32
          %dma_start3A_51 = arith.constant 0 : i32
          %dma_start3A_52 = tpu.memref_slice %arg9[%dma_start3A_50, %dma_start3A_51] : memref<10240x128xf32, #tpu.memory_space<vmem_shared>> -> memref<125x128xf32, #tpu.memory_space<vmem_shared>>
          %dma_start3A_53 = arith.constant 10000 : i32
          %dma_start3A_54 = arith.constant 0 : i32
          %dma_start3A_55 = tpu.memref_slice %arg9[%dma_start3A_53, %dma_start3A_54] : memref<10240x128xf32, #tpu.memory_space<vmem_shared>> -> memref<125x128xf32, #tpu.memory_space<vmem_shared>>
          tpu.enqueue_dma source(%arg7 : memref<125x128xf32, #tpu.memory_space<vmem>>) target(%dma_start3A_55 : memref<125x128xf32, #tpu.memory_space<vmem_shared>>) target_semaphore(%run_scoped3A_49 : memref<!tpu.dma_semaphore, #tpu.memory_space<semaphore_mem>>)
          %dma_wait3A = arith.constant 10000 : i32
          %dma_wait3A_56 = arith.constant 0 : i32
          %dma_wait3A_57 = tpu.memref_slice %arg9[%dma_wait3A, %dma_wait3A_56] : memref<10240x128xf32, #tpu.memory_space<vmem_shared>> -> memref<125x128xf32, #tpu.memory_space<vmem_shared>>
          %dma_wait3A_58 = arith.constant 10000 : i32
          %dma_wait3A_59 = arith.constant 0 : i32
          %dma_wait3A_60 = tpu.memref_slice %arg9[%dma_wait3A_58, %dma_wait3A_59] : memref<10240x128xf32, #tpu.memory_space<vmem_shared>> -> memref<125x128xf32, #tpu.memory_space<vmem_shared>>
          tpu.wait_dma2 semaphore(%run_scoped3A_49 : memref<!tpu.dma_semaphore, #tpu.memory_space<semaphore_mem>>) src(%arg7 : memref<125x128xf32, #tpu.memory_space<vmem>>) dst(%dma_wait3A_60 : memref<125x128xf32, #tpu.memory_space<vmem_shared>>)
          tpu.yield
        }) : () -> ()
        "tpu.region"() ({
          %run_scoped3A_49 = tpu.sem_alloc : memref<!tpu.dma_semaphore, #tpu.memory_space<semaphore_mem>>
          %dma_start3A_50 = arith.constant 0 : i32
          %dma_start3A_51 = arith.constant 0 : i32
          %dma_start3A_52 = tpu.memref_slice %arg8[%dma_start3A_50, %dma_start3A_51] : memref<125x128xf32, #tpu.memory_space<vmem>> -> memref<115x128xf32, #tpu.memory_space<vmem>>
          %dma_start3A_53 = arith.constant 10125 : i32
          %dma_start3A_54 = arith.constant 0 : i32
          %dma_start3A_55 = tpu.memref_slice %arg9[%dma_start3A_53, %dma_start3A_54] : memref<10240x128xf32, #tpu.memory_space<vmem_shared>> -> memref<115x128xf32, #tpu.memory_space<vmem_shared>>
          %dma_start3A_56 = arith.constant 10125 : i32
          %dma_start3A_57 = arith.constant 0 : i32
          %dma_start3A_58 = tpu.memref_slice %arg9[%dma_start3A_56, %dma_start3A_57] : memref<10240x128xf32, #tpu.memory_space<vmem_shared>> -> memref<115x128xf32, #tpu.memory_space<vmem_shared>>
          %dma_start3A_59 = arith.constant 0 : i32
          %dma_start3A_60 = arith.constant 0 : i32
          %dma_start3A_61 = tpu.memref_slice %arg8[%dma_start3A_59, %dma_start3A_60] : memref<125x128xf32, #tpu.memory_space<vmem>> -> memref<115x128xf32, #tpu.memory_space<vmem>>
          tpu.enqueue_dma source(%dma_start3A_61 : memref<115x128xf32, #tpu.memory_space<vmem>>) target(%dma_start3A_58 : memref<115x128xf32, #tpu.memory_space<vmem_shared>>) target_semaphore(%run_scoped3A_49 : memref<!tpu.dma_semaphore, #tpu.memory_space<semaphore_mem>>)
          %dma_wait3A = arith.constant 0 : i32
          %dma_wait3A_62 = arith.constant 0 : i32
          %dma_wait3A_63 = tpu.memref_slice %arg8[%dma_wait3A, %dma_wait3A_62] : memref<125x128xf32, #tpu.memory_space<vmem>> -> memref<115x128xf32, #tpu.memory_space<vmem>>
          %dma_wait3A_64 = arith.constant 10125 : i32
          %dma_wait3A_65 = arith.constant 0 : i32
          %dma_wait3A_66 = tpu.memref_slice %arg9[%dma_wait3A_64, %dma_wait3A_65] : memref<10240x128xf32, #tpu.memory_space<vmem_shared>> -> memref<115x128xf32, #tpu.memory_space<vmem_shared>>
          %dma_wait3A_67 = arith.constant 10125 : i32
          %dma_wait3A_68 = arith.constant 0 : i32
          %dma_wait3A_69 = tpu.memref_slice %arg9[%dma_wait3A_67, %dma_wait3A_68] : memref<10240x128xf32, #tpu.memory_space<vmem_shared>> -> memref<115x128xf32, #tpu.memory_space<vmem_shared>>
          %dma_wait3A_70 = arith.constant 0 : i32
          %dma_wait3A_71 = arith.constant 0 : i32
          %dma_wait3A_72 = tpu.memref_slice %arg8[%dma_wait3A_70, %dma_wait3A_71] : memref<125x128xf32, #tpu.memory_space<vmem>> -> memref<115x128xf32, #tpu.memory_space<vmem>>
          tpu.wait_dma2 semaphore(%run_scoped3A_49 : memref<!tpu.dma_semaphore, #tpu.memory_space<semaphore_mem>>) src(%dma_wait3A_72 : memref<115x128xf32, #tpu.memory_space<vmem>>) dst(%dma_wait3A_69 : memref<115x128xf32, #tpu.memory_space<vmem_shared>>)
          tpu.yield
        }) : () -> ()
      } else {
      }
    } else {
    }
    %ne3A = arith.constant 0 : i32
    %ne3A_12 = arith.cmpi ne, %arg0, %ne3A : i32
    %convert_element_type3A_13 = arith.extui %ne3A_12 : i1 to i32
    %cond3A_14 = arith.constant 0 : i32
    %cond3A_15 = arith.cmpi ne, %convert_element_type3A_13, %cond3A_14 : i32
    scf.if %cond3A_15 {
      %scan3A_40 = arith.constant 0 : i32
      %scan3A_41 = arith.constant 5 : i32
      %scan3A_42 = arith.addi %scan3A_40, %scan3A_41 : i32
      %scan3A_43 = arith.constant 1 : i32
      scf.for %scan3A_47 = %scan3A_40 to %scan3A_42 step %scan3A_43  : i32 {
        %mul3A_48 = arith.constant 1 : i32
        %mul3A_49 = arith.muli %scan3A_47, %mul3A_48 : i32
        %add3A_50 = arith.constant 0 : i32
        %add3A_51 = arith.addi %add3A_50, %mul3A_49 : i32
        %mul3A_52 = arith.constant 125 : i32
        %mul3A_53 = arith.muli %add3A_51, %mul3A_52 : i32
        %add3A_54 = arith.addi %mul3A_9, %mul3A_53 : i32
        "tpu.region"() ({
          %run_scoped3A_55 = tpu.sem_alloc : memref<!tpu.dma_semaphore, #tpu.memory_space<semaphore_mem>>
          %dma_start3A_56 = arith.constant 0 : i32
          %dma_start3A_57 = tpu.memref_slice %arg9[%add3A_54, %dma_start3A_56] : memref<10240x128xf32, #tpu.memory_space<vmem_shared>> -> memref<125x128xf32, #tpu.memory_space<vmem_shared>>
          %dma_start3A_58 = arith.constant 0 : i32
          %dma_start3A_59 = tpu.memref_slice %arg9[%add3A_54, %dma_start3A_58] : memref<10240x128xf32, #tpu.memory_space<vmem_shared>> -> memref<125x128xf32, #tpu.memory_space<vmem_shared>>
          tpu.enqueue_dma source(%arg7 : memref<125x128xf32, #tpu.memory_space<vmem>>) target(%dma_start3A_59 : memref<125x128xf32, #tpu.memory_space<vmem_shared>>) target_semaphore(%run_scoped3A_55 : memref<!tpu.dma_semaphore, #tpu.memory_space<semaphore_mem>>)
          %dma_wait3A = arith.constant 0 : i32
          %dma_wait3A_60 = tpu.memref_slice %arg9[%add3A_54, %dma_wait3A] : memref<10240x128xf32, #tpu.memory_space<vmem_shared>> -> memref<125x128xf32, #tpu.memory_space<vmem_shared>>
          %dma_wait3A_61 = arith.constant 0 : i32
          %dma_wait3A_62 = tpu.memref_slice %arg9[%add3A_54, %dma_wait3A_61] : memref<10240x128xf32, #tpu.memory_space<vmem_shared>> -> memref<125x128xf32, #tpu.memory_space<vmem_shared>>
          tpu.wait_dma2 semaphore(%run_scoped3A_55 : memref<!tpu.dma_semaphore, #tpu.memory_space<semaphore_mem>>) src(%arg7 : memref<125x128xf32, #tpu.memory_space<vmem>>) dst(%dma_wait3A_62 : memref<125x128xf32, #tpu.memory_space<vmem_shared>>)
          tpu.yield
        }) : () -> ()
      }
      %scan3A_44 = arith.constant 5 : i32
      %add3A_45 = arith.constant 625 : i32
      %add3A_46 = arith.addi %mul3A_9, %add3A_45 : i32
      "tpu.region"() ({
        %run_scoped3A_47 = tpu.sem_alloc : memref<!tpu.dma_semaphore, #tpu.memory_space<semaphore_mem>>
        %dma_start3A_48 = arith.constant 0 : i32
        %dma_start3A_49 = arith.constant 0 : i32
        %dma_start3A_50 = tpu.memref_slice %arg8[%dma_start3A_48, %dma_start3A_49] : memref<125x128xf32, #tpu.memory_space<vmem>> -> memref<15x128xf32, #tpu.memory_space<vmem>>
        %dma_start3A_51 = arith.constant 0 : i32
        %dma_start3A_52 = tpu.memref_slice %arg9[%add3A_46, %dma_start3A_51] : memref<10240x128xf32, #tpu.memory_space<vmem_shared>> -> memref<15x128xf32, #tpu.memory_space<vmem_shared>>
        %dma_start3A_53 = arith.constant 0 : i32
        %dma_start3A_54 = tpu.memref_slice %arg9[%add3A_46, %dma_start3A_53] : memref<10240x128xf32, #tpu.memory_space<vmem_shared>> -> memref<15x128xf32, #tpu.memory_space<vmem_shared>>
        %dma_start3A_55 = arith.constant 0 : i32
        %dma_start3A_56 = arith.constant 0 : i32
        %dma_start3A_57 = tpu.memref_slice %arg8[%dma_start3A_55, %dma_start3A_56] : memref<125x128xf32, #tpu.memory_space<vmem>> -> memref<15x128xf32, #tpu.memory_space<vmem>>
        tpu.enqueue_dma source(%dma_start3A_57 : memref<15x128xf32, #tpu.memory_space<vmem>>) target(%dma_start3A_54 : memref<15x128xf32, #tpu.memory_space<vmem_shared>>) target_semaphore(%run_scoped3A_47 : memref<!tpu.dma_semaphore, #tpu.memory_space<semaphore_mem>>)
        %dma_wait3A = arith.constant 0 : i32
        %dma_wait3A_58 = arith.constant 0 : i32
        %dma_wait3A_59 = tpu.memref_slice %arg8[%dma_wait3A, %dma_wait3A_58] : memref<125x128xf32, #tpu.memory_space<vmem>> -> memref<15x128xf32, #tpu.memory_space<vmem>>
        %dma_wait3A_60 = arith.constant 0 : i32
        %dma_wait3A_61 = tpu.memref_slice %arg9[%add3A_46, %dma_wait3A_60] : memref<10240x128xf32, #tpu.memory_space<vmem_shared>> -> memref<15x128xf32, #tpu.memory_space<vmem_shared>>
        %dma_wait3A_62 = arith.constant 0 : i32
        %dma_wait3A_63 = tpu.memref_slice %arg9[%add3A_46, %dma_wait3A_62] : memref<10240x128xf32, #tpu.memory_space<vmem_shared>> -> memref<15x128xf32, #tpu.memory_space<vmem_shared>>
        %dma_wait3A_64 = arith.constant 0 : i32
        %dma_wait3A_65 = arith.constant 0 : i32
        %dma_wait3A_66 = tpu.memref_slice %arg8[%dma_wait3A_64, %dma_wait3A_65] : memref<125x128xf32, #tpu.memory_space<vmem>> -> memref<15x128xf32, #tpu.memory_space<vmem>>
        tpu.wait_dma2 semaphore(%run_scoped3A_47 : memref<!tpu.dma_semaphore, #tpu.memory_space<semaphore_mem>>) src(%dma_wait3A_66 : memref<15x128xf32, #tpu.memory_space<vmem>>) dst(%dma_wait3A_63 : memref<15x128xf32, #tpu.memory_space<vmem_shared>>)
        tpu.yield
      }) : () -> ()
    } else {
    }
    %barrier3A = arith.constant 0 : index
    tpu.barrier barrier_id(%barrier3A)
    %run_scoped3A = arith.constant 0 : i32
    "tpu.region"() ({
      %run_scoped3A_40 = tpu.sem_alloc : memref<!tpu.dma_semaphore, #tpu.memory_space<semaphore_mem>>
      %dma_start3A_41 = arith.constant 0 : i32
      %dma_start3A_42 = arith.constant 0 : i32
      %dma_start3A_43 = arith.constant 0 : i32
      %dma_start3A_44 = tpu.memref_slice %arg2[%add3A, %run_scoped3A, %dma_start3A_41, %dma_start3A_42, %dma_start3A_43] : memref<32x40x2x2x125xi32, #tpu.memory_space<hbm>> -> memref<1x1x2x2x125xi32, #tpu.memory_space<hbm>>
      %dma_start3A_45 = tpu.memref_squeeze %dma_start3A_44 : memref<1x1x2x2x125xi32, #tpu.memory_space<hbm>> -> memref<2x2x125xi32, #tpu.memory_space<hbm>>
      %dma_start3A_46 = arith.constant 0 : i32
      %dma_start3A_47 = arith.constant 0 : i32
      %dma_start3A_48 = arith.constant 0 : i32
      %dma_start3A_49 = tpu.memref_slice %arg2[%add3A, %run_scoped3A, %dma_start3A_46, %dma_start3A_47, %dma_start3A_48] : memref<32x40x2x2x125xi32, #tpu.memory_space<hbm>> -> memref<1x1x2x2x125xi32, #tpu.memory_space<hbm>>
      %dma_start3A_50 = tpu.memref_squeeze %dma_start3A_49 : memref<1x1x2x2x125xi32, #tpu.memory_space<hbm>> -> memref<2x2x125xi32, #tpu.memory_space<hbm>>
      tpu.enqueue_dma source(%dma_start3A_50 : memref<2x2x125xi32, #tpu.memory_space<hbm>>) target(%arg5 : memref<2x2x125xi32, #tpu.memory_space<vmem>>) target_semaphore(%run_scoped3A_40 : memref<!tpu.dma_semaphore, #tpu.memory_space<semaphore_mem>>)
      %dma_wait3A = arith.constant 0 : i32
      %dma_wait3A_51 = arith.constant 0 : i32
      %dma_wait3A_52 = arith.constant 0 : i32
      %dma_wait3A_53 = tpu.memref_slice %arg2[%add3A, %run_scoped3A, %dma_wait3A, %dma_wait3A_51, %dma_wait3A_52] : memref<32x40x2x2x125xi32, #tpu.memory_space<hbm>> -> memref<1x1x2x2x125xi32, #tpu.memory_space<hbm>>
      %dma_wait3A_54 = tpu.memref_squeeze %dma_wait3A_53 : memref<1x1x2x2x125xi32, #tpu.memory_space<hbm>> -> memref<2x2x125xi32, #tpu.memory_space<hbm>>
      %dma_wait3A_55 = arith.constant 0 : i32
      %dma_wait3A_56 = arith.constant 0 : i32
      %dma_wait3A_57 = arith.constant 0 : i32
      %dma_wait3A_58 = tpu.memref_slice %arg2[%add3A, %run_scoped3A, %dma_wait3A_55, %dma_wait3A_56, %dma_wait3A_57] : memref<32x40x2x2x125xi32, #tpu.memory_space<hbm>> -> memref<1x1x2x2x125xi32, #tpu.memory_space<hbm>>
      %dma_wait3A_59 = tpu.memref_squeeze %dma_wait3A_58 : memref<1x1x2x2x125xi32, #tpu.memory_space<hbm>> -> memref<2x2x125xi32, #tpu.memory_space<hbm>>
      tpu.wait_dma2 semaphore(%run_scoped3A_40 : memref<!tpu.dma_semaphore, #tpu.memory_space<semaphore_mem>>) src(%dma_wait3A_59 : memref<2x2x125xi32, #tpu.memory_space<hbm>>) dst(%arg5 : memref<2x2x125xi32, #tpu.memory_space<vmem>>)
      tpu.yield
    }) : () -> ()
    %dma_start3A = arith.constant 0 : i32
    %dma_start3A_16 = arith.constant 0 : i32
    %dma_start3A_17 = arith.constant 0 : i32
    %dma_start3A_18 = tpu.memref_slice %arg5[%dma_start3A, %dma_start3A_16, %dma_start3A_17] : memref<2x2x125xi32, #tpu.memory_space<vmem>> -> memref<1x1x125xi32, #tpu.memory_space<vmem>>
    %dma_start3A_19 = tpu.memref_squeeze %dma_start3A_18 : memref<1x1x125xi32, #tpu.memory_space<vmem>> -> memref<125xi32, #tpu.memory_space<vmem>>
    %dma_start3A_20 = arith.constant 0 : i32
    %dma_start3A_21 = arith.constant 0 : i32
    %dma_start3A_22 = tpu.memref_slice %arg3[%dma_start3A_20, %dma_start3A_21] : memref<10000x128xf32, #tpu.memory_space<hbm>> -> memref<10000x128xf32, #tpu.memory_space<hbm>>
    tpu.enqueue_indirect_dma source(%dma_start3A_22 : memref<10000x128xf32, #tpu.memory_space<hbm>>) target(%arg7 : memref<125x128xf32, #tpu.memory_space<vmem>>) offsets(%dma_start3A_19 : memref<125xi32, #tpu.memory_space<vmem>>) semaphore(%arg12 : memref<!tpu.dma_semaphore, #tpu.memory_space<semaphore_mem>>)
    %dma_start3A_23 = arith.constant 1 : i32
    %dma_start3A_24 = arith.constant 0 : i32
    %dma_start3A_25 = arith.constant 0 : i32
    %dma_start3A_26 = arith.constant 0 : i32
    %dma_start3A_27 = tpu.memref_slice %arg2[%add3A, %dma_start3A_23, %dma_start3A_24, %dma_start3A_25, %dma_start3A_26] : memref<32x40x2x2x125xi32, #tpu.memory_space<hbm>> -> memref<1x1x2x2x125xi32, #tpu.memory_space<hbm>>
    %dma_start3A_28 = tpu.memref_squeeze %dma_start3A_27 : memref<1x1x2x2x125xi32, #tpu.memory_space<hbm>> -> memref<2x2x125xi32, #tpu.memory_space<hbm>>
    %dma_start3A_29 = arith.constant 0 : i32
    %dma_start3A_30 = arith.constant 0 : i32
    %dma_start3A_31 = arith.constant 0 : i32
    %dma_start3A_32 = tpu.memref_slice %arg2[%add3A, %dma_start3A_23, %dma_start3A_29, %dma_start3A_30, %dma_start3A_31] : memref<32x40x2x2x125xi32, #tpu.memory_space<hbm>> -> memref<1x1x2x2x125xi32, #tpu.memory_space<hbm>>
    %dma_start3A_33 = tpu.memref_squeeze %dma_start3A_32 : memref<1x1x2x2x125xi32, #tpu.memory_space<hbm>> -> memref<2x2x125xi32, #tpu.memory_space<hbm>>
    tpu.enqueue_dma source(%dma_start3A_33 : memref<2x2x125xi32, #tpu.memory_space<hbm>>) target(%arg6 : memref<2x2x125xi32, #tpu.memory_space<vmem>>) target_semaphore(%arg11 : memref<!tpu.dma_semaphore, #tpu.memory_space<semaphore_mem>>)
    %scan3A_34 = arith.constant 0 : i32
    %scan3A_35 = arith.constant 20 : i32
    %scan3A_36 = arith.addi %scan3A_34, %scan3A_35 : i32
    %scan3A_37 = arith.constant 1 : i32
    scf.for %scan3A_40 = %scan3A_34 to %scan3A_36 step %scan3A_37  : i32 {
      %mul3A_41 = arith.constant 4 : i32
      %mul3A_42 = arith.muli %scan3A_40, %mul3A_41 : i32
      %add3A_43 = arith.constant 0 : i32
      %add3A_44 = arith.addi %add3A_43, %mul3A_42 : i32
      %jit3A = arith.constant 4 : i32
      %div3A = arith.divsi %add3A_44, %jit3A : i32
      %sign3A = arith.constant 0 : i32
      %sign3A_45 = arith.cmpi sgt, %add3A_44, %sign3A : i32
      %sign3A_46 = arith.extui %sign3A_45 : i1 to i32
      %sign3A_47 = arith.constant 0 : i32
      %sign3A_48 = arith.cmpi slt, %add3A_44, %sign3A_47 : i32
      %sign3A_49 = arith.extui %sign3A_48 : i1 to i32
      %sign3A_50 = arith.subi %sign3A_46, %sign3A_49 : i32
      %sign3A_51 = arith.constant 0 : i32
      %sign3A_52 = arith.cmpi sgt, %jit3A, %sign3A_51 : i32
      %sign3A_53 = arith.extui %sign3A_52 : i1 to i32
      %sign3A_54 = arith.constant 0 : i32
      %sign3A_55 = arith.cmpi slt, %jit3A, %sign3A_54 : i32
      %sign3A_56 = arith.extui %sign3A_55 : i1 to i32
      %sign3A_57 = arith.subi %sign3A_53, %sign3A_56 : i32
      %ne3A_58 = arith.cmpi ne, %sign3A_50, %sign3A_57 : i32
      %rem3A = arith.remsi %add3A_44, %jit3A : i32
      %ne3A_59 = arith.constant 0 : i32
      %ne3A_60 = arith.cmpi ne, %rem3A, %ne3A_59 : i32
      %and3A = arith.andi %ne3A_58, %ne3A_60 : i1
      %sub3A = arith.constant 1 : i32
      %sub3A_61 = arith.subi %div3A, %sub3A : i32
      %select_n3A = arith.select %and3A, %sub3A_61, %div3A : i32
      %dma_wait3A = arith.constant 0 : i32
      %dma_wait3A_62 = arith.constant 0 : i32
      %dma_wait3A_63 = arith.constant 0 : i32
      %dma_wait3A_64 = tpu.memref_slice %arg5[%dma_wait3A, %dma_wait3A_62, %dma_wait3A_63] : memref<2x2x125xi32, #tpu.memory_space<vmem>> -> memref<1x1x125xi32, #tpu.memory_space<vmem>>
      %dma_wait3A_65 = tpu.memref_squeeze %dma_wait3A_64 : memref<1x1x125xi32, #tpu.memory_space<vmem>> -> memref<125xi32, #tpu.memory_space<vmem>>
      %dma_wait3A_66 = arith.constant 0 : i32
      %dma_wait3A_67 = arith.constant 0 : i32
      %dma_wait3A_68 = tpu.memref_slice %arg3[%dma_wait3A_66, %dma_wait3A_67] : memref<10000x128xf32, #tpu.memory_space<hbm>> -> memref<10000x128xf32, #tpu.memory_space<hbm>>
      tpu.wait_indirect_dma semaphore(%arg12 : memref<!tpu.dma_semaphore, #tpu.memory_space<semaphore_mem>>) src(%dma_wait3A_68 : memref<10000x128xf32, #tpu.memory_space<hbm>>) dst(%arg7 : memref<125x128xf32, #tpu.memory_space<vmem>>)
      %dma_start3A_69 = arith.constant 1 : i32
      %dma_start3A_70 = arith.constant 0 : i32
      %dma_start3A_71 = arith.constant 0 : i32
      %dma_start3A_72 = tpu.memref_slice %arg5[%dma_start3A_69, %dma_start3A_70, %dma_start3A_71] : memref<2x2x125xi32, #tpu.memory_space<vmem>> -> memref<1x1x125xi32, #tpu.memory_space<vmem>>
      %dma_start3A_73 = tpu.memref_squeeze %dma_start3A_72 : memref<1x1x125xi32, #tpu.memory_space<vmem>> -> memref<125xi32, #tpu.memory_space<vmem>>
      %dma_start3A_74 = arith.constant 0 : i32
      %dma_start3A_75 = arith.constant 0 : i32
      %dma_start3A_76 = tpu.memref_slice %arg3[%dma_start3A_74, %dma_start3A_75] : memref<10000x128xf32, #tpu.memory_space<hbm>> -> memref<10000x128xf32, #tpu.memory_space<hbm>>
      tpu.enqueue_indirect_dma source(%dma_start3A_76 : memref<10000x128xf32, #tpu.memory_space<hbm>>) target(%arg8 : memref<125x128xf32, #tpu.memory_space<vmem>>) offsets(%dma_start3A_73 : memref<125xi32, #tpu.memory_space<vmem>>) semaphore(%arg13 : memref<!tpu.dma_semaphore, #tpu.memory_space<semaphore_mem>>)
      %run_scoped3A_77 = arith.constant 0 : i32
      %run_scoped3A_78 = arith.constant 1 : i32
      "tpu.region"() ({
        %run_scoped3A_159 = tpu.sem_alloc : memref<!tpu.dma_semaphore, #tpu.memory_space<semaphore_mem>>
        %dma_start3A_160 = arith.constant 0 : i32
        %dma_start3A_161 = tpu.memref_slice %arg5[%run_scoped3A_77, %run_scoped3A_78, %dma_start3A_160] : memref<2x2x125xi32, #tpu.memory_space<vmem>> -> memref<1x1x125xi32, #tpu.memory_space<vmem>>
        %dma_start3A_162 = tpu.memref_squeeze %dma_start3A_161 : memref<1x1x125xi32, #tpu.memory_space<vmem>> -> memref<125xi32, #tpu.memory_space<vmem>>
        %dma_start3A_163 = arith.constant 0 : i32
        %dma_start3A_164 = arith.constant 0 : i32
        %dma_start3A_165 = tpu.memref_slice %arg9[%dma_start3A_163, %dma_start3A_164] : memref<10240x128xf32, #tpu.memory_space<vmem_shared>> -> memref<10240x128xf32, #tpu.memory_space<vmem_shared>>
        tpu.enqueue_indirect_dma source(%arg7 : memref<125x128xf32, #tpu.memory_space<vmem>>) target(%dma_start3A_165 : memref<10240x128xf32, #tpu.memory_space<vmem_shared>>) offsets(%dma_start3A_162 : memref<125xi32, #tpu.memory_space<vmem>>) semaphore(%run_scoped3A_159 : memref<!tpu.dma_semaphore, #tpu.memory_space<semaphore_mem>>) {add = true}
        %dma_wait3A_166 = arith.constant 0 : i32
        %dma_wait3A_167 = tpu.memref_slice %arg5[%run_scoped3A_77, %run_scoped3A_78, %dma_wait3A_166] : memref<2x2x125xi32, #tpu.memory_space<vmem>> -> memref<1x1x125xi32, #tpu.memory_space<vmem>>
        %dma_wait3A_168 = tpu.memref_squeeze %dma_wait3A_167 : memref<1x1x125xi32, #tpu.memory_space<vmem>> -> memref<125xi32, #tpu.memory_space<vmem>>
        %dma_wait3A_169 = arith.constant 0 : i32
        %dma_wait3A_170 = arith.constant 0 : i32
        %dma_wait3A_171 = tpu.memref_slice %arg9[%dma_wait3A_169, %dma_wait3A_170] : memref<10240x128xf32, #tpu.memory_space<vmem_shared>> -> memref<10240x128xf32, #tpu.memory_space<vmem_shared>>
        tpu.wait_indirect_dma semaphore(%run_scoped3A_159 : memref<!tpu.dma_semaphore, #tpu.memory_space<semaphore_mem>>) src(%arg7 : memref<125x128xf32, #tpu.memory_space<vmem>>) dst(%dma_wait3A_171 : memref<10240x128xf32, #tpu.memory_space<vmem_shared>>)
        tpu.yield
      }) : () -> ()
      %mul3A_79 = arith.constant 2 : i32
      %mul3A_80 = arith.muli %mul3A_79, %select_n3A : i32
      %add3A_81 = arith.constant 1 : i32
      %add3A_82 = arith.addi %mul3A_80, %add3A_81 : i32
      %dma_wait3A_83 = arith.constant 0 : i32
      %dma_wait3A_84 = arith.constant 0 : i32
      %dma_wait3A_85 = arith.constant 0 : i32
      %dma_wait3A_86 = tpu.memref_slice %arg2[%add3A, %add3A_82, %dma_wait3A_83, %dma_wait3A_84, %dma_wait3A_85] : memref<32x40x2x2x125xi32, #tpu.memory_space<hbm>> -> memref<1x1x2x2x125xi32, #tpu.memory_space<hbm>>
      %dma_wait3A_87 = tpu.memref_squeeze %dma_wait3A_86 : memref<1x1x2x2x125xi32, #tpu.memory_space<hbm>> -> memref<2x2x125xi32, #tpu.memory_space<hbm>>
      %dma_wait3A_88 = arith.constant 0 : i32
      %dma_wait3A_89 = arith.constant 0 : i32
      %dma_wait3A_90 = arith.constant 0 : i32
      %dma_wait3A_91 = tpu.memref_slice %arg2[%add3A, %add3A_82, %dma_wait3A_88, %dma_wait3A_89, %dma_wait3A_90] : memref<32x40x2x2x125xi32, #tpu.memory_space<hbm>> -> memref<1x1x2x2x125xi32, #tpu.memory_space<hbm>>
      %dma_wait3A_92 = tpu.memref_squeeze %dma_wait3A_91 : memref<1x1x2x2x125xi32, #tpu.memory_space<hbm>> -> memref<2x2x125xi32, #tpu.memory_space<hbm>>
      tpu.wait_dma2 semaphore(%arg11 : memref<!tpu.dma_semaphore, #tpu.memory_space<semaphore_mem>>) src(%dma_wait3A_92 : memref<2x2x125xi32, #tpu.memory_space<hbm>>) dst(%arg6 : memref<2x2x125xi32, #tpu.memory_space<vmem>>)
      %dma_start3A_93 = arith.constant 0 : i32
      %dma_start3A_94 = arith.constant 0 : i32
      %dma_start3A_95 = arith.constant 0 : i32
      %dma_start3A_96 = tpu.memref_slice %arg6[%dma_start3A_93, %dma_start3A_94, %dma_start3A_95] : memref<2x2x125xi32, #tpu.memory_space<vmem>> -> memref<1x1x125xi32, #tpu.memory_space<vmem>>
      %dma_start3A_97 = tpu.memref_squeeze %dma_start3A_96 : memref<1x1x125xi32, #tpu.memory_space<vmem>> -> memref<125xi32, #tpu.memory_space<vmem>>
      %dma_start3A_98 = arith.constant 0 : i32
      %dma_start3A_99 = arith.constant 0 : i32
      %dma_start3A_100 = tpu.memref_slice %arg3[%dma_start3A_98, %dma_start3A_99] : memref<10000x128xf32, #tpu.memory_space<hbm>> -> memref<10000x128xf32, #tpu.memory_space<hbm>>
      tpu.enqueue_indirect_dma source(%dma_start3A_100 : memref<10000x128xf32, #tpu.memory_space<hbm>>) target(%arg7 : memref<125x128xf32, #tpu.memory_space<vmem>>) offsets(%dma_start3A_97 : memref<125xi32, #tpu.memory_space<vmem>>) semaphore(%arg12 : memref<!tpu.dma_semaphore, #tpu.memory_space<semaphore_mem>>)
      %dma_wait3A_101 = arith.constant 1 : i32
      %dma_wait3A_102 = arith.constant 0 : i32
      %dma_wait3A_103 = arith.constant 0 : i32
      %dma_wait3A_104 = tpu.memref_slice %arg5[%dma_wait3A_101, %dma_wait3A_102, %dma_wait3A_103] : memref<2x2x125xi32, #tpu.memory_space<vmem>> -> memref<1x1x125xi32, #tpu.memory_space<vmem>>
      %dma_wait3A_105 = tpu.memref_squeeze %dma_wait3A_104 : memref<1x1x125xi32, #tpu.memory_space<vmem>> -> memref<125xi32, #tpu.memory_space<vmem>>
      %dma_wait3A_106 = arith.constant 0 : i32
      %dma_wait3A_107 = arith.constant 0 : i32
      %dma_wait3A_108 = tpu.memref_slice %arg3[%dma_wait3A_106, %dma_wait3A_107] : memref<10000x128xf32, #tpu.memory_space<hbm>> -> memref<10000x128xf32, #tpu.memory_space<hbm>>
      tpu.wait_indirect_dma semaphore(%arg13 : memref<!tpu.dma_semaphore, #tpu.memory_space<semaphore_mem>>) src(%dma_wait3A_108 : memref<10000x128xf32, #tpu.memory_space<hbm>>) dst(%arg8 : memref<125x128xf32, #tpu.memory_space<vmem>>)
      %run_scoped3A_109 = arith.constant 1 : i32
      %run_scoped3A_110 = arith.constant 1 : i32
      "tpu.region"() ({
        %run_scoped3A_159 = tpu.sem_alloc : memref<!tpu.dma_semaphore, #tpu.memory_space<semaphore_mem>>
        %dma_start3A_160 = arith.constant 0 : i32
        %dma_start3A_161 = tpu.memref_slice %arg5[%run_scoped3A_109, %run_scoped3A_110, %dma_start3A_160] : memref<2x2x125xi32, #tpu.memory_space<vmem>> -> memref<1x1x125xi32, #tpu.memory_space<vmem>>
        %dma_start3A_162 = tpu.memref_squeeze %dma_start3A_161 : memref<1x1x125xi32, #tpu.memory_space<vmem>> -> memref<125xi32, #tpu.memory_space<vmem>>
        %dma_start3A_163 = arith.constant 0 : i32
        %dma_start3A_164 = arith.constant 0 : i32
        %dma_start3A_165 = tpu.memref_slice %arg9[%dma_start3A_163, %dma_start3A_164] : memref<10240x128xf32, #tpu.memory_space<vmem_shared>> -> memref<10240x128xf32, #tpu.memory_space<vmem_shared>>
        tpu.enqueue_indirect_dma source(%arg8 : memref<125x128xf32, #tpu.memory_space<vmem>>) target(%dma_start3A_165 : memref<10240x128xf32, #tpu.memory_space<vmem_shared>>) offsets(%dma_start3A_162 : memref<125xi32, #tpu.memory_space<vmem>>) semaphore(%run_scoped3A_159 : memref<!tpu.dma_semaphore, #tpu.memory_space<semaphore_mem>>) {add = true}
        %dma_wait3A_166 = arith.constant 0 : i32
        %dma_wait3A_167 = tpu.memref_slice %arg5[%run_scoped3A_109, %run_scoped3A_110, %dma_wait3A_166] : memref<2x2x125xi32, #tpu.memory_space<vmem>> -> memref<1x1x125xi32, #tpu.memory_space<vmem>>
        %dma_wait3A_168 = tpu.memref_squeeze %dma_wait3A_167 : memref<1x1x125xi32, #tpu.memory_space<vmem>> -> memref<125xi32, #tpu.memory_space<vmem>>
        %dma_wait3A_169 = arith.constant 0 : i32
        %dma_wait3A_170 = arith.constant 0 : i32
        %dma_wait3A_171 = tpu.memref_slice %arg9[%dma_wait3A_169, %dma_wait3A_170] : memref<10240x128xf32, #tpu.memory_space<vmem_shared>> -> memref<10240x128xf32, #tpu.memory_space<vmem_shared>>
        tpu.wait_indirect_dma semaphore(%run_scoped3A_159 : memref<!tpu.dma_semaphore, #tpu.memory_space<semaphore_mem>>) src(%arg8 : memref<125x128xf32, #tpu.memory_space<vmem>>) dst(%dma_wait3A_171 : memref<10240x128xf32, #tpu.memory_space<vmem_shared>>)
        tpu.yield
      }) : () -> ()
      %add3A_111 = arith.constant 4 : i32
      %add3A_112 = arith.addi %add3A_44, %add3A_111 : i32
      %lt3A = arith.constant 80 : i32
      %lt3A_113 = arith.cmpi slt, %add3A_112, %lt3A : i32
      %convert_element_type3A_114 = arith.extui %lt3A_113 : i1 to i32
      %cond3A_115 = arith.constant 0 : i32
      %cond3A_116 = arith.cmpi ne, %convert_element_type3A_114, %cond3A_115 : i32
      scf.if %cond3A_116 {
        %mul3A_159 = arith.constant 2 : i32
        %mul3A_160 = arith.muli %mul3A_159, %select_n3A : i32
        %add3A_161 = arith.constant 2 : i32
        %add3A_162 = arith.addi %mul3A_160, %add3A_161 : i32
        %dma_start3A_163 = arith.constant 0 : i32
        %dma_start3A_164 = arith.constant 0 : i32
        %dma_start3A_165 = arith.constant 0 : i32
        %dma_start3A_166 = tpu.memref_slice %arg2[%add3A, %add3A_162, %dma_start3A_163, %dma_start3A_164, %dma_start3A_165] : memref<32x40x2x2x125xi32, #tpu.memory_space<hbm>> -> memref<1x1x2x2x125xi32, #tpu.memory_space<hbm>>
        %dma_start3A_167 = tpu.memref_squeeze %dma_start3A_166 : memref<1x1x2x2x125xi32, #tpu.memory_space<hbm>> -> memref<2x2x125xi32, #tpu.memory_space<hbm>>
        %dma_start3A_168 = arith.constant 0 : i32
        %dma_start3A_169 = arith.constant 0 : i32
        %dma_start3A_170 = arith.constant 0 : i32
        %dma_start3A_171 = tpu.memref_slice %arg2[%add3A, %add3A_162, %dma_start3A_168, %dma_start3A_169, %dma_start3A_170] : memref<32x40x2x2x125xi32, #tpu.memory_space<hbm>> -> memref<1x1x2x2x125xi32, #tpu.memory_space<hbm>>
        %dma_start3A_172 = tpu.memref_squeeze %dma_start3A_171 : memref<1x1x2x2x125xi32, #tpu.memory_space<hbm>> -> memref<2x2x125xi32, #tpu.memory_space<hbm>>
        tpu.enqueue_dma source(%dma_start3A_172 : memref<2x2x125xi32, #tpu.memory_space<hbm>>) target(%arg5 : memref<2x2x125xi32, #tpu.memory_space<vmem>>) target_semaphore(%arg10 : memref<!tpu.dma_semaphore, #tpu.memory_space<semaphore_mem>>)
      } else {
      }
      %dma_wait3A_117 = arith.constant 0 : i32
      %dma_wait3A_118 = arith.constant 0 : i32
      %dma_wait3A_119 = arith.constant 0 : i32
      %dma_wait3A_120 = tpu.memref_slice %arg6[%dma_wait3A_117, %dma_wait3A_118, %dma_wait3A_119] : memref<2x2x125xi32, #tpu.memory_space<vmem>> -> memref<1x1x125xi32, #tpu.memory_space<vmem>>
      %dma_wait3A_121 = tpu.memref_squeeze %dma_wait3A_120 : memref<1x1x125xi32, #tpu.memory_space<vmem>> -> memref<125xi32, #tpu.memory_space<vmem>>
      %dma_wait3A_122 = arith.constant 0 : i32
      %dma_wait3A_123 = arith.constant 0 : i32
      %dma_wait3A_124 = tpu.memref_slice %arg3[%dma_wait3A_122, %dma_wait3A_123] : memref<10000x128xf32, #tpu.memory_space<hbm>> -> memref<10000x128xf32, #tpu.memory_space<hbm>>
      tpu.wait_indirect_dma semaphore(%arg12 : memref<!tpu.dma_semaphore, #tpu.memory_space<semaphore_mem>>) src(%dma_wait3A_124 : memref<10000x128xf32, #tpu.memory_space<hbm>>) dst(%arg7 : memref<125x128xf32, #tpu.memory_space<vmem>>)
      %dma_start3A_125 = arith.constant 1 : i32
      %dma_start3A_126 = arith.constant 0 : i32
      %dma_start3A_127 = arith.constant 0 : i32
      %dma_start3A_128 = tpu.memref_slice %arg6[%dma_start3A_125, %dma_start3A_126, %dma_start3A_127] : memref<2x2x125xi32, #tpu.memory_space<vmem>> -> memref<1x1x125xi32, #tpu.memory_space<vmem>>
      %dma_start3A_129 = tpu.memref_squeeze %dma_start3A_128 : memref<1x1x125xi32, #tpu.memory_space<vmem>> -> memref<125xi32, #tpu.memory_space<vmem>>
      %dma_start3A_130 = arith.constant 0 : i32
      %dma_start3A_131 = arith.constant 0 : i32
      %dma_start3A_132 = tpu.memref_slice %arg3[%dma_start3A_130, %dma_start3A_131] : memref<10000x128xf32, #tpu.memory_space<hbm>> -> memref<10000x128xf32, #tpu.memory_space<hbm>>
      tpu.enqueue_indirect_dma source(%dma_start3A_132 : memref<10000x128xf32, #tpu.memory_space<hbm>>) target(%arg8 : memref<125x128xf32, #tpu.memory_space<vmem>>) offsets(%dma_start3A_129 : memref<125xi32, #tpu.memory_space<vmem>>) semaphore(%arg13 : memref<!tpu.dma_semaphore, #tpu.memory_space<semaphore_mem>>)
      %run_scoped3A_133 = arith.constant 0 : i32
      %run_scoped3A_134 = arith.constant 1 : i32
      "tpu.region"() ({
        %run_scoped3A_159 = tpu.sem_alloc : memref<!tpu.dma_semaphore, #tpu.memory_space<semaphore_mem>>
        %dma_start3A_160 = arith.constant 0 : i32
        %dma_start3A_161 = tpu.memref_slice %arg6[%run_scoped3A_133, %run_scoped3A_134, %dma_start3A_160] : memref<2x2x125xi32, #tpu.memory_space<vmem>> -> memref<1x1x125xi32, #tpu.memory_space<vmem>>
        %dma_start3A_162 = tpu.memref_squeeze %dma_start3A_161 : memref<1x1x125xi32, #tpu.memory_space<vmem>> -> memref<125xi32, #tpu.memory_space<vmem>>
        %dma_start3A_163 = arith.constant 0 : i32
        %dma_start3A_164 = arith.constant 0 : i32
        %dma_start3A_165 = tpu.memref_slice %arg9[%dma_start3A_163, %dma_start3A_164] : memref<10240x128xf32, #tpu.memory_space<vmem_shared>> -> memref<10240x128xf32, #tpu.memory_space<vmem_shared>>
        tpu.enqueue_indirect_dma source(%arg7 : memref<125x128xf32, #tpu.memory_space<vmem>>) target(%dma_start3A_165 : memref<10240x128xf32, #tpu.memory_space<vmem_shared>>) offsets(%dma_start3A_162 : memref<125xi32, #tpu.memory_space<vmem>>) semaphore(%run_scoped3A_159 : memref<!tpu.dma_semaphore, #tpu.memory_space<semaphore_mem>>) {add = true}
        %dma_wait3A_166 = arith.constant 0 : i32
        %dma_wait3A_167 = tpu.memref_slice %arg6[%run_scoped3A_133, %run_scoped3A_134, %dma_wait3A_166] : memref<2x2x125xi32, #tpu.memory_space<vmem>> -> memref<1x1x125xi32, #tpu.memory_space<vmem>>
        %dma_wait3A_168 = tpu.memref_squeeze %dma_wait3A_167 : memref<1x1x125xi32, #tpu.memory_space<vmem>> -> memref<125xi32, #tpu.memory_space<vmem>>
        %dma_wait3A_169 = arith.constant 0 : i32
        %dma_wait3A_170 = arith.constant 0 : i32
        %dma_wait3A_171 = tpu.memref_slice %arg9[%dma_wait3A_169, %dma_wait3A_170] : memref<10240x128xf32, #tpu.memory_space<vmem_shared>> -> memref<10240x128xf32, #tpu.memory_space<vmem_shared>>
        tpu.wait_indirect_dma semaphore(%run_scoped3A_159 : memref<!tpu.dma_semaphore, #tpu.memory_space<semaphore_mem>>) src(%arg7 : memref<125x128xf32, #tpu.memory_space<vmem>>) dst(%dma_wait3A_171 : memref<10240x128xf32, #tpu.memory_space<vmem_shared>>)
        tpu.yield
      }) : () -> ()
      %add3A_135 = arith.constant 4 : i32
      %add3A_136 = arith.addi %add3A_44, %add3A_135 : i32
      %lt3A_137 = arith.constant 80 : i32
      %lt3A_138 = arith.cmpi slt, %add3A_136, %lt3A_137 : i32
      %convert_element_type3A_139 = arith.extui %lt3A_138 : i1 to i32
      %cond3A_140 = arith.constant 0 : i32
      %cond3A_141 = arith.cmpi ne, %convert_element_type3A_139, %cond3A_140 : i32
      scf.if %cond3A_141 {
        %mul3A_159 = arith.constant 2 : i32
        %mul3A_160 = arith.muli %mul3A_159, %select_n3A : i32
        %add3A_161 = arith.constant 2 : i32
        %add3A_162 = arith.addi %mul3A_160, %add3A_161 : i32
        %dma_wait3A_163 = arith.constant 0 : i32
        %dma_wait3A_164 = arith.constant 0 : i32
        %dma_wait3A_165 = arith.constant 0 : i32
        %dma_wait3A_166 = tpu.memref_slice %arg2[%add3A, %add3A_162, %dma_wait3A_163, %dma_wait3A_164, %dma_wait3A_165] : memref<32x40x2x2x125xi32, #tpu.memory_space<hbm>> -> memref<1x1x2x2x125xi32, #tpu.memory_space<hbm>>
        %dma_wait3A_167 = tpu.memref_squeeze %dma_wait3A_166 : memref<1x1x2x2x125xi32, #tpu.memory_space<hbm>> -> memref<2x2x125xi32, #tpu.memory_space<hbm>>
        %dma_wait3A_168 = arith.constant 0 : i32
        %dma_wait3A_169 = arith.constant 0 : i32
        %dma_wait3A_170 = arith.constant 0 : i32
        %dma_wait3A_171 = tpu.memref_slice %arg2[%add3A, %add3A_162, %dma_wait3A_168, %dma_wait3A_169, %dma_wait3A_170] : memref<32x40x2x2x125xi32, #tpu.memory_space<hbm>> -> memref<1x1x2x2x125xi32, #tpu.memory_space<hbm>>
        %dma_wait3A_172 = tpu.memref_squeeze %dma_wait3A_171 : memref<1x1x2x2x125xi32, #tpu.memory_space<hbm>> -> memref<2x2x125xi32, #tpu.memory_space<hbm>>
        tpu.wait_dma2 semaphore(%arg10 : memref<!tpu.dma_semaphore, #tpu.memory_space<semaphore_mem>>) src(%dma_wait3A_172 : memref<2x2x125xi32, #tpu.memory_space<hbm>>) dst(%arg5 : memref<2x2x125xi32, #tpu.memory_space<vmem>>)
        %dma_start3A_173 = arith.constant 0 : i32
        %dma_start3A_174 = arith.constant 0 : i32
        %dma_start3A_175 = arith.constant 0 : i32
        %dma_start3A_176 = tpu.memref_slice %arg5[%dma_start3A_173, %dma_start3A_174, %dma_start3A_175] : memref<2x2x125xi32, #tpu.memory_space<vmem>> -> memref<1x1x125xi32, #tpu.memory_space<vmem>>
        %dma_start3A_177 = tpu.memref_squeeze %dma_start3A_176 : memref<1x1x125xi32, #tpu.memory_space<vmem>> -> memref<125xi32, #tpu.memory_space<vmem>>
        %dma_start3A_178 = arith.constant 0 : i32
        %dma_start3A_179 = arith.constant 0 : i32
        %dma_start3A_180 = tpu.memref_slice %arg3[%dma_start3A_178, %dma_start3A_179] : memref<10000x128xf32, #tpu.memory_space<hbm>> -> memref<10000x128xf32, #tpu.memory_space<hbm>>
        tpu.enqueue_indirect_dma source(%dma_start3A_180 : memref<10000x128xf32, #tpu.memory_space<hbm>>) target(%arg7 : memref<125x128xf32, #tpu.memory_space<vmem>>) offsets(%dma_start3A_177 : memref<125xi32, #tpu.memory_space<vmem>>) semaphore(%arg12 : memref<!tpu.dma_semaphore, #tpu.memory_space<semaphore_mem>>)
      } else {
      }
      %dma_wait3A_142 = arith.constant 1 : i32
      %dma_wait3A_143 = arith.constant 0 : i32
      %dma_wait3A_144 = arith.constant 0 : i32
      %dma_wait3A_145 = tpu.memref_slice %arg6[%dma_wait3A_142, %dma_wait3A_143, %dma_wait3A_144] : memref<2x2x125xi32, #tpu.memory_space<vmem>> -> memref<1x1x125xi32, #tpu.memory_space<vmem>>
      %dma_wait3A_146 = tpu.memref_squeeze %dma_wait3A_145 : memref<1x1x125xi32, #tpu.memory_space<vmem>> -> memref<125xi32, #tpu.memory_space<vmem>>
      %dma_wait3A_147 = arith.constant 0 : i32
      %dma_wait3A_148 = arith.constant 0 : i32
      %dma_wait3A_149 = tpu.memref_slice %arg3[%dma_wait3A_147, %dma_wait3A_148] : memref<10000x128xf32, #tpu.memory_space<hbm>> -> memref<10000x128xf32, #tpu.memory_space<hbm>>
      tpu.wait_indirect_dma semaphore(%arg13 : memref<!tpu.dma_semaphore, #tpu.memory_space<semaphore_mem>>) src(%dma_wait3A_149 : memref<10000x128xf32, #tpu.memory_space<hbm>>) dst(%arg8 : memref<125x128xf32, #tpu.memory_space<vmem>>)
      %run_scoped3A_150 = arith.constant 1 : i32
      %run_scoped3A_151 = arith.constant 1 : i32
      "tpu.region"() ({
        %run_scoped3A_159 = tpu.sem_alloc : memref<!tpu.dma_semaphore, #tpu.memory_space<semaphore_mem>>
        %dma_start3A_160 = arith.constant 0 : i32
        %dma_start3A_161 = tpu.memref_slice %arg6[%run_scoped3A_150, %run_scoped3A_151, %dma_start3A_160] : memref<2x2x125xi32, #tpu.memory_space<vmem>> -> memref<1x1x125xi32, #tpu.memory_space<vmem>>
        %dma_start3A_162 = tpu.memref_squeeze %dma_start3A_161 : memref<1x1x125xi32, #tpu.memory_space<vmem>> -> memref<125xi32, #tpu.memory_space<vmem>>
        %dma_start3A_163 = arith.constant 0 : i32
        %dma_start3A_164 = arith.constant 0 : i32
        %dma_start3A_165 = tpu.memref_slice %arg9[%dma_start3A_163, %dma_start3A_164] : memref<10240x128xf32, #tpu.memory_space<vmem_shared>> -> memref<10240x128xf32, #tpu.memory_space<vmem_shared>>
        tpu.enqueue_indirect_dma source(%arg8 : memref<125x128xf32, #tpu.memory_space<vmem>>) target(%dma_start3A_165 : memref<10240x128xf32, #tpu.memory_space<vmem_shared>>) offsets(%dma_start3A_162 : memref<125xi32, #tpu.memory_space<vmem>>) semaphore(%run_scoped3A_159 : memref<!tpu.dma_semaphore, #tpu.memory_space<semaphore_mem>>) {add = true}
        %dma_wait3A_166 = arith.constant 0 : i32
        %dma_wait3A_167 = tpu.memref_slice %arg6[%run_scoped3A_150, %run_scoped3A_151, %dma_wait3A_166] : memref<2x2x125xi32, #tpu.memory_space<vmem>> -> memref<1x1x125xi32, #tpu.memory_space<vmem>>
        %dma_wait3A_168 = tpu.memref_squeeze %dma_wait3A_167 : memref<1x1x125xi32, #tpu.memory_space<vmem>> -> memref<125xi32, #tpu.memory_space<vmem>>
        %dma_wait3A_169 = arith.constant 0 : i32
        %dma_wait3A_170 = arith.constant 0 : i32
        %dma_wait3A_171 = tpu.memref_slice %arg9[%dma_wait3A_169, %dma_wait3A_170] : memref<10240x128xf32, #tpu.memory_space<vmem_shared>> -> memref<10240x128xf32, #tpu.memory_space<vmem_shared>>
        tpu.wait_indirect_dma semaphore(%run_scoped3A_159 : memref<!tpu.dma_semaphore, #tpu.memory_space<semaphore_mem>>) src(%arg8 : memref<125x128xf32, #tpu.memory_space<vmem>>) dst(%dma_wait3A_171 : memref<10240x128xf32, #tpu.memory_space<vmem_shared>>)
        tpu.yield
      }) : () -> ()
      %add3A_152 = arith.constant 6 : i32
      %add3A_153 = arith.addi %add3A_44, %add3A_152 : i32
      %lt3A_154 = arith.constant 80 : i32
      %lt3A_155 = arith.cmpi slt, %add3A_153, %lt3A_154 : i32
      %convert_element_type3A_156 = arith.extui %lt3A_155 : i1 to i32
      %cond3A_157 = arith.constant 0 : i32
      %cond3A_158 = arith.cmpi ne, %convert_element_type3A_156, %cond3A_157 : i32
      scf.if %cond3A_158 {
        %mul3A_159 = arith.constant 2 : i32
        %mul3A_160 = arith.muli %mul3A_159, %select_n3A : i32
        %add3A_161 = arith.constant 3 : i32
        %add3A_162 = arith.addi %mul3A_160, %add3A_161 : i32
        %dma_start3A_163 = arith.constant 0 : i32
        %dma_start3A_164 = arith.constant 0 : i32
        %dma_start3A_165 = arith.constant 0 : i32
        %dma_start3A_166 = tpu.memref_slice %arg2[%add3A, %add3A_162, %dma_start3A_163, %dma_start3A_164, %dma_start3A_165] : memref<32x40x2x2x125xi32, #tpu.memory_space<hbm>> -> memref<1x1x2x2x125xi32, #tpu.memory_space<hbm>>
        %dma_start3A_167 = tpu.memref_squeeze %dma_start3A_166 : memref<1x1x2x2x125xi32, #tpu.memory_space<hbm>> -> memref<2x2x125xi32, #tpu.memory_space<hbm>>
        %dma_start3A_168 = arith.constant 0 : i32
        %dma_start3A_169 = arith.constant 0 : i32
        %dma_start3A_170 = arith.constant 0 : i32
        %dma_start3A_171 = tpu.memref_slice %arg2[%add3A, %add3A_162, %dma_start3A_168, %dma_start3A_169, %dma_start3A_170] : memref<32x40x2x2x125xi32, #tpu.memory_space<hbm>> -> memref<1x1x2x2x125xi32, #tpu.memory_space<hbm>>
        %dma_start3A_172 = tpu.memref_squeeze %dma_start3A_171 : memref<1x1x2x2x125xi32, #tpu.memory_space<hbm>> -> memref<2x2x125xi32, #tpu.memory_space<hbm>>
        tpu.enqueue_dma source(%dma_start3A_172 : memref<2x2x125xi32, #tpu.memory_space<hbm>>) target(%arg6 : memref<2x2x125xi32, #tpu.memory_space<vmem>>) target_semaphore(%arg11 : memref<!tpu.dma_semaphore, #tpu.memory_space<semaphore_mem>>)
      } else {
      }
    }
    %scan3A_38 = arith.constant 20 : i32
    %barrier3A_39 = arith.constant 0 : index
    tpu.barrier barrier_id(%barrier3A_39)
    "tpu.region"() ({
      %run_scoped3A_40 = tpu.sem_alloc : memref<!tpu.dma_semaphore, #tpu.memory_space<semaphore_mem>>
      %dma_start3A_41 = arith.constant 0 : i32
      %dma_start3A_42 = tpu.memref_slice %arg4[%arg0, %mul3A_2, %dma_start3A_41] : memref<2x10240x128xf32, #tpu.memory_space<hbm>> -> memref<1x640x128xf32, #tpu.memory_space<hbm>>
      %dma_start3A_43 = tpu.memref_squeeze %dma_start3A_42 : memref<1x640x128xf32, #tpu.memory_space<hbm>> -> memref<640x128xf32, #tpu.memory_space<hbm>>
      %dma_start3A_44 = arith.constant 0 : i32
      %dma_start3A_45 = tpu.memref_slice %arg9[%mul3A_2, %dma_start3A_44] : memref<10240x128xf32, #tpu.memory_space<vmem_shared>> -> memref<640x128xf32, #tpu.memory_space<vmem_shared>>
      tpu.enqueue_dma source(%dma_start3A_45 : memref<640x128xf32, #tpu.memory_space<vmem_shared>>) target(%dma_start3A_43 : memref<640x128xf32, #tpu.memory_space<hbm>>) target_semaphore(%run_scoped3A_40 : memref<!tpu.dma_semaphore, #tpu.memory_space<semaphore_mem>>)
      %dma_wait3A = arith.constant 0 : i32
      %dma_wait3A_46 = tpu.memref_slice %arg4[%arg0, %mul3A_2, %dma_wait3A] : memref<2x10240x128xf32, #tpu.memory_space<hbm>> -> memref<1x640x128xf32, #tpu.memory_space<hbm>>
      %dma_wait3A_47 = tpu.memref_squeeze %dma_wait3A_46 : memref<1x640x128xf32, #tpu.memory_space<hbm>> -> memref<640x128xf32, #tpu.memory_space<hbm>>
      %dma_wait3A_48 = arith.constant 0 : i32
      %dma_wait3A_49 = tpu.memref_slice %arg9[%mul3A_2, %dma_wait3A_48] : memref<10240x128xf32, #tpu.memory_space<vmem_shared>> -> memref<640x128xf32, #tpu.memory_space<vmem_shared>>
      tpu.wait_dma2 semaphore(%run_scoped3A_40 : memref<!tpu.dma_semaphore, #tpu.memory_space<semaphore_mem>>) src(%dma_wait3A_49 : memref<640x128xf32, #tpu.memory_space<vmem_shared>>) dst(%dma_wait3A_47 : memref<640x128xf32, #tpu.memory_space<hbm>>)
      tpu.yield
    }) : () -> ()
    return
  }
}

#map = affine_map<(d0, d1) -> (0, 0, 0)>
#map1 = affine_map<(d0, d1) -> (0)>
#map2 = affine_map<(d0, d1) -> (0, 0)>
module attributes {stable_mosaic.version = 14 : i64} {
  func.func @_deg_body(%arg0: i32, %arg1: i32, %arg2: memref<32x80x125xi32, #tpu.memory_space<hbm>>, %arg3: memref<125xf32, #tpu.memory_space<hbm>>, %arg4: memref<10240xf32, #tpu.memory_space<hbm>>, %arg5: memref<2x10240xf32, #tpu.memory_space<hbm>>, %arg6: memref<80x125xi32, #tpu.memory_space<vmem>>, %arg7: memref<125xf32, #tpu.memory_space<vmem>>, %arg8: memref<10240xf32, #tpu.memory_space<vmem_shared>>) attributes {dimension_semantics = [#tpu.dimension_semantics<core_parallel>, #tpu.dimension_semantics<subcore_parallel>], iteration_bounds = array<i64: 2, 16>, scalar_prefetch = 0 : i64, scratch_operands = 3 : i64, tpu.core_type = #tpu.core_type<sc_vector_subcore>, window_params = [{transform_indices = #map}, {transform_indices = #map1}, {transform_indices = #map1}, {transform_indices = #map2}]} {
    %mul3A = arith.constant 2 : i32
    %mul3A_0 = arith.muli %arg1, %mul3A : i32
    %add3A = arith.addi %mul3A_0, %arg0 : i32
    "tpu.region"() ({
      %run_scoped3A = tpu.sem_alloc : memref<!tpu.dma_semaphore, #tpu.memory_space<semaphore_mem>>
      %dma_start3A = arith.constant 0 : i32
      %dma_start3A_8 = arith.constant 0 : i32
      %dma_start3A_9 = tpu.memref_slice %arg2[%add3A, %dma_start3A, %dma_start3A_8] : memref<32x80x125xi32, #tpu.memory_space<hbm>> -> memref<1x80x125xi32, #tpu.memory_space<hbm>>
      %dma_start3A_10 = tpu.memref_squeeze %dma_start3A_9 : memref<1x80x125xi32, #tpu.memory_space<hbm>> -> memref<80x125xi32, #tpu.memory_space<hbm>>
      %dma_start3A_11 = arith.constant 0 : i32
      %dma_start3A_12 = arith.constant 0 : i32
      %dma_start3A_13 = tpu.memref_slice %arg2[%add3A, %dma_start3A_11, %dma_start3A_12] : memref<32x80x125xi32, #tpu.memory_space<hbm>> -> memref<1x80x125xi32, #tpu.memory_space<hbm>>
      %dma_start3A_14 = tpu.memref_squeeze %dma_start3A_13 : memref<1x80x125xi32, #tpu.memory_space<hbm>> -> memref<80x125xi32, #tpu.memory_space<hbm>>
      tpu.enqueue_dma source(%dma_start3A_14 : memref<80x125xi32, #tpu.memory_space<hbm>>) target(%arg6 : memref<80x125xi32, #tpu.memory_space<vmem>>) target_semaphore(%run_scoped3A : memref<!tpu.dma_semaphore, #tpu.memory_space<semaphore_mem>>)
      %dma_wait3A = arith.constant 0 : i32
      %dma_wait3A_15 = arith.constant 0 : i32
      %dma_wait3A_16 = tpu.memref_slice %arg2[%add3A, %dma_wait3A, %dma_wait3A_15] : memref<32x80x125xi32, #tpu.memory_space<hbm>> -> memref<1x80x125xi32, #tpu.memory_space<hbm>>
      %dma_wait3A_17 = tpu.memref_squeeze %dma_wait3A_16 : memref<1x80x125xi32, #tpu.memory_space<hbm>> -> memref<80x125xi32, #tpu.memory_space<hbm>>
      %dma_wait3A_18 = arith.constant 0 : i32
      %dma_wait3A_19 = arith.constant 0 : i32
      %dma_wait3A_20 = tpu.memref_slice %arg2[%add3A, %dma_wait3A_18, %dma_wait3A_19] : memref<32x80x125xi32, #tpu.memory_space<hbm>> -> memref<1x80x125xi32, #tpu.memory_space<hbm>>
      %dma_wait3A_21 = tpu.memref_squeeze %dma_wait3A_20 : memref<1x80x125xi32, #tpu.memory_space<hbm>> -> memref<80x125xi32, #tpu.memory_space<hbm>>
      tpu.wait_dma2 semaphore(%run_scoped3A : memref<!tpu.dma_semaphore, #tpu.memory_space<semaphore_mem>>) src(%dma_wait3A_21 : memref<80x125xi32, #tpu.memory_space<hbm>>) dst(%arg6 : memref<80x125xi32, #tpu.memory_space<vmem>>)
      tpu.yield
    }) : () -> ()
    "tpu.region"() ({
      %run_scoped3A = tpu.sem_alloc : memref<!tpu.dma_semaphore, #tpu.memory_space<semaphore_mem>>
      tpu.enqueue_dma source(%arg3 : memref<125xf32, #tpu.memory_space<hbm>>) target(%arg7 : memref<125xf32, #tpu.memory_space<vmem>>) target_semaphore(%run_scoped3A : memref<!tpu.dma_semaphore, #tpu.memory_space<semaphore_mem>>)
      tpu.wait_dma2 semaphore(%run_scoped3A : memref<!tpu.dma_semaphore, #tpu.memory_space<semaphore_mem>>) src(%arg3 : memref<125xf32, #tpu.memory_space<hbm>>) dst(%arg7 : memref<125xf32, #tpu.memory_space<vmem>>)
      tpu.yield
    }) : () -> ()
    %mul3A_1 = arith.constant 640 : i32
    %mul3A_2 = arith.muli %arg1, %mul3A_1 : i32
    "tpu.region"() ({
      %run_scoped3A = tpu.sem_alloc : memref<!tpu.dma_semaphore, #tpu.memory_space<semaphore_mem>>
      %dma_start3A = tpu.memref_slice %arg8[%mul3A_2] : memref<10240xf32, #tpu.memory_space<vmem_shared>> -> memref<640xf32, #tpu.memory_space<vmem_shared>>
      %dma_start3A_8 = tpu.memref_slice %arg4[%mul3A_2] : memref<10240xf32, #tpu.memory_space<hbm>> -> memref<640xf32, #tpu.memory_space<hbm>>
      tpu.enqueue_dma source(%dma_start3A_8 : memref<640xf32, #tpu.memory_space<hbm>>) target(%dma_start3A : memref<640xf32, #tpu.memory_space<vmem_shared>>) target_semaphore(%run_scoped3A : memref<!tpu.dma_semaphore, #tpu.memory_space<semaphore_mem>>)
      %dma_wait3A = tpu.memref_slice %arg8[%mul3A_2] : memref<10240xf32, #tpu.memory_space<vmem_shared>> -> memref<640xf32, #tpu.memory_space<vmem_shared>>
      %dma_wait3A_9 = tpu.memref_slice %arg4[%mul3A_2] : memref<10240xf32, #tpu.memory_space<hbm>> -> memref<640xf32, #tpu.memory_space<hbm>>
      tpu.wait_dma2 semaphore(%run_scoped3A : memref<!tpu.dma_semaphore, #tpu.memory_space<semaphore_mem>>) src(%dma_wait3A_9 : memref<640xf32, #tpu.memory_space<hbm>>) dst(%dma_wait3A : memref<640xf32, #tpu.memory_space<vmem_shared>>)
      tpu.yield
    }) : () -> ()
    %barrier3A = arith.constant 0 : index
    tpu.barrier barrier_id(%barrier3A)
    %scan3A = arith.constant 0 : i32
    %scan3A_3 = arith.constant 80 : i32
    %scan3A_4 = arith.addi %scan3A, %scan3A_3 : i32
    %scan3A_5 = arith.constant 1 : i32
    scf.for %scan3A_8 = %scan3A to %scan3A_4 step %scan3A_5  : i32 {
      %mul3A_9 = arith.constant 1 : i32
      %mul3A_10 = arith.muli %scan3A_8, %mul3A_9 : i32
      %add3A_11 = arith.constant 0 : i32
      %add3A_12 = arith.addi %add3A_11, %mul3A_10 : i32
      "tpu.region"() ({
        %run_scoped3A = tpu.sem_alloc : memref<!tpu.dma_semaphore, #tpu.memory_space<semaphore_mem>>
        %dma_start3A = arith.constant 0 : i32
        %dma_start3A_13 = tpu.memref_slice %arg6[%add3A_12, %dma_start3A] : memref<80x125xi32, #tpu.memory_space<vmem>> -> memref<1x125xi32, #tpu.memory_space<vmem>>
        %dma_start3A_14 = tpu.memref_squeeze %dma_start3A_13 : memref<1x125xi32, #tpu.memory_space<vmem>> -> memref<125xi32, #tpu.memory_space<vmem>>
        %dma_start3A_15 = arith.constant 0 : i32
        %dma_start3A_16 = tpu.memref_slice %arg8[%dma_start3A_15] : memref<10240xf32, #tpu.memory_space<vmem_shared>> -> memref<10240xf32, #tpu.memory_space<vmem_shared>>
        tpu.enqueue_indirect_dma source(%arg7 : memref<125xf32, #tpu.memory_space<vmem>>) target(%dma_start3A_16 : memref<10240xf32, #tpu.memory_space<vmem_shared>>) offsets(%dma_start3A_14 : memref<125xi32, #tpu.memory_space<vmem>>) semaphore(%run_scoped3A : memref<!tpu.dma_semaphore, #tpu.memory_space<semaphore_mem>>) {add = true}
        %dma_wait3A = arith.constant 0 : i32
        %dma_wait3A_17 = tpu.memref_slice %arg6[%add3A_12, %dma_wait3A] : memref<80x125xi32, #tpu.memory_space<vmem>> -> memref<1x125xi32, #tpu.memory_space<vmem>>
        %dma_wait3A_18 = tpu.memref_squeeze %dma_wait3A_17 : memref<1x125xi32, #tpu.memory_space<vmem>> -> memref<125xi32, #tpu.memory_space<vmem>>
        %dma_wait3A_19 = arith.constant 0 : i32
        %dma_wait3A_20 = tpu.memref_slice %arg8[%dma_wait3A_19] : memref<10240xf32, #tpu.memory_space<vmem_shared>> -> memref<10240xf32, #tpu.memory_space<vmem_shared>>
        tpu.wait_indirect_dma semaphore(%run_scoped3A : memref<!tpu.dma_semaphore, #tpu.memory_space<semaphore_mem>>) src(%arg7 : memref<125xf32, #tpu.memory_space<vmem>>) dst(%dma_wait3A_20 : memref<10240xf32, #tpu.memory_space<vmem_shared>>)
        tpu.yield
      }) : () -> ()
    }
    %scan3A_6 = arith.constant 80 : i32
    %barrier3A_7 = arith.constant 0 : index
    tpu.barrier barrier_id(%barrier3A_7)
    "tpu.region"() ({
      %run_scoped3A = tpu.sem_alloc : memref<!tpu.dma_semaphore, #tpu.memory_space<semaphore_mem>>
      %dma_start3A = tpu.memref_slice %arg5[%arg0, %mul3A_2] : memref<2x10240xf32, #tpu.memory_space<hbm>> -> memref<1x640xf32, #tpu.memory_space<hbm>>
      %dma_start3A_8 = tpu.memref_squeeze %dma_start3A : memref<1x640xf32, #tpu.memory_space<hbm>> -> memref<640xf32, #tpu.memory_space<hbm>>
      %dma_start3A_9 = tpu.memref_slice %arg8[%mul3A_2] : memref<10240xf32, #tpu.memory_space<vmem_shared>> -> memref<640xf32, #tpu.memory_space<vmem_shared>>
      tpu.enqueue_dma source(%dma_start3A_9 : memref<640xf32, #tpu.memory_space<vmem_shared>>) target(%dma_start3A_8 : memref<640xf32, #tpu.memory_space<hbm>>) target_semaphore(%run_scoped3A : memref<!tpu.dma_semaphore, #tpu.memory_space<semaphore_mem>>)
      %dma_wait3A = tpu.memref_slice %arg5[%arg0, %mul3A_2] : memref<2x10240xf32, #tpu.memory_space<hbm>> -> memref<1x640xf32, #tpu.memory_space<hbm>>
      %dma_wait3A_10 = tpu.memref_squeeze %dma_wait3A : memref<1x640xf32, #tpu.memory_space<hbm>> -> memref<640xf32, #tpu.memory_space<hbm>>
      %dma_wait3A_11 = tpu.memref_slice %arg8[%mul3A_2] : memref<10240xf32, #tpu.memory_space<vmem_shared>> -> memref<640xf32, #tpu.memory_space<vmem_shared>>
      tpu.wait_dma2 semaphore(%run_scoped3A : memref<!tpu.dma_semaphore, #tpu.memory_space<semaphore_mem>>) src(%dma_wait3A_11 : memref<640xf32, #tpu.memory_space<vmem_shared>>) dst(%dma_wait3A_10 : memref<640xf32, #tpu.memory_space<hbm>>)
      tpu.yield
    }) : () -> ()
    return
  }
}

#map = affine_map<(d0, d1) -> (0, 0, 0, 0, 0)>
#map1 = affine_map<(d0, d1) -> (0, 0)>
#map2 = affine_map<(d0, d1) -> (0, 0, 0)>
module attributes {stable_mosaic.version = 14 : i64} {
  func.func @_agg_body(%arg0: i32, %arg1: i32, %arg2: memref<32x40x2x2x125xi32, #tpu.memory_space<hbm>>, %arg3: memref<10000x128xf32, #tpu.memory_space<hbm>>, %arg4: memref<2x10240x128xf32, #tpu.memory_space<hbm>>, %arg5: memref<2x2x125xi32, #tpu.memory_space<vmem>>, %arg6: memref<2x2x125xi32, #tpu.memory_space<vmem>>, %arg7: memref<125x128xf32, #tpu.memory_space<vmem>>, %arg8: memref<125x128xf32, #tpu.memory_space<vmem>>, %arg9: memref<10240x128xf32, #tpu.memory_space<vmem_shared>>, %arg10: memref<!tpu.dma_semaphore, #tpu.memory_space<semaphore_mem>>, %arg11: memref<!tpu.dma_semaphore, #tpu.memory_space<semaphore_mem>>, %arg12: memref<!tpu.dma_semaphore, #tpu.memory_space<semaphore_mem>>, %arg13: memref<!tpu.dma_semaphore, #tpu.memory_space<semaphore_mem>>) attributes {dimension_semantics = [#tpu.dimension_semantics<core_parallel>, #tpu.dimension_semantics<subcore_parallel>], iteration_bounds = array<i64: 2, 16>, scalar_prefetch = 0 : i64, scratch_operands = 9 : i64, tpu.core_type = #tpu.core_type<sc_vector_subcore>, window_params = [{transform_indices = #map}, {transform_indices = #map1}, {transform_indices = #map2}]} {
    %mul3A = arith.constant 2 : i32
    %mul3A_0 = arith.muli %arg1, %mul3A : i32
    %add3A = arith.addi %mul3A_0, %arg0 : i32
    %mul3A_1 = arith.constant 640 : i32
    %mul3A_2 = arith.muli %arg1, %mul3A_1 : i32
    %broadcast_in_dim3A = arith.constant 0.000000e+00 : f32
    %broadcast_in_dim3A_3 = vector.broadcast %broadcast_in_dim3A : f32 to vector<16xf32>
    %scan3A = arith.constant 0 : i32
    %scan3A_4 = arith.constant 125 : i32
    %scan3A_5 = arith.addi %scan3A, %scan3A_4 : i32
    %scan3A_6 = arith.constant 1 : i32
    scf.for %scan3A_40 = %scan3A to %scan3A_5 step %scan3A_6  : i32 {
      %mul3A_41 = arith.constant 1 : i32
      %mul3A_42 = arith.muli %scan3A_40, %mul3A_41 : i32
      %add3A_43 = arith.constant 0 : i32
      %add3A_44 = arith.addi %add3A_43, %mul3A_42 : i32
      %swap3A = arith.index_cast %add3A_44 : i32 to index
      %swap3A_45 = arith.constant 0 : index
      %swap3A_46 = tpu.vector_load %arg7[%swap3A, %swap3A_45] {strides = array<i32>} : memref<125x128xf32, #tpu.memory_space<vmem>>, vector<1x16xf32>,
      %swap3A_47 = vector.shape_cast %swap3A_46 : vector<1x16xf32> to vector<16xf32>
      %swap3A_48 = vector.shape_cast %broadcast_in_dim3A_3 : vector<16xf32> to vector<1x16xf32>
      tpu.vector_store %arg7[%swap3A, %swap3A_45], %swap3A_48 {strides = array<i32>} : memref<125x128xf32, #tpu.memory_space<vmem>>, vector<1x16xf32>,
      %swap3A_49 = arith.index_cast %add3A_44 : i32 to index
      %swap3A_50 = arith.constant 0 : index
      %swap3A_51 = tpu.vector_load %arg8[%swap3A_49, %swap3A_50] {strides = array<i32>} : memref<125x128xf32, #tpu.memory_space<vmem>>, vector<1x16xf32>,
      %swap3A_52 = vector.shape_cast %swap3A_51 : vector<1x16xf32> to vector<16xf32>
      %swap3A_53 = vector.shape_cast %broadcast_in_dim3A_3 : vector<16xf32> to vector<1x16xf32>
      tpu.vector_store %arg8[%swap3A_49, %swap3A_50], %swap3A_53 {strides = array<i32>} : memref<125x128xf32, #tpu.memory_space<vmem>>, vector<1x16xf32>,
      %swap3A_54 = arith.index_cast %add3A_44 : i32 to index
      %swap3A_55 = arith.constant 16 : index
      %swap3A_56 = tpu.vector_load %arg7[%swap3A_54, %swap3A_55] {strides = array<i32>} : memref<125x128xf32, #tpu.memory_space<vmem>>, vector<1x16xf32>,
      %swap3A_57 = vector.shape_cast %swap3A_56 : vector<1x16xf32> to vector<16xf32>
      %swap3A_58 = vector.shape_cast %broadcast_in_dim3A_3 : vector<16xf32> to vector<1x16xf32>
      tpu.vector_store %arg7[%swap3A_54, %swap3A_55], %swap3A_58 {strides = array<i32>} : memref<125x128xf32, #tpu.memory_space<vmem>>, vector<1x16xf32>,
      %swap3A_59 = arith.index_cast %add3A_44 : i32 to index
      %swap3A_60 = arith.constant 16 : index
      %swap3A_61 = tpu.vector_load %arg8[%swap3A_59, %swap3A_60] {strides = array<i32>} : memref<125x128xf32, #tpu.memory_space<vmem>>, vector<1x16xf32>,
      %swap3A_62 = vector.shape_cast %swap3A_61 : vector<1x16xf32> to vector<16xf32>
      %swap3A_63 = vector.shape_cast %broadcast_in_dim3A_3 : vector<16xf32> to vector<1x16xf32>
      tpu.vector_store %arg8[%swap3A_59, %swap3A_60], %swap3A_63 {strides = array<i32>} : memref<125x128xf32, #tpu.memory_space<vmem>>, vector<1x16xf32>,
      %swap3A_64 = arith.index_cast %add3A_44 : i32 to index
      %swap3A_65 = arith.constant 32 : index
      %swap3A_66 = tpu.vector_load %arg7[%swap3A_64, %swap3A_65] {strides = array<i32>} : memref<125x128xf32, #tpu.memory_space<vmem>>, vector<1x16xf32>,
      %swap3A_67 = vector.shape_cast %swap3A_66 : vector<1x16xf32> to vector<16xf32>
      %swap3A_68 = vector.shape_cast %broadcast_in_dim3A_3 : vector<16xf32> to vector<1x16xf32>
      tpu.vector_store %arg7[%swap3A_64, %swap3A_65], %swap3A_68 {strides = array<i32>} : memref<125x128xf32, #tpu.memory_space<vmem>>, vector<1x16xf32>,
      %swap3A_69 = arith.index_cast %add3A_44 : i32 to index
      %swap3A_70 = arith.constant 32 : index
      %swap3A_71 = tpu.vector_load %arg8[%swap3A_69, %swap3A_70] {strides = array<i32>} : memref<125x128xf32, #tpu.memory_space<vmem>>, vector<1x16xf32>,
      %swap3A_72 = vector.shape_cast %swap3A_71 : vector<1x16xf32> to vector<16xf32>
      %swap3A_73 = vector.shape_cast %broadcast_in_dim3A_3 : vector<16xf32> to vector<1x16xf32>
      tpu.vector_store %arg8[%swap3A_69, %swap3A_70], %swap3A_73 {strides = array<i32>} : memref<125x128xf32, #tpu.memory_space<vmem>>, vector<1x16xf32>,
      %swap3A_74 = arith.index_cast %add3A_44 : i32 to index
      %swap3A_75 = arith.constant 48 : index
      %swap3A_76 = tpu.vector_load %arg7[%swap3A_74, %swap3A_75] {strides = array<i32>} : memref<125x128xf32, #tpu.memory_space<vmem>>, vector<1x16xf32>,
      %swap3A_77 = vector.shape_cast %swap3A_76 : vector<1x16xf32> to vector<16xf32>
      %swap3A_78 = vector.shape_cast %broadcast_in_dim3A_3 : vector<16xf32> to vector<1x16xf32>
      tpu.vector_store %arg7[%swap3A_74, %swap3A_75], %swap3A_78 {strides = array<i32>} : memref<125x128xf32, #tpu.memory_space<vmem>>, vector<1x16xf32>,
      %swap3A_79 = arith.index_cast %add3A_44 : i32 to index
      %swap3A_80 = arith.constant 48 : index
      %swap3A_81 = tpu.vector_load %arg8[%swap3A_79, %swap3A_80] {strides = array<i32>} : memref<125x128xf32, #tpu.memory_space<vmem>>, vector<1x16xf32>,
      %swap3A_82 = vector.shape_cast %swap3A_81 : vector<1x16xf32> to vector<16xf32>
      %swap3A_83 = vector.shape_cast %broadcast_in_dim3A_3 : vector<16xf32> to vector<1x16xf32>
      tpu.vector_store %arg8[%swap3A_79, %swap3A_80], %swap3A_83 {strides = array<i32>} : memref<125x128xf32, #tpu.memory_space<vmem>>, vector<1x16xf32>,
      %swap3A_84 = arith.index_cast %add3A_44 : i32 to index
      %swap3A_85 = arith.constant 64 : index
      %swap3A_86 = tpu.vector_load %arg7[%swap3A_84, %swap3A_85] {strides = array<i32>} : memref<125x128xf32, #tpu.memory_space<vmem>>, vector<1x16xf32>,
      %swap3A_87 = vector.shape_cast %swap3A_86 : vector<1x16xf32> to vector<16xf32>
      %swap3A_88 = vector.shape_cast %broadcast_in_dim3A_3 : vector<16xf32> to vector<1x16xf32>
      tpu.vector_store %arg7[%swap3A_84, %swap3A_85], %swap3A_88 {strides = array<i32>} : memref<125x128xf32, #tpu.memory_space<vmem>>, vector<1x16xf32>,
      %swap3A_89 = arith.index_cast %add3A_44 : i32 to index
      %swap3A_90 = arith.constant 64 : index
      %swap3A_91 = tpu.vector_load %arg8[%swap3A_89, %swap3A_90] {strides = array<i32>} : memref<125x128xf32, #tpu.memory_space<vmem>>, vector<1x16xf32>,
      %swap3A_92 = vector.shape_cast %swap3A_91 : vector<1x16xf32> to vector<16xf32>
      %swap3A_93 = vector.shape_cast %broadcast_in_dim3A_3 : vector<16xf32> to vector<1x16xf32>
      tpu.vector_store %arg8[%swap3A_89, %swap3A_90], %swap3A_93 {strides = array<i32>} : memref<125x128xf32, #tpu.memory_space<vmem>>, vector<1x16xf32>,
      %swap3A_94 = arith.index_cast %add3A_44 : i32 to index
      %swap3A_95 = arith.constant 80 : index
      %swap3A_96 = tpu.vector_load %arg7[%swap3A_94, %swap3A_95] {strides = array<i32>} : memref<125x128xf32, #tpu.memory_space<vmem>>, vector<1x16xf32>,
      %swap3A_97 = vector.shape_cast %swap3A_96 : vector<1x16xf32> to vector<16xf32>
      %swap3A_98 = vector.shape_cast %broadcast_in_dim3A_3 : vector<16xf32> to vector<1x16xf32>
      tpu.vector_store %arg7[%swap3A_94, %swap3A_95], %swap3A_98 {strides = array<i32>} : memref<125x128xf32, #tpu.memory_space<vmem>>, vector<1x16xf32>,
      %swap3A_99 = arith.index_cast %add3A_44 : i32 to index
      %swap3A_100 = arith.constant 80 : index
      %swap3A_101 = tpu.vector_load %arg8[%swap3A_99, %swap3A_100] {strides = array<i32>} : memref<125x128xf32, #tpu.memory_space<vmem>>, vector<1x16xf32>,
      %swap3A_102 = vector.shape_cast %swap3A_101 : vector<1x16xf32> to vector<16xf32>
      %swap3A_103 = vector.shape_cast %broadcast_in_dim3A_3 : vector<16xf32> to vector<1x16xf32>
      tpu.vector_store %arg8[%swap3A_99, %swap3A_100], %swap3A_103 {strides = array<i32>} : memref<125x128xf32, #tpu.memory_space<vmem>>, vector<1x16xf32>,
      %swap3A_104 = arith.index_cast %add3A_44 : i32 to index
      %swap3A_105 = arith.constant 96 : index
      %swap3A_106 = tpu.vector_load %arg7[%swap3A_104, %swap3A_105] {strides = array<i32>} : memref<125x128xf32, #tpu.memory_space<vmem>>, vector<1x16xf32>,
      %swap3A_107 = vector.shape_cast %swap3A_106 : vector<1x16xf32> to vector<16xf32>
      %swap3A_108 = vector.shape_cast %broadcast_in_dim3A_3 : vector<16xf32> to vector<1x16xf32>
      tpu.vector_store %arg7[%swap3A_104, %swap3A_105], %swap3A_108 {strides = array<i32>} : memref<125x128xf32, #tpu.memory_space<vmem>>, vector<1x16xf32>,
      %swap3A_109 = arith.index_cast %add3A_44 : i32 to index
      %swap3A_110 = arith.constant 96 : index
      %swap3A_111 = tpu.vector_load %arg8[%swap3A_109, %swap3A_110] {strides = array<i32>} : memref<125x128xf32, #tpu.memory_space<vmem>>, vector<1x16xf32>,
      %swap3A_112 = vector.shape_cast %swap3A_111 : vector<1x16xf32> to vector<16xf32>
      %swap3A_113 = vector.shape_cast %broadcast_in_dim3A_3 : vector<16xf32> to vector<1x16xf32>
      tpu.vector_store %arg8[%swap3A_109, %swap3A_110], %swap3A_113 {strides = array<i32>} : memref<125x128xf32, #tpu.memory_space<vmem>>, vector<1x16xf32>,
      %swap3A_114 = arith.index_cast %add3A_44 : i32 to index
      %swap3A_115 = arith.constant 112 : index
      %swap3A_116 = tpu.vector_load %arg7[%swap3A_114, %swap3A_115] {strides = array<i32>} : memref<125x128xf32, #tpu.memory_space<vmem>>, vector<1x16xf32>,
      %swap3A_117 = vector.shape_cast %swap3A_116 : vector<1x16xf32> to vector<16xf32>
      %swap3A_118 = vector.shape_cast %broadcast_in_dim3A_3 : vector<16xf32> to vector<1x16xf32>
      tpu.vector_store %arg7[%swap3A_114, %swap3A_115], %swap3A_118 {strides = array<i32>} : memref<125x128xf32, #tpu.memory_space<vmem>>, vector<1x16xf32>,
      %swap3A_119 = arith.index_cast %add3A_44 : i32 to index
      %swap3A_120 = arith.constant 112 : index
      %swap3A_121 = tpu.vector_load %arg8[%swap3A_119, %swap3A_120] {strides = array<i32>} : memref<125x128xf32, #tpu.memory_space<vmem>>, vector<1x16xf32>,
      %swap3A_122 = vector.shape_cast %swap3A_121 : vector<1x16xf32> to vector<16xf32>
      %swap3A_123 = vector.shape_cast %broadcast_in_dim3A_3 : vector<16xf32> to vector<1x16xf32>
      tpu.vector_store %arg8[%swap3A_119, %swap3A_120], %swap3A_123 {strides = array<i32>} : memref<125x128xf32, #tpu.memory_space<vmem>>, vector<1x16xf32>,
    }
    %scan3A_7 = arith.constant 125 : i32
    %mul3A_8 = arith.constant 640 : i32
    %mul3A_9 = arith.muli %arg1, %mul3A_8 : i32
    %eq3A = arith.constant 0 : i32
    %eq3A_10 = arith.cmpi eq, %arg0, %eq3A : i32
    %convert_element_type3A = arith.extui %eq3A_10 : i1 to i32
    %cond3A = arith.constant 0 : i32
    %cond3A_11 = arith.cmpi ne, %convert_element_type3A, %cond3A : i32
    scf.if %cond3A_11 {
      %lt3A = arith.constant 15 : i32
      %lt3A_40 = arith.cmpi slt, %arg1, %lt3A : i32
      %convert_element_type3A_41 = arith.extui %lt3A_40 : i1 to i32
      %cond3A_42 = arith.constant 0 : i32
      %cond3A_43 = arith.cmpi ne, %convert_element_type3A_41, %cond3A_42 : i32
      scf.if %cond3A_43 {
        "tpu.region"() ({
          %run_scoped3A_49 = tpu.sem_alloc : memref<!tpu.dma_semaphore, #tpu.memory_space<semaphore_mem>>
          %dma_start3A_50 = arith.constant 0 : i32
          %dma_start3A_51 = tpu.memref_slice %arg9[%mul3A_2, %dma_start3A_50] : memref<10240x128xf32, #tpu.memory_space<vmem_shared>> -> memref<640x128xf32, #tpu.memory_space<vmem_shared>>
          %dma_start3A_52 = arith.constant 0 : i32
          %dma_start3A_53 = tpu.memref_slice %arg3[%mul3A_9, %dma_start3A_52] : memref<10000x128xf32, #tpu.memory_space<hbm>> -> memref<640x128xf32, #tpu.memory_space<hbm>>
          tpu.enqueue_dma source(%dma_start3A_53 : memref<640x128xf32, #tpu.memory_space<hbm>>) target(%dma_start3A_51 : memref<640x128xf32, #tpu.memory_space<vmem_shared>>) target_semaphore(%run_scoped3A_49 : memref<!tpu.dma_semaphore, #tpu.memory_space<semaphore_mem>>)
          %dma_wait3A = arith.constant 0 : i32
          %dma_wait3A_54 = tpu.memref_slice %arg9[%mul3A_2, %dma_wait3A] : memref<10240x128xf32, #tpu.memory_space<vmem_shared>> -> memref<640x128xf32, #tpu.memory_space<vmem_shared>>
          %dma_wait3A_55 = arith.constant 0 : i32
          %dma_wait3A_56 = tpu.memref_slice %arg3[%mul3A_9, %dma_wait3A_55] : memref<10000x128xf32, #tpu.memory_space<hbm>> -> memref<640x128xf32, #tpu.memory_space<hbm>>
          tpu.wait_dma2 semaphore(%run_scoped3A_49 : memref<!tpu.dma_semaphore, #tpu.memory_space<semaphore_mem>>) src(%dma_wait3A_56 : memref<640x128xf32, #tpu.memory_space<hbm>>) dst(%dma_wait3A_54 : memref<640x128xf32, #tpu.memory_space<vmem_shared>>)
          tpu.yield
        }) : () -> ()
      } else {
      }
      %eq3A_44 = arith.constant 15 : i32
      %eq3A_45 = arith.cmpi eq, %arg1, %eq3A_44 : i32
      %convert_element_type3A_46 = arith.extui %eq3A_45 : i1 to i32
      %cond3A_47 = arith.constant 0 : i32
      %cond3A_48 = arith.cmpi ne, %convert_element_type3A_46, %cond3A_47 : i32
      scf.if %cond3A_48 {
        "tpu.region"() ({
          %run_scoped3A_49 = tpu.sem_alloc : memref<!tpu.dma_semaphore, #tpu.memory_space<semaphore_mem>>
          %dma_start3A_50 = arith.constant 9600 : i32
          %dma_start3A_51 = arith.constant 0 : i32
          %dma_start3A_52 = tpu.memref_slice %arg9[%dma_start3A_50, %dma_start3A_51] : memref<10240x128xf32, #tpu.memory_space<vmem_shared>> -> memref<400x128xf32, #tpu.memory_space<vmem_shared>>
          %dma_start3A_53 = arith.constant 9600 : i32
          %dma_start3A_54 = arith.constant 0 : i32
          %dma_start3A_55 = tpu.memref_slice %arg3[%dma_start3A_53, %dma_start3A_54] : memref<10000x128xf32, #tpu.memory_space<hbm>> -> memref<400x128xf32, #tpu.memory_space<hbm>>
          tpu.enqueue_dma source(%dma_start3A_55 : memref<400x128xf32, #tpu.memory_space<hbm>>) target(%dma_start3A_52 : memref<400x128xf32, #tpu.memory_space<vmem_shared>>) target_semaphore(%run_scoped3A_49 : memref<!tpu.dma_semaphore, #tpu.memory_space<semaphore_mem>>)
          %dma_wait3A = arith.constant 9600 : i32
          %dma_wait3A_56 = arith.constant 0 : i32
          %dma_wait3A_57 = tpu.memref_slice %arg9[%dma_wait3A, %dma_wait3A_56] : memref<10240x128xf32, #tpu.memory_space<vmem_shared>> -> memref<400x128xf32, #tpu.memory_space<vmem_shared>>
          %dma_wait3A_58 = arith.constant 9600 : i32
          %dma_wait3A_59 = arith.constant 0 : i32
          %dma_wait3A_60 = tpu.memref_slice %arg3[%dma_wait3A_58, %dma_wait3A_59] : memref<10000x128xf32, #tpu.memory_space<hbm>> -> memref<400x128xf32, #tpu.memory_space<hbm>>
          tpu.wait_dma2 semaphore(%run_scoped3A_49 : memref<!tpu.dma_semaphore, #tpu.memory_space<semaphore_mem>>) src(%dma_wait3A_60 : memref<400x128xf32, #tpu.memory_space<hbm>>) dst(%dma_wait3A_57 : memref<400x128xf32, #tpu.memory_space<vmem_shared>>)
          tpu.yield
        }) : () -> ()
        "tpu.region"() ({
          %run_scoped3A_49 = tpu.sem_alloc : memref<!tpu.dma_semaphore, #tpu.memory_space<semaphore_mem>>
          %dma_start3A_50 = arith.constant 10000 : i32
          %dma_start3A_51 = arith.constant 0 : i32
          %dma_start3A_52 = tpu.memref_slice %arg9[%dma_start3A_50, %dma_start3A_51] : memref<10240x128xf32, #tpu.memory_space<vmem_shared>> -> memref<125x128xf32, #tpu.memory_space<vmem_shared>>
          %dma_start3A_53 = arith.constant 10000 : i32
          %dma_start3A_54 = arith.constant 0 : i32
          %dma_start3A_55 = tpu.memref_slice %arg9[%dma_start3A_53, %dma_start3A_54] : memref<10240x128xf32, #tpu.memory_space<vmem_shared>> -> memref<125x128xf32, #tpu.memory_space<vmem_shared>>
          tpu.enqueue_dma source(%arg7 : memref<125x128xf32, #tpu.memory_space<vmem>>) target(%dma_start3A_55 : memref<125x128xf32, #tpu.memory_space<vmem_shared>>) target_semaphore(%run_scoped3A_49 : memref<!tpu.dma_semaphore, #tpu.memory_space<semaphore_mem>>)
          %dma_wait3A = arith.constant 10000 : i32
          %dma_wait3A_56 = arith.constant 0 : i32
          %dma_wait3A_57 = tpu.memref_slice %arg9[%dma_wait3A, %dma_wait3A_56] : memref<10240x128xf32, #tpu.memory_space<vmem_shared>> -> memref<125x128xf32, #tpu.memory_space<vmem_shared>>
          %dma_wait3A_58 = arith.constant 10000 : i32
          %dma_wait3A_59 = arith.constant 0 : i32
          %dma_wait3A_60 = tpu.memref_slice %arg9[%dma_wait3A_58, %dma_wait3A_59] : memref<10240x128xf32, #tpu.memory_space<vmem_shared>> -> memref<125x128xf32, #tpu.memory_space<vmem_shared>>
          tpu.wait_dma2 semaphore(%run_scoped3A_49 : memref<!tpu.dma_semaphore, #tpu.memory_space<semaphore_mem>>) src(%arg7 : memref<125x128xf32, #tpu.memory_space<vmem>>) dst(%dma_wait3A_60 : memref<125x128xf32, #tpu.memory_space<vmem_shared>>)
          tpu.yield
        }) : () -> ()
        "tpu.region"() ({
          %run_scoped3A_49 = tpu.sem_alloc : memref<!tpu.dma_semaphore, #tpu.memory_space<semaphore_mem>>
          %dma_start3A_50 = arith.constant 0 : i32
          %dma_start3A_51 = arith.constant 0 : i32
          %dma_start3A_52 = tpu.memref_slice %arg8[%dma_start3A_50, %dma_start3A_51] : memref<125x128xf32, #tpu.memory_space<vmem>> -> memref<115x128xf32, #tpu.memory_space<vmem>>
          %dma_start3A_53 = arith.constant 10125 : i32
          %dma_start3A_54 = arith.constant 0 : i32
          %dma_start3A_55 = tpu.memref_slice %arg9[%dma_start3A_53, %dma_start3A_54] : memref<10240x128xf32, #tpu.memory_space<vmem_shared>> -> memref<115x128xf32, #tpu.memory_space<vmem_shared>>
          %dma_start3A_56 = arith.constant 10125 : i32
          %dma_start3A_57 = arith.constant 0 : i32
          %dma_start3A_58 = tpu.memref_slice %arg9[%dma_start3A_56, %dma_start3A_57] : memref<10240x128xf32, #tpu.memory_space<vmem_shared>> -> memref<115x128xf32, #tpu.memory_space<vmem_shared>>
          %dma_start3A_59 = arith.constant 0 : i32
          %dma_start3A_60 = arith.constant 0 : i32
          %dma_start3A_61 = tpu.memref_slice %arg8[%dma_start3A_59, %dma_start3A_60] : memref<125x128xf32, #tpu.memory_space<vmem>> -> memref<115x128xf32, #tpu.memory_space<vmem>>
          tpu.enqueue_dma source(%dma_start3A_61 : memref<115x128xf32, #tpu.memory_space<vmem>>) target(%dma_start3A_58 : memref<115x128xf32, #tpu.memory_space<vmem_shared>>) target_semaphore(%run_scoped3A_49 : memref<!tpu.dma_semaphore, #tpu.memory_space<semaphore_mem>>)
          %dma_wait3A = arith.constant 0 : i32
          %dma_wait3A_62 = arith.constant 0 : i32
          %dma_wait3A_63 = tpu.memref_slice %arg8[%dma_wait3A, %dma_wait3A_62] : memref<125x128xf32, #tpu.memory_space<vmem>> -> memref<115x128xf32, #tpu.memory_space<vmem>>
          %dma_wait3A_64 = arith.constant 10125 : i32
          %dma_wait3A_65 = arith.constant 0 : i32
          %dma_wait3A_66 = tpu.memref_slice %arg9[%dma_wait3A_64, %dma_wait3A_65] : memref<10240x128xf32, #tpu.memory_space<vmem_shared>> -> memref<115x128xf32, #tpu.memory_space<vmem_shared>>
          %dma_wait3A_67 = arith.constant 10125 : i32
          %dma_wait3A_68 = arith.constant 0 : i32
          %dma_wait3A_69 = tpu.memref_slice %arg9[%dma_wait3A_67, %dma_wait3A_68] : memref<10240x128xf32, #tpu.memory_space<vmem_shared>> -> memref<115x128xf32, #tpu.memory_space<vmem_shared>>
          %dma_wait3A_70 = arith.constant 0 : i32
          %dma_wait3A_71 = arith.constant 0 : i32
          %dma_wait3A_72 = tpu.memref_slice %arg8[%dma_wait3A_70, %dma_wait3A_71] : memref<125x128xf32, #tpu.memory_space<vmem>> -> memref<115x128xf32, #tpu.memory_space<vmem>>
          tpu.wait_dma2 semaphore(%run_scoped3A_49 : memref<!tpu.dma_semaphore, #tpu.memory_space<semaphore_mem>>) src(%dma_wait3A_72 : memref<115x128xf32, #tpu.memory_space<vmem>>) dst(%dma_wait3A_69 : memref<115x128xf32, #tpu.memory_space<vmem_shared>>)
          tpu.yield
        }) : () -> ()
      } else {
      }
    } else {
    }
    %ne3A = arith.constant 0 : i32
    %ne3A_12 = arith.cmpi ne, %arg0, %ne3A : i32
    %convert_element_type3A_13 = arith.extui %ne3A_12 : i1 to i32
    %cond3A_14 = arith.constant 0 : i32
    %cond3A_15 = arith.cmpi ne, %convert_element_type3A_13, %cond3A_14 : i32
    scf.if %cond3A_15 {
      %scan3A_40 = arith.constant 0 : i32
      %scan3A_41 = arith.constant 5 : i32
      %scan3A_42 = arith.addi %scan3A_40, %scan3A_41 : i32
      %scan3A_43 = arith.constant 1 : i32
      scf.for %scan3A_47 = %scan3A_40 to %scan3A_42 step %scan3A_43  : i32 {
        %mul3A_48 = arith.constant 1 : i32
        %mul3A_49 = arith.muli %scan3A_47, %mul3A_48 : i32
        %add3A_50 = arith.constant 0 : i32
        %add3A_51 = arith.addi %add3A_50, %mul3A_49 : i32
        %mul3A_52 = arith.constant 125 : i32
        %mul3A_53 = arith.muli %add3A_51, %mul3A_52 : i32
        %add3A_54 = arith.addi %mul3A_9, %mul3A_53 : i32
        "tpu.region"() ({
          %run_scoped3A_55 = tpu.sem_alloc : memref<!tpu.dma_semaphore, #tpu.memory_space<semaphore_mem>>
          %dma_start3A_56 = arith.constant 0 : i32
          %dma_start3A_57 = tpu.memref_slice %arg9[%add3A_54, %dma_start3A_56] : memref<10240x128xf32, #tpu.memory_space<vmem_shared>> -> memref<125x128xf32, #tpu.memory_space<vmem_shared>>
          %dma_start3A_58 = arith.constant 0 : i32
          %dma_start3A_59 = tpu.memref_slice %arg9[%add3A_54, %dma_start3A_58] : memref<10240x128xf32, #tpu.memory_space<vmem_shared>> -> memref<125x128xf32, #tpu.memory_space<vmem_shared>>
          tpu.enqueue_dma source(%arg7 : memref<125x128xf32, #tpu.memory_space<vmem>>) target(%dma_start3A_59 : memref<125x128xf32, #tpu.memory_space<vmem_shared>>) target_semaphore(%run_scoped3A_55 : memref<!tpu.dma_semaphore, #tpu.memory_space<semaphore_mem>>)
          %dma_wait3A = arith.constant 0 : i32
          %dma_wait3A_60 = tpu.memref_slice %arg9[%add3A_54, %dma_wait3A] : memref<10240x128xf32, #tpu.memory_space<vmem_shared>> -> memref<125x128xf32, #tpu.memory_space<vmem_shared>>
          %dma_wait3A_61 = arith.constant 0 : i32
          %dma_wait3A_62 = tpu.memref_slice %arg9[%add3A_54, %dma_wait3A_61] : memref<10240x128xf32, #tpu.memory_space<vmem_shared>> -> memref<125x128xf32, #tpu.memory_space<vmem_shared>>
          tpu.wait_dma2 semaphore(%run_scoped3A_55 : memref<!tpu.dma_semaphore, #tpu.memory_space<semaphore_mem>>) src(%arg7 : memref<125x128xf32, #tpu.memory_space<vmem>>) dst(%dma_wait3A_62 : memref<125x128xf32, #tpu.memory_space<vmem_shared>>)
          tpu.yield
        }) : () -> ()
      }
      %scan3A_44 = arith.constant 5 : i32
      %add3A_45 = arith.constant 625 : i32
      %add3A_46 = arith.addi %mul3A_9, %add3A_45 : i32
      "tpu.region"() ({
        %run_scoped3A_47 = tpu.sem_alloc : memref<!tpu.dma_semaphore, #tpu.memory_space<semaphore_mem>>
        %dma_start3A_48 = arith.constant 0 : i32
        %dma_start3A_49 = arith.constant 0 : i32
        %dma_start3A_50 = tpu.memref_slice %arg8[%dma_start3A_48, %dma_start3A_49] : memref<125x128xf32, #tpu.memory_space<vmem>> -> memref<15x128xf32, #tpu.memory_space<vmem>>
        %dma_start3A_51 = arith.constant 0 : i32
        %dma_start3A_52 = tpu.memref_slice %arg9[%add3A_46, %dma_start3A_51] : memref<10240x128xf32, #tpu.memory_space<vmem_shared>> -> memref<15x128xf32, #tpu.memory_space<vmem_shared>>
        %dma_start3A_53 = arith.constant 0 : i32
        %dma_start3A_54 = tpu.memref_slice %arg9[%add3A_46, %dma_start3A_53] : memref<10240x128xf32, #tpu.memory_space<vmem_shared>> -> memref<15x128xf32, #tpu.memory_space<vmem_shared>>
        %dma_start3A_55 = arith.constant 0 : i32
        %dma_start3A_56 = arith.constant 0 : i32
        %dma_start3A_57 = tpu.memref_slice %arg8[%dma_start3A_55, %dma_start3A_56] : memref<125x128xf32, #tpu.memory_space<vmem>> -> memref<15x128xf32, #tpu.memory_space<vmem>>
        tpu.enqueue_dma source(%dma_start3A_57 : memref<15x128xf32, #tpu.memory_space<vmem>>) target(%dma_start3A_54 : memref<15x128xf32, #tpu.memory_space<vmem_shared>>) target_semaphore(%run_scoped3A_47 : memref<!tpu.dma_semaphore, #tpu.memory_space<semaphore_mem>>)
        %dma_wait3A = arith.constant 0 : i32
        %dma_wait3A_58 = arith.constant 0 : i32
        %dma_wait3A_59 = tpu.memref_slice %arg8[%dma_wait3A, %dma_wait3A_58] : memref<125x128xf32, #tpu.memory_space<vmem>> -> memref<15x128xf32, #tpu.memory_space<vmem>>
        %dma_wait3A_60 = arith.constant 0 : i32
        %dma_wait3A_61 = tpu.memref_slice %arg9[%add3A_46, %dma_wait3A_60] : memref<10240x128xf32, #tpu.memory_space<vmem_shared>> -> memref<15x128xf32, #tpu.memory_space<vmem_shared>>
        %dma_wait3A_62 = arith.constant 0 : i32
        %dma_wait3A_63 = tpu.memref_slice %arg9[%add3A_46, %dma_wait3A_62] : memref<10240x128xf32, #tpu.memory_space<vmem_shared>> -> memref<15x128xf32, #tpu.memory_space<vmem_shared>>
        %dma_wait3A_64 = arith.constant 0 : i32
        %dma_wait3A_65 = arith.constant 0 : i32
        %dma_wait3A_66 = tpu.memref_slice %arg8[%dma_wait3A_64, %dma_wait3A_65] : memref<125x128xf32, #tpu.memory_space<vmem>> -> memref<15x128xf32, #tpu.memory_space<vmem>>
        tpu.wait_dma2 semaphore(%run_scoped3A_47 : memref<!tpu.dma_semaphore, #tpu.memory_space<semaphore_mem>>) src(%dma_wait3A_66 : memref<15x128xf32, #tpu.memory_space<vmem>>) dst(%dma_wait3A_63 : memref<15x128xf32, #tpu.memory_space<vmem_shared>>)
        tpu.yield
      }) : () -> ()
    } else {
    }
    %barrier3A = arith.constant 0 : index
    tpu.barrier barrier_id(%barrier3A)
    %run_scoped3A = arith.constant 0 : i32
    "tpu.region"() ({
      %run_scoped3A_40 = tpu.sem_alloc : memref<!tpu.dma_semaphore, #tpu.memory_space<semaphore_mem>>
      %dma_start3A_41 = arith.constant 0 : i32
      %dma_start3A_42 = arith.constant 0 : i32
      %dma_start3A_43 = arith.constant 0 : i32
      %dma_start3A_44 = tpu.memref_slice %arg2[%add3A, %run_scoped3A, %dma_start3A_41, %dma_start3A_42, %dma_start3A_43] : memref<32x40x2x2x125xi32, #tpu.memory_space<hbm>> -> memref<1x1x2x2x125xi32, #tpu.memory_space<hbm>>
      %dma_start3A_45 = tpu.memref_squeeze %dma_start3A_44 : memref<1x1x2x2x125xi32, #tpu.memory_space<hbm>> -> memref<2x2x125xi32, #tpu.memory_space<hbm>>
      %dma_start3A_46 = arith.constant 0 : i32
      %dma_start3A_47 = arith.constant 0 : i32
      %dma_start3A_48 = arith.constant 0 : i32
      %dma_start3A_49 = tpu.memref_slice %arg2[%add3A, %run_scoped3A, %dma_start3A_46, %dma_start3A_47, %dma_start3A_48] : memref<32x40x2x2x125xi32, #tpu.memory_space<hbm>> -> memref<1x1x2x2x125xi32, #tpu.memory_space<hbm>>
      %dma_start3A_50 = tpu.memref_squeeze %dma_start3A_49 : memref<1x1x2x2x125xi32, #tpu.memory_space<hbm>> -> memref<2x2x125xi32, #tpu.memory_space<hbm>>
      tpu.enqueue_dma source(%dma_start3A_50 : memref<2x2x125xi32, #tpu.memory_space<hbm>>) target(%arg5 : memref<2x2x125xi32, #tpu.memory_space<vmem>>) target_semaphore(%run_scoped3A_40 : memref<!tpu.dma_semaphore, #tpu.memory_space<semaphore_mem>>)
      %dma_wait3A = arith.constant 0 : i32
      %dma_wait3A_51 = arith.constant 0 : i32
      %dma_wait3A_52 = arith.constant 0 : i32
      %dma_wait3A_53 = tpu.memref_slice %arg2[%add3A, %run_scoped3A, %dma_wait3A, %dma_wait3A_51, %dma_wait3A_52] : memref<32x40x2x2x125xi32, #tpu.memory_space<hbm>> -> memref<1x1x2x2x125xi32, #tpu.memory_space<hbm>>
      %dma_wait3A_54 = tpu.memref_squeeze %dma_wait3A_53 : memref<1x1x2x2x125xi32, #tpu.memory_space<hbm>> -> memref<2x2x125xi32, #tpu.memory_space<hbm>>
      %dma_wait3A_55 = arith.constant 0 : i32
      %dma_wait3A_56 = arith.constant 0 : i32
      %dma_wait3A_57 = arith.constant 0 : i32
      %dma_wait3A_58 = tpu.memref_slice %arg2[%add3A, %run_scoped3A, %dma_wait3A_55, %dma_wait3A_56, %dma_wait3A_57] : memref<32x40x2x2x125xi32, #tpu.memory_space<hbm>> -> memref<1x1x2x2x125xi32, #tpu.memory_space<hbm>>
      %dma_wait3A_59 = tpu.memref_squeeze %dma_wait3A_58 : memref<1x1x2x2x125xi32, #tpu.memory_space<hbm>> -> memref<2x2x125xi32, #tpu.memory_space<hbm>>
      tpu.wait_dma2 semaphore(%run_scoped3A_40 : memref<!tpu.dma_semaphore, #tpu.memory_space<semaphore_mem>>) src(%dma_wait3A_59 : memref<2x2x125xi32, #tpu.memory_space<hbm>>) dst(%arg5 : memref<2x2x125xi32, #tpu.memory_space<vmem>>)
      tpu.yield
    }) : () -> ()
    %dma_start3A = arith.constant 0 : i32
    %dma_start3A_16 = arith.constant 0 : i32
    %dma_start3A_17 = arith.constant 0 : i32
    %dma_start3A_18 = tpu.memref_slice %arg5[%dma_start3A, %dma_start3A_16, %dma_start3A_17] : memref<2x2x125xi32, #tpu.memory_space<vmem>> -> memref<1x1x125xi32, #tpu.memory_space<vmem>>
    %dma_start3A_19 = tpu.memref_squeeze %dma_start3A_18 : memref<1x1x125xi32, #tpu.memory_space<vmem>> -> memref<125xi32, #tpu.memory_space<vmem>>
    %dma_start3A_20 = arith.constant 0 : i32
    %dma_start3A_21 = arith.constant 0 : i32
    %dma_start3A_22 = tpu.memref_slice %arg3[%dma_start3A_20, %dma_start3A_21] : memref<10000x128xf32, #tpu.memory_space<hbm>> -> memref<10000x128xf32, #tpu.memory_space<hbm>>
    tpu.enqueue_indirect_dma source(%dma_start3A_22 : memref<10000x128xf32, #tpu.memory_space<hbm>>) target(%arg7 : memref<125x128xf32, #tpu.memory_space<vmem>>) offsets(%dma_start3A_19 : memref<125xi32, #tpu.memory_space<vmem>>) semaphore(%arg12 : memref<!tpu.dma_semaphore, #tpu.memory_space<semaphore_mem>>)
    %dma_start3A_23 = arith.constant 1 : i32
    %dma_start3A_24 = arith.constant 0 : i32
    %dma_start3A_25 = arith.constant 0 : i32
    %dma_start3A_26 = arith.constant 0 : i32
    %dma_start3A_27 = tpu.memref_slice %arg2[%add3A, %dma_start3A_23, %dma_start3A_24, %dma_start3A_25, %dma_start3A_26] : memref<32x40x2x2x125xi32, #tpu.memory_space<hbm>> -> memref<1x1x2x2x125xi32, #tpu.memory_space<hbm>>
    %dma_start3A_28 = tpu.memref_squeeze %dma_start3A_27 : memref<1x1x2x2x125xi32, #tpu.memory_space<hbm>> -> memref<2x2x125xi32, #tpu.memory_space<hbm>>
    %dma_start3A_29 = arith.constant 0 : i32
    %dma_start3A_30 = arith.constant 0 : i32
    %dma_start3A_31 = arith.constant 0 : i32
    %dma_start3A_32 = tpu.memref_slice %arg2[%add3A, %dma_start3A_23, %dma_start3A_29, %dma_start3A_30, %dma_start3A_31] : memref<32x40x2x2x125xi32, #tpu.memory_space<hbm>> -> memref<1x1x2x2x125xi32, #tpu.memory_space<hbm>>
    %dma_start3A_33 = tpu.memref_squeeze %dma_start3A_32 : memref<1x1x2x2x125xi32, #tpu.memory_space<hbm>> -> memref<2x2x125xi32, #tpu.memory_space<hbm>>
    tpu.enqueue_dma source(%dma_start3A_33 : memref<2x2x125xi32, #tpu.memory_space<hbm>>) target(%arg6 : memref<2x2x125xi32, #tpu.memory_space<vmem>>) target_semaphore(%arg11 : memref<!tpu.dma_semaphore, #tpu.memory_space<semaphore_mem>>)
    %scan3A_34 = arith.constant 0 : i32
    %scan3A_35 = arith.constant 20 : i32
    %scan3A_36 = arith.addi %scan3A_34, %scan3A_35 : i32
    %scan3A_37 = arith.constant 1 : i32
    scf.for %scan3A_40 = %scan3A_34 to %scan3A_36 step %scan3A_37  : i32 {
      %mul3A_41 = arith.constant 4 : i32
      %mul3A_42 = arith.muli %scan3A_40, %mul3A_41 : i32
      %add3A_43 = arith.constant 0 : i32
      %add3A_44 = arith.addi %add3A_43, %mul3A_42 : i32
      %jit3A = arith.constant 4 : i32
      %div3A = arith.divsi %add3A_44, %jit3A : i32
      %sign3A = arith.constant 0 : i32
      %sign3A_45 = arith.cmpi sgt, %add3A_44, %sign3A : i32
      %sign3A_46 = arith.extui %sign3A_45 : i1 to i32
      %sign3A_47 = arith.constant 0 : i32
      %sign3A_48 = arith.cmpi slt, %add3A_44, %sign3A_47 : i32
      %sign3A_49 = arith.extui %sign3A_48 : i1 to i32
      %sign3A_50 = arith.subi %sign3A_46, %sign3A_49 : i32
      %sign3A_51 = arith.constant 0 : i32
      %sign3A_52 = arith.cmpi sgt, %jit3A, %sign3A_51 : i32
      %sign3A_53 = arith.extui %sign3A_52 : i1 to i32
      %sign3A_54 = arith.constant 0 : i32
      %sign3A_55 = arith.cmpi slt, %jit3A, %sign3A_54 : i32
      %sign3A_56 = arith.extui %sign3A_55 : i1 to i32
      %sign3A_57 = arith.subi %sign3A_53, %sign3A_56 : i32
      %ne3A_58 = arith.cmpi ne, %sign3A_50, %sign3A_57 : i32
      %rem3A = arith.remsi %add3A_44, %jit3A : i32
      %ne3A_59 = arith.constant 0 : i32
      %ne3A_60 = arith.cmpi ne, %rem3A, %ne3A_59 : i32
      %and3A = arith.andi %ne3A_58, %ne3A_60 : i1
      %sub3A = arith.constant 1 : i32
      %sub3A_61 = arith.subi %div3A, %sub3A : i32
      %select_n3A = arith.select %and3A, %sub3A_61, %div3A : i32
      %dma_wait3A = arith.constant 0 : i32
      %dma_wait3A_62 = arith.constant 0 : i32
      %dma_wait3A_63 = arith.constant 0 : i32
      %dma_wait3A_64 = tpu.memref_slice %arg5[%dma_wait3A, %dma_wait3A_62, %dma_wait3A_63] : memref<2x2x125xi32, #tpu.memory_space<vmem>> -> memref<1x1x125xi32, #tpu.memory_space<vmem>>
      %dma_wait3A_65 = tpu.memref_squeeze %dma_wait3A_64 : memref<1x1x125xi32, #tpu.memory_space<vmem>> -> memref<125xi32, #tpu.memory_space<vmem>>
      %dma_wait3A_66 = arith.constant 0 : i32
      %dma_wait3A_67 = arith.constant 0 : i32
      %dma_wait3A_68 = tpu.memref_slice %arg3[%dma_wait3A_66, %dma_wait3A_67] : memref<10000x128xf32, #tpu.memory_space<hbm>> -> memref<10000x128xf32, #tpu.memory_space<hbm>>
      tpu.wait_indirect_dma semaphore(%arg12 : memref<!tpu.dma_semaphore, #tpu.memory_space<semaphore_mem>>) src(%dma_wait3A_68 : memref<10000x128xf32, #tpu.memory_space<hbm>>) dst(%arg7 : memref<125x128xf32, #tpu.memory_space<vmem>>)
      %dma_start3A_69 = arith.constant 1 : i32
      %dma_start3A_70 = arith.constant 0 : i32
      %dma_start3A_71 = arith.constant 0 : i32
      %dma_start3A_72 = tpu.memref_slice %arg5[%dma_start3A_69, %dma_start3A_70, %dma_start3A_71] : memref<2x2x125xi32, #tpu.memory_space<vmem>> -> memref<1x1x125xi32, #tpu.memory_space<vmem>>
      %dma_start3A_73 = tpu.memref_squeeze %dma_start3A_72 : memref<1x1x125xi32, #tpu.memory_space<vmem>> -> memref<125xi32, #tpu.memory_space<vmem>>
      %dma_start3A_74 = arith.constant 0 : i32
      %dma_start3A_75 = arith.constant 0 : i32
      %dma_start3A_76 = tpu.memref_slice %arg3[%dma_start3A_74, %dma_start3A_75] : memref<10000x128xf32, #tpu.memory_space<hbm>> -> memref<10000x128xf32, #tpu.memory_space<hbm>>
      tpu.enqueue_indirect_dma source(%dma_start3A_76 : memref<10000x128xf32, #tpu.memory_space<hbm>>) target(%arg8 : memref<125x128xf32, #tpu.memory_space<vmem>>) offsets(%dma_start3A_73 : memref<125xi32, #tpu.memory_space<vmem>>) semaphore(%arg13 : memref<!tpu.dma_semaphore, #tpu.memory_space<semaphore_mem>>)
      %run_scoped3A_77 = arith.constant 0 : i32
      %run_scoped3A_78 = arith.constant 1 : i32
      "tpu.region"() ({
        %run_scoped3A_159 = tpu.sem_alloc : memref<!tpu.dma_semaphore, #tpu.memory_space<semaphore_mem>>
        %dma_start3A_160 = arith.constant 0 : i32
        %dma_start3A_161 = tpu.memref_slice %arg5[%run_scoped3A_77, %run_scoped3A_78, %dma_start3A_160] : memref<2x2x125xi32, #tpu.memory_space<vmem>> -> memref<1x1x125xi32, #tpu.memory_space<vmem>>
        %dma_start3A_162 = tpu.memref_squeeze %dma_start3A_161 : memref<1x1x125xi32, #tpu.memory_space<vmem>> -> memref<125xi32, #tpu.memory_space<vmem>>
        %dma_start3A_163 = arith.constant 0 : i32
        %dma_start3A_164 = arith.constant 0 : i32
        %dma_start3A_165 = tpu.memref_slice %arg9[%dma_start3A_163, %dma_start3A_164] : memref<10240x128xf32, #tpu.memory_space<vmem_shared>> -> memref<10240x128xf32, #tpu.memory_space<vmem_shared>>
        tpu.enqueue_indirect_dma source(%arg7 : memref<125x128xf32, #tpu.memory_space<vmem>>) target(%dma_start3A_165 : memref<10240x128xf32, #tpu.memory_space<vmem_shared>>) offsets(%dma_start3A_162 : memref<125xi32, #tpu.memory_space<vmem>>) semaphore(%run_scoped3A_159 : memref<!tpu.dma_semaphore, #tpu.memory_space<semaphore_mem>>) {add = true}
        %dma_wait3A_166 = arith.constant 0 : i32
        %dma_wait3A_167 = tpu.memref_slice %arg5[%run_scoped3A_77, %run_scoped3A_78, %dma_wait3A_166] : memref<2x2x125xi32, #tpu.memory_space<vmem>> -> memref<1x1x125xi32, #tpu.memory_space<vmem>>
        %dma_wait3A_168 = tpu.memref_squeeze %dma_wait3A_167 : memref<1x1x125xi32, #tpu.memory_space<vmem>> -> memref<125xi32, #tpu.memory_space<vmem>>
        %dma_wait3A_169 = arith.constant 0 : i32
        %dma_wait3A_170 = arith.constant 0 : i32
        %dma_wait3A_171 = tpu.memref_slice %arg9[%dma_wait3A_169, %dma_wait3A_170] : memref<10240x128xf32, #tpu.memory_space<vmem_shared>> -> memref<10240x128xf32, #tpu.memory_space<vmem_shared>>
        tpu.wait_indirect_dma semaphore(%run_scoped3A_159 : memref<!tpu.dma_semaphore, #tpu.memory_space<semaphore_mem>>) src(%arg7 : memref<125x128xf32, #tpu.memory_space<vmem>>) dst(%dma_wait3A_171 : memref<10240x128xf32, #tpu.memory_space<vmem_shared>>)
        tpu.yield
      }) : () -> ()
      %mul3A_79 = arith.constant 2 : i32
      %mul3A_80 = arith.muli %mul3A_79, %select_n3A : i32
      %add3A_81 = arith.constant 1 : i32
      %add3A_82 = arith.addi %mul3A_80, %add3A_81 : i32
      %dma_wait3A_83 = arith.constant 0 : i32
      %dma_wait3A_84 = arith.constant 0 : i32
      %dma_wait3A_85 = arith.constant 0 : i32
      %dma_wait3A_86 = tpu.memref_slice %arg2[%add3A, %add3A_82, %dma_wait3A_83, %dma_wait3A_84, %dma_wait3A_85] : memref<32x40x2x2x125xi32, #tpu.memory_space<hbm>> -> memref<1x1x2x2x125xi32, #tpu.memory_space<hbm>>
      %dma_wait3A_87 = tpu.memref_squeeze %dma_wait3A_86 : memref<1x1x2x2x125xi32, #tpu.memory_space<hbm>> -> memref<2x2x125xi32, #tpu.memory_space<hbm>>
      %dma_wait3A_88 = arith.constant 0 : i32
      %dma_wait3A_89 = arith.constant 0 : i32
      %dma_wait3A_90 = arith.constant 0 : i32
      %dma_wait3A_91 = tpu.memref_slice %arg2[%add3A, %add3A_82, %dma_wait3A_88, %dma_wait3A_89, %dma_wait3A_90] : memref<32x40x2x2x125xi32, #tpu.memory_space<hbm>> -> memref<1x1x2x2x125xi32, #tpu.memory_space<hbm>>
      %dma_wait3A_92 = tpu.memref_squeeze %dma_wait3A_91 : memref<1x1x2x2x125xi32, #tpu.memory_space<hbm>> -> memref<2x2x125xi32, #tpu.memory_space<hbm>>
      tpu.wait_dma2 semaphore(%arg11 : memref<!tpu.dma_semaphore, #tpu.memory_space<semaphore_mem>>) src(%dma_wait3A_92 : memref<2x2x125xi32, #tpu.memory_space<hbm>>) dst(%arg6 : memref<2x2x125xi32, #tpu.memory_space<vmem>>)
      %dma_start3A_93 = arith.constant 0 : i32
      %dma_start3A_94 = arith.constant 0 : i32
      %dma_start3A_95 = arith.constant 0 : i32
      %dma_start3A_96 = tpu.memref_slice %arg6[%dma_start3A_93, %dma_start3A_94, %dma_start3A_95] : memref<2x2x125xi32, #tpu.memory_space<vmem>> -> memref<1x1x125xi32, #tpu.memory_space<vmem>>
      %dma_start3A_97 = tpu.memref_squeeze %dma_start3A_96 : memref<1x1x125xi32, #tpu.memory_space<vmem>> -> memref<125xi32, #tpu.memory_space<vmem>>
      %dma_start3A_98 = arith.constant 0 : i32
      %dma_start3A_99 = arith.constant 0 : i32
      %dma_start3A_100 = tpu.memref_slice %arg3[%dma_start3A_98, %dma_start3A_99] : memref<10000x128xf32, #tpu.memory_space<hbm>> -> memref<10000x128xf32, #tpu.memory_space<hbm>>
      tpu.enqueue_indirect_dma source(%dma_start3A_100 : memref<10000x128xf32, #tpu.memory_space<hbm>>) target(%arg7 : memref<125x128xf32, #tpu.memory_space<vmem>>) offsets(%dma_start3A_97 : memref<125xi32, #tpu.memory_space<vmem>>) semaphore(%arg12 : memref<!tpu.dma_semaphore, #tpu.memory_space<semaphore_mem>>)
      %dma_wait3A_101 = arith.constant 1 : i32
      %dma_wait3A_102 = arith.constant 0 : i32
      %dma_wait3A_103 = arith.constant 0 : i32
      %dma_wait3A_104 = tpu.memref_slice %arg5[%dma_wait3A_101, %dma_wait3A_102, %dma_wait3A_103] : memref<2x2x125xi32, #tpu.memory_space<vmem>> -> memref<1x1x125xi32, #tpu.memory_space<vmem>>
      %dma_wait3A_105 = tpu.memref_squeeze %dma_wait3A_104 : memref<1x1x125xi32, #tpu.memory_space<vmem>> -> memref<125xi32, #tpu.memory_space<vmem>>
      %dma_wait3A_106 = arith.constant 0 : i32
      %dma_wait3A_107 = arith.constant 0 : i32
      %dma_wait3A_108 = tpu.memref_slice %arg3[%dma_wait3A_106, %dma_wait3A_107] : memref<10000x128xf32, #tpu.memory_space<hbm>> -> memref<10000x128xf32, #tpu.memory_space<hbm>>
      tpu.wait_indirect_dma semaphore(%arg13 : memref<!tpu.dma_semaphore, #tpu.memory_space<semaphore_mem>>) src(%dma_wait3A_108 : memref<10000x128xf32, #tpu.memory_space<hbm>>) dst(%arg8 : memref<125x128xf32, #tpu.memory_space<vmem>>)
      %run_scoped3A_109 = arith.constant 1 : i32
      %run_scoped3A_110 = arith.constant 1 : i32
      "tpu.region"() ({
        %run_scoped3A_159 = tpu.sem_alloc : memref<!tpu.dma_semaphore, #tpu.memory_space<semaphore_mem>>
        %dma_start3A_160 = arith.constant 0 : i32
        %dma_start3A_161 = tpu.memref_slice %arg5[%run_scoped3A_109, %run_scoped3A_110, %dma_start3A_160] : memref<2x2x125xi32, #tpu.memory_space<vmem>> -> memref<1x1x125xi32, #tpu.memory_space<vmem>>
        %dma_start3A_162 = tpu.memref_squeeze %dma_start3A_161 : memref<1x1x125xi32, #tpu.memory_space<vmem>> -> memref<125xi32, #tpu.memory_space<vmem>>
        %dma_start3A_163 = arith.constant 0 : i32
        %dma_start3A_164 = arith.constant 0 : i32
        %dma_start3A_165 = tpu.memref_slice %arg9[%dma_start3A_163, %dma_start3A_164] : memref<10240x128xf32, #tpu.memory_space<vmem_shared>> -> memref<10240x128xf32, #tpu.memory_space<vmem_shared>>
        tpu.enqueue_indirect_dma source(%arg8 : memref<125x128xf32, #tpu.memory_space<vmem>>) target(%dma_start3A_165 : memref<10240x128xf32, #tpu.memory_space<vmem_shared>>) offsets(%dma_start3A_162 : memref<125xi32, #tpu.memory_space<vmem>>) semaphore(%run_scoped3A_159 : memref<!tpu.dma_semaphore, #tpu.memory_space<semaphore_mem>>) {add = true}
        %dma_wait3A_166 = arith.constant 0 : i32
        %dma_wait3A_167 = tpu.memref_slice %arg5[%run_scoped3A_109, %run_scoped3A_110, %dma_wait3A_166] : memref<2x2x125xi32, #tpu.memory_space<vmem>> -> memref<1x1x125xi32, #tpu.memory_space<vmem>>
        %dma_wait3A_168 = tpu.memref_squeeze %dma_wait3A_167 : memref<1x1x125xi32, #tpu.memory_space<vmem>> -> memref<125xi32, #tpu.memory_space<vmem>>
        %dma_wait3A_169 = arith.constant 0 : i32
        %dma_wait3A_170 = arith.constant 0 : i32
        %dma_wait3A_171 = tpu.memref_slice %arg9[%dma_wait3A_169, %dma_wait3A_170] : memref<10240x128xf32, #tpu.memory_space<vmem_shared>> -> memref<10240x128xf32, #tpu.memory_space<vmem_shared>>
        tpu.wait_indirect_dma semaphore(%run_scoped3A_159 : memref<!tpu.dma_semaphore, #tpu.memory_space<semaphore_mem>>) src(%arg8 : memref<125x128xf32, #tpu.memory_space<vmem>>) dst(%dma_wait3A_171 : memref<10240x128xf32, #tpu.memory_space<vmem_shared>>)
        tpu.yield
      }) : () -> ()
      %add3A_111 = arith.constant 4 : i32
      %add3A_112 = arith.addi %add3A_44, %add3A_111 : i32
      %lt3A = arith.constant 80 : i32
      %lt3A_113 = arith.cmpi slt, %add3A_112, %lt3A : i32
      %convert_element_type3A_114 = arith.extui %lt3A_113 : i1 to i32
      %cond3A_115 = arith.constant 0 : i32
      %cond3A_116 = arith.cmpi ne, %convert_element_type3A_114, %cond3A_115 : i32
      scf.if %cond3A_116 {
        %mul3A_159 = arith.constant 2 : i32
        %mul3A_160 = arith.muli %mul3A_159, %select_n3A : i32
        %add3A_161 = arith.constant 2 : i32
        %add3A_162 = arith.addi %mul3A_160, %add3A_161 : i32
        %dma_start3A_163 = arith.constant 0 : i32
        %dma_start3A_164 = arith.constant 0 : i32
        %dma_start3A_165 = arith.constant 0 : i32
        %dma_start3A_166 = tpu.memref_slice %arg2[%add3A, %add3A_162, %dma_start3A_163, %dma_start3A_164, %dma_start3A_165] : memref<32x40x2x2x125xi32, #tpu.memory_space<hbm>> -> memref<1x1x2x2x125xi32, #tpu.memory_space<hbm>>
        %dma_start3A_167 = tpu.memref_squeeze %dma_start3A_166 : memref<1x1x2x2x125xi32, #tpu.memory_space<hbm>> -> memref<2x2x125xi32, #tpu.memory_space<hbm>>
        %dma_start3A_168 = arith.constant 0 : i32
        %dma_start3A_169 = arith.constant 0 : i32
        %dma_start3A_170 = arith.constant 0 : i32
        %dma_start3A_171 = tpu.memref_slice %arg2[%add3A, %add3A_162, %dma_start3A_168, %dma_start3A_169, %dma_start3A_170] : memref<32x40x2x2x125xi32, #tpu.memory_space<hbm>> -> memref<1x1x2x2x125xi32, #tpu.memory_space<hbm>>
        %dma_start3A_172 = tpu.memref_squeeze %dma_start3A_171 : memref<1x1x2x2x125xi32, #tpu.memory_space<hbm>> -> memref<2x2x125xi32, #tpu.memory_space<hbm>>
        tpu.enqueue_dma source(%dma_start3A_172 : memref<2x2x125xi32, #tpu.memory_space<hbm>>) target(%arg5 : memref<2x2x125xi32, #tpu.memory_space<vmem>>) target_semaphore(%arg10 : memref<!tpu.dma_semaphore, #tpu.memory_space<semaphore_mem>>)
      } else {
      }
      %dma_wait3A_117 = arith.constant 0 : i32
      %dma_wait3A_118 = arith.constant 0 : i32
      %dma_wait3A_119 = arith.constant 0 : i32
      %dma_wait3A_120 = tpu.memref_slice %arg6[%dma_wait3A_117, %dma_wait3A_118, %dma_wait3A_119] : memref<2x2x125xi32, #tpu.memory_space<vmem>> -> memref<1x1x125xi32, #tpu.memory_space<vmem>>
      %dma_wait3A_121 = tpu.memref_squeeze %dma_wait3A_120 : memref<1x1x125xi32, #tpu.memory_space<vmem>> -> memref<125xi32, #tpu.memory_space<vmem>>
      %dma_wait3A_122 = arith.constant 0 : i32
      %dma_wait3A_123 = arith.constant 0 : i32
      %dma_wait3A_124 = tpu.memref_slice %arg3[%dma_wait3A_122, %dma_wait3A_123] : memref<10000x128xf32, #tpu.memory_space<hbm>> -> memref<10000x128xf32, #tpu.memory_space<hbm>>
      tpu.wait_indirect_dma semaphore(%arg12 : memref<!tpu.dma_semaphore, #tpu.memory_space<semaphore_mem>>) src(%dma_wait3A_124 : memref<10000x128xf32, #tpu.memory_space<hbm>>) dst(%arg7 : memref<125x128xf32, #tpu.memory_space<vmem>>)
      %dma_start3A_125 = arith.constant 1 : i32
      %dma_start3A_126 = arith.constant 0 : i32
      %dma_start3A_127 = arith.constant 0 : i32
      %dma_start3A_128 = tpu.memref_slice %arg6[%dma_start3A_125, %dma_start3A_126, %dma_start3A_127] : memref<2x2x125xi32, #tpu.memory_space<vmem>> -> memref<1x1x125xi32, #tpu.memory_space<vmem>>
      %dma_start3A_129 = tpu.memref_squeeze %dma_start3A_128 : memref<1x1x125xi32, #tpu.memory_space<vmem>> -> memref<125xi32, #tpu.memory_space<vmem>>
      %dma_start3A_130 = arith.constant 0 : i32
      %dma_start3A_131 = arith.constant 0 : i32
      %dma_start3A_132 = tpu.memref_slice %arg3[%dma_start3A_130, %dma_start3A_131] : memref<10000x128xf32, #tpu.memory_space<hbm>> -> memref<10000x128xf32, #tpu.memory_space<hbm>>
      tpu.enqueue_indirect_dma source(%dma_start3A_132 : memref<10000x128xf32, #tpu.memory_space<hbm>>) target(%arg8 : memref<125x128xf32, #tpu.memory_space<vmem>>) offsets(%dma_start3A_129 : memref<125xi32, #tpu.memory_space<vmem>>) semaphore(%arg13 : memref<!tpu.dma_semaphore, #tpu.memory_space<semaphore_mem>>)
      %run_scoped3A_133 = arith.constant 0 : i32
      %run_scoped3A_134 = arith.constant 1 : i32
      "tpu.region"() ({
        %run_scoped3A_159 = tpu.sem_alloc : memref<!tpu.dma_semaphore, #tpu.memory_space<semaphore_mem>>
        %dma_start3A_160 = arith.constant 0 : i32
        %dma_start3A_161 = tpu.memref_slice %arg6[%run_scoped3A_133, %run_scoped3A_134, %dma_start3A_160] : memref<2x2x125xi32, #tpu.memory_space<vmem>> -> memref<1x1x125xi32, #tpu.memory_space<vmem>>
        %dma_start3A_162 = tpu.memref_squeeze %dma_start3A_161 : memref<1x1x125xi32, #tpu.memory_space<vmem>> -> memref<125xi32, #tpu.memory_space<vmem>>
        %dma_start3A_163 = arith.constant 0 : i32
        %dma_start3A_164 = arith.constant 0 : i32
        %dma_start3A_165 = tpu.memref_slice %arg9[%dma_start3A_163, %dma_start3A_164] : memref<10240x128xf32, #tpu.memory_space<vmem_shared>> -> memref<10240x128xf32, #tpu.memory_space<vmem_shared>>
        tpu.enqueue_indirect_dma source(%arg7 : memref<125x128xf32, #tpu.memory_space<vmem>>) target(%dma_start3A_165 : memref<10240x128xf32, #tpu.memory_space<vmem_shared>>) offsets(%dma_start3A_162 : memref<125xi32, #tpu.memory_space<vmem>>) semaphore(%run_scoped3A_159 : memref<!tpu.dma_semaphore, #tpu.memory_space<semaphore_mem>>) {add = true}
        %dma_wait3A_166 = arith.constant 0 : i32
        %dma_wait3A_167 = tpu.memref_slice %arg6[%run_scoped3A_133, %run_scoped3A_134, %dma_wait3A_166] : memref<2x2x125xi32, #tpu.memory_space<vmem>> -> memref<1x1x125xi32, #tpu.memory_space<vmem>>
        %dma_wait3A_168 = tpu.memref_squeeze %dma_wait3A_167 : memref<1x1x125xi32, #tpu.memory_space<vmem>> -> memref<125xi32, #tpu.memory_space<vmem>>
        %dma_wait3A_169 = arith.constant 0 : i32
        %dma_wait3A_170 = arith.constant 0 : i32
        %dma_wait3A_171 = tpu.memref_slice %arg9[%dma_wait3A_169, %dma_wait3A_170] : memref<10240x128xf32, #tpu.memory_space<vmem_shared>> -> memref<10240x128xf32, #tpu.memory_space<vmem_shared>>
        tpu.wait_indirect_dma semaphore(%run_scoped3A_159 : memref<!tpu.dma_semaphore, #tpu.memory_space<semaphore_mem>>) src(%arg7 : memref<125x128xf32, #tpu.memory_space<vmem>>) dst(%dma_wait3A_171 : memref<10240x128xf32, #tpu.memory_space<vmem_shared>>)
        tpu.yield
      }) : () -> ()
      %add3A_135 = arith.constant 4 : i32
      %add3A_136 = arith.addi %add3A_44, %add3A_135 : i32
      %lt3A_137 = arith.constant 80 : i32
      %lt3A_138 = arith.cmpi slt, %add3A_136, %lt3A_137 : i32
      %convert_element_type3A_139 = arith.extui %lt3A_138 : i1 to i32
      %cond3A_140 = arith.constant 0 : i32
      %cond3A_141 = arith.cmpi ne, %convert_element_type3A_139, %cond3A_140 : i32
      scf.if %cond3A_141 {
        %mul3A_159 = arith.constant 2 : i32
        %mul3A_160 = arith.muli %mul3A_159, %select_n3A : i32
        %add3A_161 = arith.constant 2 : i32
        %add3A_162 = arith.addi %mul3A_160, %add3A_161 : i32
        %dma_wait3A_163 = arith.constant 0 : i32
        %dma_wait3A_164 = arith.constant 0 : i32
        %dma_wait3A_165 = arith.constant 0 : i32
        %dma_wait3A_166 = tpu.memref_slice %arg2[%add3A, %add3A_162, %dma_wait3A_163, %dma_wait3A_164, %dma_wait3A_165] : memref<32x40x2x2x125xi32, #tpu.memory_space<hbm>> -> memref<1x1x2x2x125xi32, #tpu.memory_space<hbm>>
        %dma_wait3A_167 = tpu.memref_squeeze %dma_wait3A_166 : memref<1x1x2x2x125xi32, #tpu.memory_space<hbm>> -> memref<2x2x125xi32, #tpu.memory_space<hbm>>
        %dma_wait3A_168 = arith.constant 0 : i32
        %dma_wait3A_169 = arith.constant 0 : i32
        %dma_wait3A_170 = arith.constant 0 : i32
        %dma_wait3A_171 = tpu.memref_slice %arg2[%add3A, %add3A_162, %dma_wait3A_168, %dma_wait3A_169, %dma_wait3A_170] : memref<32x40x2x2x125xi32, #tpu.memory_space<hbm>> -> memref<1x1x2x2x125xi32, #tpu.memory_space<hbm>>
        %dma_wait3A_172 = tpu.memref_squeeze %dma_wait3A_171 : memref<1x1x2x2x125xi32, #tpu.memory_space<hbm>> -> memref<2x2x125xi32, #tpu.memory_space<hbm>>
        tpu.wait_dma2 semaphore(%arg10 : memref<!tpu.dma_semaphore, #tpu.memory_space<semaphore_mem>>) src(%dma_wait3A_172 : memref<2x2x125xi32, #tpu.memory_space<hbm>>) dst(%arg5 : memref<2x2x125xi32, #tpu.memory_space<vmem>>)
        %dma_start3A_173 = arith.constant 0 : i32
        %dma_start3A_174 = arith.constant 0 : i32
        %dma_start3A_175 = arith.constant 0 : i32
        %dma_start3A_176 = tpu.memref_slice %arg5[%dma_start3A_173, %dma_start3A_174, %dma_start3A_175] : memref<2x2x125xi32, #tpu.memory_space<vmem>> -> memref<1x1x125xi32, #tpu.memory_space<vmem>>
        %dma_start3A_177 = tpu.memref_squeeze %dma_start3A_176 : memref<1x1x125xi32, #tpu.memory_space<vmem>> -> memref<125xi32, #tpu.memory_space<vmem>>
        %dma_start3A_178 = arith.constant 0 : i32
        %dma_start3A_179 = arith.constant 0 : i32
        %dma_start3A_180 = tpu.memref_slice %arg3[%dma_start3A_178, %dma_start3A_179] : memref<10000x128xf32, #tpu.memory_space<hbm>> -> memref<10000x128xf32, #tpu.memory_space<hbm>>
        tpu.enqueue_indirect_dma source(%dma_start3A_180 : memref<10000x128xf32, #tpu.memory_space<hbm>>) target(%arg7 : memref<125x128xf32, #tpu.memory_space<vmem>>) offsets(%dma_start3A_177 : memref<125xi32, #tpu.memory_space<vmem>>) semaphore(%arg12 : memref<!tpu.dma_semaphore, #tpu.memory_space<semaphore_mem>>)
      } else {
      }
      %dma_wait3A_142 = arith.constant 1 : i32
      %dma_wait3A_143 = arith.constant 0 : i32
      %dma_wait3A_144 = arith.constant 0 : i32
      %dma_wait3A_145 = tpu.memref_slice %arg6[%dma_wait3A_142, %dma_wait3A_143, %dma_wait3A_144] : memref<2x2x125xi32, #tpu.memory_space<vmem>> -> memref<1x1x125xi32, #tpu.memory_space<vmem>>
      %dma_wait3A_146 = tpu.memref_squeeze %dma_wait3A_145 : memref<1x1x125xi32, #tpu.memory_space<vmem>> -> memref<125xi32, #tpu.memory_space<vmem>>
      %dma_wait3A_147 = arith.constant 0 : i32
      %dma_wait3A_148 = arith.constant 0 : i32
      %dma_wait3A_149 = tpu.memref_slice %arg3[%dma_wait3A_147, %dma_wait3A_148] : memref<10000x128xf32, #tpu.memory_space<hbm>> -> memref<10000x128xf32, #tpu.memory_space<hbm>>
      tpu.wait_indirect_dma semaphore(%arg13 : memref<!tpu.dma_semaphore, #tpu.memory_space<semaphore_mem>>) src(%dma_wait3A_149 : memref<10000x128xf32, #tpu.memory_space<hbm>>) dst(%arg8 : memref<125x128xf32, #tpu.memory_space<vmem>>)
      %run_scoped3A_150 = arith.constant 1 : i32
      %run_scoped3A_151 = arith.constant 1 : i32
      "tpu.region"() ({
        %run_scoped3A_159 = tpu.sem_alloc : memref<!tpu.dma_semaphore, #tpu.memory_space<semaphore_mem>>
        %dma_start3A_160 = arith.constant 0 : i32
        %dma_start3A_161 = tpu.memref_slice %arg6[%run_scoped3A_150, %run_scoped3A_151, %dma_start3A_160] : memref<2x2x125xi32, #tpu.memory_space<vmem>> -> memref<1x1x125xi32, #tpu.memory_space<vmem>>
        %dma_start3A_162 = tpu.memref_squeeze %dma_start3A_161 : memref<1x1x125xi32, #tpu.memory_space<vmem>> -> memref<125xi32, #tpu.memory_space<vmem>>
        %dma_start3A_163 = arith.constant 0 : i32
        %dma_start3A_164 = arith.constant 0 : i32
        %dma_start3A_165 = tpu.memref_slice %arg9[%dma_start3A_163, %dma_start3A_164] : memref<10240x128xf32, #tpu.memory_space<vmem_shared>> -> memref<10240x128xf32, #tpu.memory_space<vmem_shared>>
        tpu.enqueue_indirect_dma source(%arg8 : memref<125x128xf32, #tpu.memory_space<vmem>>) target(%dma_start3A_165 : memref<10240x128xf32, #tpu.memory_space<vmem_shared>>) offsets(%dma_start3A_162 : memref<125xi32, #tpu.memory_space<vmem>>) semaphore(%run_scoped3A_159 : memref<!tpu.dma_semaphore, #tpu.memory_space<semaphore_mem>>) {add = true}
        %dma_wait3A_166 = arith.constant 0 : i32
        %dma_wait3A_167 = tpu.memref_slice %arg6[%run_scoped3A_150, %run_scoped3A_151, %dma_wait3A_166] : memref<2x2x125xi32, #tpu.memory_space<vmem>> -> memref<1x1x125xi32, #tpu.memory_space<vmem>>
        %dma_wait3A_168 = tpu.memref_squeeze %dma_wait3A_167 : memref<1x1x125xi32, #tpu.memory_space<vmem>> -> memref<125xi32, #tpu.memory_space<vmem>>
        %dma_wait3A_169 = arith.constant 0 : i32
        %dma_wait3A_170 = arith.constant 0 : i32
        %dma_wait3A_171 = tpu.memref_slice %arg9[%dma_wait3A_169, %dma_wait3A_170] : memref<10240x128xf32, #tpu.memory_space<vmem_shared>> -> memref<10240x128xf32, #tpu.memory_space<vmem_shared>>
        tpu.wait_indirect_dma semaphore(%run_scoped3A_159 : memref<!tpu.dma_semaphore, #tpu.memory_space<semaphore_mem>>) src(%arg8 : memref<125x128xf32, #tpu.memory_space<vmem>>) dst(%dma_wait3A_171 : memref<10240x128xf32, #tpu.memory_space<vmem_shared>>)
        tpu.yield
      }) : () -> ()
      %add3A_152 = arith.constant 6 : i32
      %add3A_153 = arith.addi %add3A_44, %add3A_152 : i32
      %lt3A_154 = arith.constant 80 : i32
      %lt3A_155 = arith.cmpi slt, %add3A_153, %lt3A_154 : i32
      %convert_element_type3A_156 = arith.extui %lt3A_155 : i1 to i32
      %cond3A_157 = arith.constant 0 : i32
      %cond3A_158 = arith.cmpi ne, %convert_element_type3A_156, %cond3A_157 : i32
      scf.if %cond3A_158 {
        %mul3A_159 = arith.constant 2 : i32
        %mul3A_160 = arith.muli %mul3A_159, %select_n3A : i32
        %add3A_161 = arith.constant 3 : i32
        %add3A_162 = arith.addi %mul3A_160, %add3A_161 : i32
        %dma_start3A_163 = arith.constant 0 : i32
        %dma_start3A_164 = arith.constant 0 : i32
        %dma_start3A_165 = arith.constant 0 : i32
        %dma_start3A_166 = tpu.memref_slice %arg2[%add3A, %add3A_162, %dma_start3A_163, %dma_start3A_164, %dma_start3A_165] : memref<32x40x2x2x125xi32, #tpu.memory_space<hbm>> -> memref<1x1x2x2x125xi32, #tpu.memory_space<hbm>>
        %dma_start3A_167 = tpu.memref_squeeze %dma_start3A_166 : memref<1x1x2x2x125xi32, #tpu.memory_space<hbm>> -> memref<2x2x125xi32, #tpu.memory_space<hbm>>
        %dma_start3A_168 = arith.constant 0 : i32
        %dma_start3A_169 = arith.constant 0 : i32
        %dma_start3A_170 = arith.constant 0 : i32
        %dma_start3A_171 = tpu.memref_slice %arg2[%add3A, %add3A_162, %dma_start3A_168, %dma_start3A_169, %dma_start3A_170] : memref<32x40x2x2x125xi32, #tpu.memory_space<hbm>> -> memref<1x1x2x2x125xi32, #tpu.memory_space<hbm>>
        %dma_start3A_172 = tpu.memref_squeeze %dma_start3A_171 : memref<1x1x2x2x125xi32, #tpu.memory_space<hbm>> -> memref<2x2x125xi32, #tpu.memory_space<hbm>>
        tpu.enqueue_dma source(%dma_start3A_172 : memref<2x2x125xi32, #tpu.memory_space<hbm>>) target(%arg6 : memref<2x2x125xi32, #tpu.memory_space<vmem>>) target_semaphore(%arg11 : memref<!tpu.dma_semaphore, #tpu.memory_space<semaphore_mem>>)
      } else {
      }
    }
    %scan3A_38 = arith.constant 20 : i32
    %barrier3A_39 = arith.constant 0 : index
    tpu.barrier barrier_id(%barrier3A_39)
    "tpu.region"() ({
      %run_scoped3A_40 = tpu.sem_alloc : memref<!tpu.dma_semaphore, #tpu.memory_space<semaphore_mem>>
      %dma_start3A_41 = arith.constant 0 : i32
      %dma_start3A_42 = tpu.memref_slice %arg4[%arg0, %mul3A_2, %dma_start3A_41] : memref<2x10240x128xf32, #tpu.memory_space<hbm>> -> memref<1x640x128xf32, #tpu.memory_space<hbm>>
      %dma_start3A_43 = tpu.memref_squeeze %dma_start3A_42 : memref<1x640x128xf32, #tpu.memory_space<hbm>> -> memref<640x128xf32, #tpu.memory_space<hbm>>
      %dma_start3A_44 = arith.constant 0 : i32
      %dma_start3A_45 = tpu.memref_slice %arg9[%mul3A_2, %dma_start3A_44] : memref<10240x128xf32, #tpu.memory_space<vmem_shared>> -> memref<640x128xf32, #tpu.memory_space<vmem_shared>>
      tpu.enqueue_dma source(%dma_start3A_45 : memref<640x128xf32, #tpu.memory_space<vmem_shared>>) target(%dma_start3A_43 : memref<640x128xf32, #tpu.memory_space<hbm>>) target_semaphore(%run_scoped3A_40 : memref<!tpu.dma_semaphore, #tpu.memory_space<semaphore_mem>>)
      %dma_wait3A = arith.constant 0 : i32
      %dma_wait3A_46 = tpu.memref_slice %arg4[%arg0, %mul3A_2, %dma_wait3A] : memref<2x10240x128xf32, #tpu.memory_space<hbm>> -> memref<1x640x128xf32, #tpu.memory_space<hbm>>
      %dma_wait3A_47 = tpu.memref_squeeze %dma_wait3A_46 : memref<1x640x128xf32, #tpu.memory_space<hbm>> -> memref<640x128xf32, #tpu.memory_space<hbm>>
      %dma_wait3A_48 = arith.constant 0 : i32
      %dma_wait3A_49 = tpu.memref_slice %arg9[%mul3A_2, %dma_wait3A_48] : memref<10240x128xf32, #tpu.memory_space<vmem_shared>> -> memref<640x128xf32, #tpu.memory_space<vmem_shared>>
      tpu.wait_dma2 semaphore(%run_scoped3A_40 : memref<!tpu.dma_semaphore, #tpu.memory_space<semaphore_mem>>) src(%dma_wait3A_49 : memref<640x128xf32, #tpu.memory_space<vmem_shared>>) dst(%dma_wait3A_47 : memref<640x128xf32, #tpu.memory_space<hbm>>)
      tpu.yield
    }) : () -> ()
    return
  }
}

module attributes {stable_mosaic.version = 14 : i64} {
  func.func @_hs_body(%arg0: i32, %arg1: memref<2x1000x1xf32, #tpu.memory_space<vmem>>, %arg2: memref<1000x128xf32, #tpu.memory_space<vmem>>, %arg3: memref<128x128xf32, #tpu.memory_space<vmem>>, %arg4: memref<1000x128xf32, #tpu.memory_space<vmem>>) attributes {dimension_semantics = [#tpu.dimension_semantics<arbitrary>], iteration_bounds = array<i64: 10>, scalar_prefetch = 0 : i64, scratch_operands = 0 : i64, tpu.core_type = #tpu.core_type<tc>, window_params = [{transform_indices = @transform_0, window_bounds = array<i64: 2, 1000, 1>}, {transform_indices = @transform_1, window_bounds = array<i64: 1000, 128>}, {pipeline_mode = #tpu.pipeline_mode<synchronous>, transform_indices = @transform_2, window_bounds = array<i64: 128, 128>}, {transform_indices = @transform_3, window_bounds = array<i64: 1000, 128>}]} {
    %get3A = arith.constant 0 : index
    %get3A_0 = arith.constant 0 : index
    %get3A_1 = vector.load %arg2[%get3A, %get3A_0] : memref<1000x128xf32, #tpu.memory_space<vmem>>, vector<1000x128xf32>
    %get3A_2 = arith.constant 0 : index
    %get3A_3 = arith.constant 0 : index
    %get3A_4 = vector.load %arg3[%get3A_2, %get3A_3] : memref<128x128xf32, #tpu.memory_space<vmem>>, vector<128x128xf32>
    %dot_general3A = arith.constant dense<0.000000e+00> : vector<1000x128xf32>
    %dot_general3A_5 = tpu.matmul %get3A_1, %get3A_4, %dot_general3A {dimension_numbers = #tpu.dot_dimension_numbers<[1], [0], [0], [1], [0, 0, 1, 1], [], []>, precision = #tpu.contract_precision<fp32>, transpose_lhs_hint = false} : vector<1000x128xf32>, vector<128x128xf32>, vector<1000x128xf32> -> vector<1000x128xf32>
    %get3A_6 = arith.constant 0 : index
    %get3A_7 = arith.constant 0 : index
    %get3A_8 = arith.constant 0 : index
    %get3A_9 = vector.load %arg1[%get3A_6, %get3A_7, %get3A_8] : memref<2x1000x1xf32, #tpu.memory_space<vmem>>, vector<1x1000x1xf32>
    %get3A_10 = vector.shape_cast %get3A_9 : vector<1x1000x1xf32> to vector<1000x1xf32>
    %get3A_11 = arith.constant 1 : index
    %get3A_12 = arith.constant 0 : index
    %get3A_13 = arith.constant 0 : index
    %get3A_14 = vector.load %arg1[%get3A_11, %get3A_12, %get3A_13] : memref<2x1000x1xf32, #tpu.memory_space<vmem>>, vector<1x1000x1xf32>
    %get3A_15 = vector.shape_cast %get3A_14 : vector<1x1000x1xf32> to vector<1000x1xf32>
    %add3A = arith.addf %get3A_10, %get3A_15 : vector<1000x1xf32>
    %add3A_16 = arith.constant 1.000000e+00 : f32
    %add3A_17 = vector.broadcast %add3A_16 : f32 to vector<1000x1xf32>
    %add3A_18 = arith.addf %add3A, %add3A_17 : vector<1000x1xf32>
    %rsqrt3A = math.rsqrt %add3A_18 : vector<1000x1xf32>
    %broadcast_in_dim3A = vector.shape_cast %rsqrt3A : vector<1000x1xf32> to vector<1000x1xf32>
    %broadcast_in_dim3A_19 = vector.broadcast %broadcast_in_dim3A : vector<1000x1xf32> to vector<1000x128xf32>
    %mul3A = arith.mulf %broadcast_in_dim3A_19, %dot_general3A_5 : vector<1000x128xf32>
    %swap3A = arith.constant 0 : index
    %swap3A_20 = arith.constant 0 : index
    %swap3A_21 = vector.load %arg4[%swap3A, %swap3A_20] : memref<1000x128xf32, #tpu.memory_space<vmem>>, vector<1000x128xf32>
    tpu.vector_store %arg4[%swap3A, %swap3A_20], %mul3A {strides = array<i32>} : memref<1000x128xf32, #tpu.memory_space<vmem>>, vector<1000x128xf32>,
    return
  }
  func.func @transform_0(%arg0: i32) -> (i32, i32, i32) {
    %c0_i32 = arith.constant 0 : i32
    %c0_i32_0 = arith.constant 0 : i32
    %c0_i32_1 = arith.constant 0 : i32
    return %c0_i32, %arg0, %c0_i32_0 : i32, i32, i32
  }
  func.func @transform_1(%arg0: i32) -> (i32, i32) {
    %c0_i32 = arith.constant 0 : i32
    %c0_i32_0 = arith.constant 0 : i32
    return %arg0, %c0_i32 : i32, i32
  }
  func.func @transform_2(%arg0: i32) -> (i32, i32) {
    %c0_i32 = arith.constant 0 : i32
    %c0_i32_0 = arith.constant 0 : i32
    %c0_i32_1 = arith.constant 0 : i32
    return %c0_i32, %c0_i32_0 : i32, i32
  }
  func.func @transform_3(%arg0: i32) -> (i32, i32) {
    %c0_i32 = arith.constant 0 : i32
    %c0_i32_0 = arith.constant 0 : i32
    return %arg0, %c0_i32 : i32, i32
  }
}

module attributes {stable_mosaic.version = 14 : i64} {
  func.func @_x1h2_body(%arg0: i32, %arg1: memref<2x1000x128xf32, #tpu.memory_space<vmem>>, %arg2: memref<2x1000x1xf32, #tpu.memory_space<vmem>>, %arg3: memref<1x128xf32, #tpu.memory_space<vmem>>, %arg4: memref<128x128xf32, #tpu.memory_space<vmem>>, %arg5: memref<1000x128xf32, #tpu.memory_space<vmem>>) attributes {dimension_semantics = [#tpu.dimension_semantics<arbitrary>], iteration_bounds = array<i64: 10>, scalar_prefetch = 0 : i64, scratch_operands = 0 : i64, tpu.core_type = #tpu.core_type<tc>, window_params = [{transform_indices = @transform_0, window_bounds = array<i64: 2, 1000, 128>}, {transform_indices = @transform_1, window_bounds = array<i64: 2, 1000, 1>}, {pipeline_mode = #tpu.pipeline_mode<synchronous>, transform_indices = @transform_2, window_bounds = array<i64: 1, 128>}, {pipeline_mode = #tpu.pipeline_mode<synchronous>, transform_indices = @transform_3, window_bounds = array<i64: 128, 128>}, {transform_indices = @transform_4, window_bounds = array<i64: 1000, 128>}]} {
    %get3A = arith.constant 0 : index
    %get3A_0 = arith.constant 0 : index
    %get3A_1 = arith.constant 0 : index
    %get3A_2 = vector.load %arg2[%get3A, %get3A_0, %get3A_1] : memref<2x1000x1xf32, #tpu.memory_space<vmem>>, vector<1x1000x1xf32>
    %get3A_3 = vector.shape_cast %get3A_2 : vector<1x1000x1xf32> to vector<1000x1xf32>
    %get3A_4 = arith.constant 1 : index
    %get3A_5 = arith.constant 0 : index
    %get3A_6 = arith.constant 0 : index
    %get3A_7 = vector.load %arg2[%get3A_4, %get3A_5, %get3A_6] : memref<2x1000x1xf32, #tpu.memory_space<vmem>>, vector<1x1000x1xf32>
    %get3A_8 = vector.shape_cast %get3A_7 : vector<1x1000x1xf32> to vector<1000x1xf32>
    %add3A = arith.addf %get3A_3, %get3A_8 : vector<1000x1xf32>
    %add3A_9 = arith.constant 1.000000e+00 : f32
    %add3A_10 = vector.broadcast %add3A_9 : f32 to vector<1000x1xf32>
    %add3A_11 = arith.addf %add3A, %add3A_10 : vector<1000x1xf32>
    %rsqrt3A = math.rsqrt %add3A_11 : vector<1000x1xf32>
    %broadcast_in_dim3A = vector.shape_cast %rsqrt3A : vector<1000x1xf32> to vector<1000x1xf32>
    %broadcast_in_dim3A_12 = vector.broadcast %broadcast_in_dim3A : vector<1000x1xf32> to vector<1000x128xf32>
    %get3A_13 = arith.constant 0 : index
    %get3A_14 = arith.constant 0 : index
    %get3A_15 = arith.constant 0 : index
    %get3A_16 = vector.load %arg1[%get3A_13, %get3A_14, %get3A_15] : memref<2x1000x128xf32, #tpu.memory_space<vmem>>, vector<1x1000x128xf32>
    %get3A_17 = vector.shape_cast %get3A_16 : vector<1x1000x128xf32> to vector<1000x128xf32>
    %get3A_18 = arith.constant 1 : index
    %get3A_19 = arith.constant 0 : index
    %get3A_20 = arith.constant 0 : index
    %get3A_21 = vector.load %arg1[%get3A_18, %get3A_19, %get3A_20] : memref<2x1000x128xf32, #tpu.memory_space<vmem>>, vector<1x1000x128xf32>
    %get3A_22 = vector.shape_cast %get3A_21 : vector<1x1000x128xf32> to vector<1000x128xf32>
    %add3A_23 = arith.addf %get3A_17, %get3A_22 : vector<1000x128xf32>
    %mul3A = arith.mulf %broadcast_in_dim3A_12, %add3A_23 : vector<1000x128xf32>
    %get3A_24 = arith.constant 0 : index
    %get3A_25 = arith.constant 0 : index
    %get3A_26 = vector.load %arg3[%get3A_24, %get3A_25] : memref<1x128xf32, #tpu.memory_space<vmem>>, vector<1x128xf32>
    %add3A_27 = vector.broadcast %get3A_26 : vector<1x128xf32> to vector<1000x128xf32>
    %add3A_28 = arith.addf %mul3A, %add3A_27 : vector<1000x128xf32>
    %get3A_29 = arith.constant 0 : index
    %get3A_30 = arith.constant 0 : index
    %get3A_31 = vector.load %arg4[%get3A_29, %get3A_30] : memref<128x128xf32, #tpu.memory_space<vmem>>, vector<128x128xf32>
    %dot_general3A = arith.constant dense<0.000000e+00> : vector<1000x128xf32>
    %dot_general3A_32 = tpu.matmul %add3A_28, %get3A_31, %dot_general3A {dimension_numbers = #tpu.dot_dimension_numbers<[1], [0], [0], [1], [0, 0, 1, 1], [], []>, precision = #tpu.contract_precision<fp32>, transpose_lhs_hint = false} : vector<1000x128xf32>, vector<128x128xf32>, vector<1000x128xf32> -> vector<1000x128xf32>
    %mul3A_33 = arith.mulf %broadcast_in_dim3A_12, %dot_general3A_32 : vector<1000x128xf32>
    %swap3A = arith.constant 0 : index
    %swap3A_34 = arith.constant 0 : index
    %swap3A_35 = vector.load %arg5[%swap3A, %swap3A_34] : memref<1000x128xf32, #tpu.memory_space<vmem>>, vector<1000x128xf32>
    tpu.vector_store %arg5[%swap3A, %swap3A_34], %mul3A_33 {strides = array<i32>} : memref<1000x128xf32, #tpu.memory_space<vmem>>, vector<1000x128xf32>,
    return
  }
  func.func @transform_0(%arg0: i32) -> (i32, i32, i32) {
    %c0_i32 = arith.constant 0 : i32
    %c0_i32_0 = arith.constant 0 : i32
    %c0_i32_1 = arith.constant 0 : i32
    return %c0_i32, %arg0, %c0_i32_0 : i32, i32, i32
  }
  func.func @transform_1(%arg0: i32) -> (i32, i32, i32) {
    %c0_i32 = arith.constant 0 : i32
    %c0_i32_0 = arith.constant 0 : i32
    %c0_i32_1 = arith.constant 0 : i32
    return %c0_i32, %arg0, %c0_i32_0 : i32, i32, i32
  }
  func.func @transform_2(%arg0: i32) -> (i32, i32) {
    %c0_i32 = arith.constant 0 : i32
    %c0_i32_0 = arith.constant 0 : i32
    %c0_i32_1 = arith.constant 0 : i32
    return %c0_i32, %c0_i32_0 : i32, i32
  }
  func.func @transform_3(%arg0: i32) -> (i32, i32) {
    %c0_i32 = arith.constant 0 : i32
    %c0_i32_0 = arith.constant 0 : i32
    %c0_i32_1 = arith.constant 0 : i32
    return %c0_i32, %c0_i32_0 : i32, i32
  }
  func.func @transform_4(%arg0: i32) -> (i32, i32) {
    %c0_i32 = arith.constant 0 : i32
    %c0_i32_0 = arith.constant 0 : i32
    return %arg0, %c0_i32 : i32, i32
  }
}

module attributes {stable_mosaic.version = 14 : i64} {
  func.func @_final_body(%arg0: i32, %arg1: memref<2x1000x128xf32, #tpu.memory_space<vmem>>, %arg2: memref<2x1000x1xf32, #tpu.memory_space<vmem>>, %arg3: memref<1x128xf32, #tpu.memory_space<vmem>>, %arg4: memref<1000x128xf32, #tpu.memory_space<vmem>>) attributes {dimension_semantics = [#tpu.dimension_semantics<arbitrary>], iteration_bounds = array<i64: 10>, scalar_prefetch = 0 : i64, scratch_operands = 0 : i64, tpu.core_type = #tpu.core_type<tc>, window_params = [{transform_indices = @transform_0, window_bounds = array<i64: 2, 1000, 128>}, {transform_indices = @transform_1, window_bounds = array<i64: 2, 1000, 1>}, {pipeline_mode = #tpu.pipeline_mode<synchronous>, transform_indices = @transform_2, window_bounds = array<i64: 1, 128>}, {transform_indices = @transform_3, window_bounds = array<i64: 1000, 128>}]} {
    %get3A = arith.constant 0 : index
    %get3A_0 = arith.constant 0 : index
    %get3A_1 = arith.constant 0 : index
    %get3A_2 = vector.load %arg2[%get3A, %get3A_0, %get3A_1] : memref<2x1000x1xf32, #tpu.memory_space<vmem>>, vector<1x1000x1xf32>
    %get3A_3 = vector.shape_cast %get3A_2 : vector<1x1000x1xf32> to vector<1000x1xf32>
    %get3A_4 = arith.constant 1 : index
    %get3A_5 = arith.constant 0 : index
    %get3A_6 = arith.constant 0 : index
    %get3A_7 = vector.load %arg2[%get3A_4, %get3A_5, %get3A_6] : memref<2x1000x1xf32, #tpu.memory_space<vmem>>, vector<1x1000x1xf32>
    %get3A_8 = vector.shape_cast %get3A_7 : vector<1x1000x1xf32> to vector<1000x1xf32>
    %add3A = arith.addf %get3A_3, %get3A_8 : vector<1000x1xf32>
    %add3A_9 = arith.constant 1.000000e+00 : f32
    %add3A_10 = vector.broadcast %add3A_9 : f32 to vector<1000x1xf32>
    %add3A_11 = arith.addf %add3A, %add3A_10 : vector<1000x1xf32>
    %rsqrt3A = math.rsqrt %add3A_11 : vector<1000x1xf32>
    %broadcast_in_dim3A = vector.shape_cast %rsqrt3A : vector<1000x1xf32> to vector<1000x1xf32>
    %broadcast_in_dim3A_12 = vector.broadcast %broadcast_in_dim3A : vector<1000x1xf32> to vector<1000x128xf32>
    %get3A_13 = arith.constant 0 : index
    %get3A_14 = arith.constant 0 : index
    %get3A_15 = arith.constant 0 : index
    %get3A_16 = vector.load %arg1[%get3A_13, %get3A_14, %get3A_15] : memref<2x1000x128xf32, #tpu.memory_space<vmem>>, vector<1x1000x128xf32>
    %get3A_17 = vector.shape_cast %get3A_16 : vector<1x1000x128xf32> to vector<1000x128xf32>
    %get3A_18 = arith.constant 1 : index
    %get3A_19 = arith.constant 0 : index
    %get3A_20 = arith.constant 0 : index
    %get3A_21 = vector.load %arg1[%get3A_18, %get3A_19, %get3A_20] : memref<2x1000x128xf32, #tpu.memory_space<vmem>>, vector<1x1000x128xf32>
    %get3A_22 = vector.shape_cast %get3A_21 : vector<1x1000x128xf32> to vector<1000x128xf32>
    %add3A_23 = arith.addf %get3A_17, %get3A_22 : vector<1000x128xf32>
    %mul3A = arith.mulf %broadcast_in_dim3A_12, %add3A_23 : vector<1000x128xf32>
    %get3A_24 = arith.constant 0 : index
    %get3A_25 = arith.constant 0 : index
    %get3A_26 = vector.load %arg3[%get3A_24, %get3A_25] : memref<1x128xf32, #tpu.memory_space<vmem>>, vector<1x128xf32>
    %add3A_27 = vector.broadcast %get3A_26 : vector<1x128xf32> to vector<1000x128xf32>
    %add3A_28 = arith.addf %mul3A, %add3A_27 : vector<1000x128xf32>
    %swap3A = arith.constant 0 : index
    %swap3A_29 = arith.constant 0 : index
    %swap3A_30 = vector.load %arg4[%swap3A, %swap3A_29] : memref<1000x128xf32, #tpu.memory_space<vmem>>, vector<1000x128xf32>
    tpu.vector_store %arg4[%swap3A, %swap3A_29], %add3A_28 {strides = array<i32>} : memref<1000x128xf32, #tpu.memory_space<vmem>>, vector<1000x128xf32>,
    return
  }
  func.func @transform_0(%arg0: i32) -> (i32, i32, i32) {
    %c0_i32 = arith.constant 0 : i32
    %c0_i32_0 = arith.constant 0 : i32
    %c0_i32_1 = arith.constant 0 : i32
    return %c0_i32, %arg0, %c0_i32_0 : i32, i32, i32
  }
  func.func @transform_1(%arg0: i32) -> (i32, i32, i32) {
    %c0_i32 = arith.constant 0 : i32
    %c0_i32_0 = arith.constant 0 : i32
    %c0_i32_1 = arith.constant 0 : i32
    return %c0_i32, %arg0, %c0_i32_0 : i32, i32, i32
  }
  func.func @transform_2(%arg0: i32) -> (i32, i32) {
    %c0_i32 = arith.constant 0 : i32
    %c0_i32_0 = arith.constant 0 : i32
    %c0_i32_1 = arith.constant 0 : i32
    return %c0_i32, %c0_i32_0 : i32, i32
  }
  func.func @transform_3(%arg0: i32) -> (i32, i32) {
    %c0_i32 = arith.constant 0 : i32
    %c0_i32_0 = arith.constant 0 : i32
    return %arg0, %c0_i32 : i32, i32
  }
}

</mosaic_0001>

<sc_bundles>
// kernel: kernel.11.cloned.1.call-start
scs
__scs_entry_jumppad:
0x0: {  	(pc) =	sbr.rel $0x88, $3  }
0x1: {  	(tag) =	ssettag $0x0;
	lr =	simm.s32 $0x1  }
0x2: {  	[smem:$0x3F9B] =	sst lr;
	_ =	strace $0xD0000000  }
0x3: {  	_ = 	snop  }
0x4: {  	_ = 	snop  }
0x5: {  	_ = 	snop  }
0x6: {  	_ = 	snop  }
0x7: {  	_ = 	snop  }
__scs_overlays_trampoline_lowered:
0x8: {  	[smem:$0x3FAA] =	sst s0  }
0x9: {  	[smem:$0x3FAB] =	sst s1  }
0xa: {  	[smem:$0x3FAC] =	sst s2  }
0xb: {  	[smem:$0x3FAD] =	sst s3  }
0xc: {  	[smem:$0x3FAE] =	sst s4  }
0xd: {  	[smem:$0x3FAF] =	sst s5  }
0xe: {  	[smem:$0x3FB0] =	sst s6  }
0xf: {  	[smem:$0x3FB1] =	sst s7  }
0x10: {  	[smem:$0x3FB2] =	sst s8  }
0x11: {  	[smem:$0x3FB3] =	sst s9;
	s0 =	simm.s32 @!p0 $0x0  }
0x12: {  	s1 =	sld [smem:$0x3F99];
	s0 =	simm.s32 @p0 $0x1  }
0x13: {  	[smem:$0x3FB4] =	sst s0;
	s0 =	simm.s32 @!p1 $0x0  }
0x14: {  	s2 =	sld [smem:$0x3F98];
	s0 =	simm.s32 @p1 $0x1  }
0x15: {  	[smem:$0x3FB5] =	sst s0;
	s0 =	simm.s32 @!p2 $0x0  }
0x16: {  	s3 =	sld [smem:$0x3FDB];
	s0 =	simm.s32 @p2 $0x1  }
0x17: {  	s4 =	simm.s32 $0x1BF5;
	[smem:$0x3FB7] =	sst s0  }
0x18: {  	s0 =	sld [smem:$0x3F9A];
	_ =	swait.ge [sflag:s4], $0x0  }
0x19: {  	s7 =	sld [smem:$0x3F9B]  }
0x1a: {  	s8 =	sadd.s32 $0xFFFFE003, lr  }
0x1b: {  	s9 =	sadd.s32 $0xFFFFFEF7, lr;
	s5 =	simm.s32 $0xFFFFFFFF;
	p2 =	slt.u32 s8, $0xFFFFF086  }
0x1c: {  	p1 =	slt.u32 s9, $0xF7A;
	s5 =	simm.s32 @!p2 $0x0  }
0x1d: {  	s5 =	simm.s32 @p1 $0x1;
	p0 =	seq.s32 s7, s2  }
0x1e: {  	s7 =	smul.u32 @!p0 $0xF7A, s2;
	p2 =	seq.s32 @!p0 s5, $0x0  }
0x1f: {  	s9 =	smul.u32 $0xF7A, s1;
	s8 =	simm.s32 @!p0 $0x1BF5;
	p2 =	por !p2, p0  }
0x20: {  	[sflag:s8] =	ssyncset.s32 @!p0 $0xFFFFF086;
	s6 =	sadd.s32 @!p0 s3, s7;
	s7 =	simm.s32 @!p0 $0x108  }
0x21: {  	s3 =	sadd.s32 s3, s9;
	s6 =	sadd.s32 @!p0 $0x88, s6;
	s7 =	simm.s32 @p2 $0x1082  }
0x22: {  	[simem:s7], [sflag:s8] =	dma.local @!p0 [hbm:s6], $0xF7A  }
0x23: {  	s9 =	sor.u32 $0xD0000000, s2;
	s6 =	simm.s32 $0x108;
	_ =	swait.ge @!p0 [sflag:s8], $0x0  }
0x24: {  	s3 =	sadd.s32 $0x88, s3;
	s6 =	simm.s32 @!p1 $0x1082;
	[sflag:s4] =	ssyncset.s32 $0xFFFFF086  }
0x25: {  	[simem:s6], [sflag:s4] =	dma.local [hbm:s3], $0xF7A  }
0x26: {  	[smem:$0x3F9B] =	sst s1;
	(tag) =	ssettag s2;
	_ =	strace s9  }
0x27: {  	s1 =	sld [smem:$0x3FAB]  }
0x28: {  	s2 =	sld [smem:$0x3FAC]  }
0x29: {  	s4 =	sld [smem:$0x3FAE]  }
0x2a: {  	p0 =	seq.s32 s5, $0x0;
	s5 =	sld [smem:$0x3FAF]  }
0x2b: {  	s6 =	sld [smem:$0x3FB0]  }
0x2c: {  	s7 =	sld [smem:$0x3FB1]  }
0x2d: {  	s3 =	simm.s32 $0x108;
	s8 =	sld [smem:$0x3FB2]  }
0x2e: {  	s3 =	simm.s32 @!p0 $0x1082;
	s9 =	sld [smem:$0x3FB3]  }
0x2f: {  	lr =	sadd.s32 s0, s3;
	s0 =	sld [smem:$0x3FAA]  }
0x30: {  	s3 =	sld [smem:$0x3FAD]  }
0x31: {  	[smem:$0x3FB6] =	sst s10  }
0x32: {  	s10 =	sld [smem:$0x3FB4];
	_ =	sdelay $0x3  }
0x33: {  	p0 =	seq.s32 s10, $0x1;
	s10 =	sld [smem:$0x3FB6];
	_ =	sdelay $0x3  }
0x34: {  	[smem:$0x3FB6] =	sst s10  }
0x35: {  	s10 =	sld [smem:$0x3FB5];
	_ =	sdelay $0x3  }
0x36: {  	p1 =	seq.s32 s10, $0x1;
	s10 =	sld [smem:$0x3FB6];
	_ =	sdelay $0x3  }
0x37: {  	[smem:$0x3FB6] =	sst s10  }
0x38: {  	s10 =	sld [smem:$0x3FB7]  }
0x39: {  	_ = 	snop;
	(pc) =	sbr.ind lr, $3  }
0x3a: {  	_ = 	snop  }
0x3b: {  	_ = 	snop  }
0x3c: {  	p2 =	seq.s32 s10, $0x1;
	s10 =	sld [smem:$0x3FB6]  }
0x3d: {  	_ =	shalt  }
0x3e: {  	_ =	shalt  }
0x3f: {  	_ =	shalt  }
0x40: {  	_ =	shalt  }
0x41: {  	_ =	shalt  }
0x42: {  	_ =	shalt  }
0x43: {  	_ =	shalt  }
0x44: {  	_ =	shalt  }
0x45: {  	_ =	shalt  }
0x46: {  	_ =	shalt  }
0x47: {  	_ =	shalt  }
0x48: {  	_ =	shalt  }
0x49: {  	_ =	shalt  }
0x4a: {  	_ =	shalt  }
0x4b: {  	_ =	shalt  }
0x4c: {  	_ =	shalt  }
0x4d: {  	_ =	shalt  }
0x4e: {  	_ =	shalt  }
0x4f: {  	_ =	shalt  }
0x50: {  	_ =	shalt  }
0x51: {  	_ =	shalt  }
0x52: {  	_ =	shalt  }
0x53: {  	_ =	shalt  }
0x54: {  	_ =	shalt  }
0x55: {  	_ =	shalt  }
0x56: {  	_ =	shalt  }
0x57: {  	_ =	shalt  }
0x58: {  	_ =	shalt  }
0x59: {  	_ =	shalt  }
0x5a: {  	_ =	shalt  }
0x5b: {  	_ =	shalt  }
0x5c: {  	_ =	shalt  }
0x5d: {  	_ =	shalt  }
0x5e: {  	_ =	shalt  }
0x5f: {  	_ =	shalt  }
0x60: {  	_ =	shalt  }
0x61: {  	_ =	shalt  }
0x62: {  	_ =	shalt  }
0x63: {  	_ =	shalt  }
0x64: {  	_ =	shalt  }
0x65: {  	_ =	shalt  }
0x66: {  	_ =	shalt  }
0x67: {  	_ =	shalt  }
0x68: {  	_ =	shalt  }
0x69: {  	_ =	shalt  }
0x6a: {  	_ =	shalt  }
0x6b: {  	_ =	shalt  }
0x6c: {  	_ =	shalt  }
0x6d: {  	_ =	shalt  }
0x6e: {  	_ =	shalt  }
0x6f: {  	_ =	shalt  }
0x70: {  	_ =	shalt  }
0x71: {  	_ =	shalt  }
0x72: {  	_ =	shalt  }
0x73: {  	_ =	shalt  }
0x74: {  	_ =	shalt  }
0x75: {  	_ =	shalt  }
0x76: {  	_ =	shalt  }
0x77: {  	_ =	shalt  }
0x78: {  	_ =	shalt  }
0x79: {  	_ =	shalt  }
0x7a: {  	_ =	shalt  }
0x7b: {  	_ =	shalt  }
0x7c: {  	_ =	shalt  }
0x7d: {  	_ =	shalt  }
0x7e: {  	_ =	shalt  }
0x7f: {  	_ =	shalt  }
0x80: {  	_ =	shalt  }
0x81: {  	_ =	shalt  }
0x82: {  	_ =	shalt  }
0x83: {  	_ =	shalt  }
0x84: {  	_ =	shalt  }
0x85: {  	_ =	shalt  }
0x86: {  	_ =	shalt  }
0x87: {  	_ =	shalt  }
.Lfunc_end0:
.L_simem_size_0:
called_computation.1_lowered:
.L_overlay_start_0:
0x88: {  	s2 =	sld [smem:$0x3FD9]  }
0x89: {  	s3 =	sld [smem:$0x3FFE];
	_ =	sdelay $0x1  }
0x8a: {  	s1 =	srdreg.scid  }
0x8b: {  	s0 =	sand.u32 $0x1, s1  }
0x8c: {  	s17 =	sshll.u32 s0, $0xA;
	s2 =	sadd.s32 s3, s2  }
0x8d: {  	s2 =	sadd.s32 s2, s17  }
0x8e: {  	[smem:$0x3FC2] =	sst s2  }
0x8f: {  	_ = 	snop  }
0x90: {  	s2 =	sld [smem:$0x3FD0];
	(tm) =	ssettm $0x1  }
0x91: {  	s18 =	sld [smem:$0x3FFB];
	_ =	sdelay $0x3  }
0x92: {  	_ =	strace s18  }
0x93: {  	s3 =	sld [smem:$0x3FFC];
	_ =	sdelay $0x3  }
0x94: {  	_ =	strace s3  }
0x95: {  	s3 =	sld [smem:$0x3FFD];
	_ =	sdelay $0x3  }
0x96: {  	_ =	strace s3  }
0x97: {  	_ =	strace $0x8FFFFFFF  }
0x98: {  	s19 =	sld [smem:$0x3FDB];
	_ =	sdelay $0x1  }
0x99: {  	s4 =	simm.s32 $_scs_section_size  }
0x9a: {  	s5 =	simm.s32 $_size__tile_overlayer_lowered;
	s6 =	simm.s32 $_tile_overlayer_lowered  }
0x9b: {  	s22 =	simm.s32 $0x1BFF;
	s21 =	sshll.u32 s6, $0x1;
	s3 =	sadd.s32 s4, s19  }
0x9c: {  	s7 =	simm.s32 $0x0;
	s20 =	sshll.u32 s5, $0x1;
	s5 =	sadd.s32 s21, s3  }
0x9d: {  	[timem:s7], [sflag:s22] =	dma.local [hbm:s5], s20  }
0x9e: {  	_ =	swait.ge [sflag:s22], s20  }
0x9f: {  	s4 =	ssub.s32 $0x0, s20;
	[sflag:s22] =	ssyncset.done $0x0  }
0xa0: {  	[sflag:s22] =	ssyncadd.s32 s4;
	_ =	sdelay $0x1  }
0xa1: {  	s23 =	simm.s32 $0x1B8B  }
0xa2: {  	_ =	swait.ge [sflag:s23], $0x1  }
0xa3: {  	[sflag:s23] =	ssyncset.done $0x0  }
0xa4: {  	s25 =	simm.s32 $0x1B8E;
	s24 =	sld [smem:$0x3FFE];
	[sflag:s23] =	ssyncadd.s32 $0xFFFFFFFF  }
0xa5: {  	s26 =	simm.s32 $execute0_lowered;
	[smem:$0x3FD2] =	sst s25  }
0xa6: {  	s5 =	sshll.u32 s26, $0x1;
	_ =	strace $0x80000049;
	[dreg:$0x1] =	wrdreg $0xFFFFFFFF  }
0xa7: {  	s28 =	simm.s32 $_size_execute0_lowered;
	s3 =	sadd.s32 s3, s5;
	[dreg:$0x0] =	wrdreg $0x0  }
0xa8: {  	s5 =	sshll.u32 s28, $0x1;
	[dreg:$0x2] =	wrdreg s3  }
0xa9: {  	[dreg:$0x3] =	wrdreg s5  }
0xaa: {  	[dreg:$0x4] =	wrdreg $0xC0  }
0xab: {  	_ =	task [dreg:s7], $0x5FFFF  }
0xac: {  	[dreg:$0x1] =	wrdreg $0xFFFFFFFF  }
0xad: {  	[dreg:$0x0] =	wrdreg $0x60  }
0xae: {  	[dreg:$0x2] =	wrdreg s24  }
0xaf: {  	[dreg:$0x3] =	wrdreg s2  }
0xb0: {  	[dreg:$0x4] =	wrdreg $0x84000  }
0xb1: {  	[dreg:$0x5] =	wrdreg $0x9  }
0xb2: {  	_ =	task.clear_ibuf [dreg:s7], $0x6FFFF;
	_ =	strace $0x90000049  }
0xb3: {  	s29 =	simm.s32 $0x9;
	_ =	strace $0x8000004B  }
0xb4: {  	_ =	swait.ge [sflag:s29], $0x1  }
0xb5: {  	[sflag:s29] =	ssyncadd.s32 $0xFFFFFFFF  }
0xb6: {  	_ =	strace $0x9000004B  }
0xb7: {  	_ =	sfence  }
0xb8: {  	s30 =	sld [smem:$0x0];
	_ =	sdelay $0x2  }
0xb9: {  	s31 =	sshll.u32 s1, $0xD;
	s1 =	sshrl.u32 s1, $0x2  }
0xba: {  	s3 =	sand.u32 $0x4000, s31;
	s1 =	sadd.s32 s1, s30  }
0xbb: {  	s0 =	sor.u32 s3, s0;
	s1 =	sshll.u32 s1, $0x11  }
0xbc: {  	s0 =	sor.u32 s1, s0  }
0xbd: {  	s0 =	sadd.s32 $0x8F2B, s0  }
0xbe: {  	[sflag:s0] =	ssyncadd.remote.s32 $0x1  }
0xbf: {  	_ =	sfence.sel $0xFFFF  }
0xc0: {  	[dreg:$0x0] =	wrdreg $0xFFFFFFFF;
	(pc) =	sbr.abs _section_cstart, $3  }
0xc1: {  	[dreg:$0x1] =	wrdreg $0xFFFFFFFF  }
0xc2: {  	_ =	task.clear_ibuf [dreg:s7], $0x2FFFF;
	_ =	strace $0x9FFFFFFF  }
0xc3: {  	(tm) =	ssettm $0x7FFFFFFF  }
tec
execute0_lowered:
.L_overlay_start_1:
0x0: {  	(tag) =	ssettag $0x1  }
0x1: {  	s0 =	rddreg [dreg:$0x0]  }
0x2: {  	s2 =	rddreg [dreg:$0x1]  }
0x3: {  	s1 =	srdreg.scid;
	s3 =	rddreg [dreg:$0x2]  }
0x4: {  	s14 =	stileid.u32;
	s4 =	simm.s32 $0x0;
	s28 =	simm.s32 $0x100  }
0x5: {  	s29 =	simm.s32 $0x4400;
	s30 =	simm.s32 $0x80;
	s31 =	simm.s32 $0x2  }
0x6: {  	s1 =	sand.u32 $0x1, s1;
	s6 =	smul.u32 $0x14000, s14;
	[smem:$0x7FF] =	sst s4  }
0x7: {  	s7 =	sadd.s32 $0x3C00, s0;
	s8 =	smul.u32 $0x50000, s14;
	s9 =	sshll.u32 s14, $0x1  }
0x8: {  	s10 =	smul.u32 $0x2800, s14;
	s18 =	sadd.s32 $0x25800, s2;
	s19 =	sadd.s32 $0x138800, s3  }
0x9: {  	s21 =	smul.u32 $0xA000, s14;
	_ =	strace $0x8000004A;
	[dreg:$0x6] =	wrdreg s18  }
0xa: {  	s20 =	sadd.s32 $0x13C680, s3;
	s5 =	smul.u32 $0x140000, s1;
	[dreg:$0x7] =	wrdreg s19  }
0xb: {  	s12 =	ssub.s32 $0x2, s1;
	s9 =	sor.u32 s1, s9;
	[dreg:$0x8] =	wrdreg s20  }
0xc: {  	s23 =	smul.u32 $0x5000, s1;
	p0 =	seq.s32 s1, $0x0;
	s1 =	simm.s32 $0x0  }
0xd: {  	s13 =	sshrl.u32 s12, $0x1;
	s8 =	sshrl.u32 s8, $0x2;
	s15 =	smul.u32 $0x5000, s9  }
0xe: {  	s17 =	sadd.s32 s2, s10;
	s9 =	sadd.s32 $0x12C000, s3;
	p2 =	seq.s32 @p0 s14, $0xF  }
0xf: {  	s10 =	simm.s32 $0x380;
	s5 =	sadd.s32 s6, s5;
	s6 =	ssub.s32 s12, s13  }
0x10: {  	[dreg:$0x5] =	wrdreg s17;
	p1 =	por !p2, !p0;
	s5 =	sshrl.u32 s5, $0x3  }
0x11: {  	p2 =	por p2, !p0;
	s6 =	smax.u32 s6, $0x1;
	s0 =	sadd.s32 s5, s0  }
0x12: {  	s5 =	sadd.s32 s8, s3;
	s8 =	sshrl.u32 s15, $0x3;
	[dreg:$0xb] =	wrdreg s6  }
0x13: {  	s6 =	simm.s32 $0x180;
	s16 =	sadd.s32 $0x13880, s5;
	s11 =	sadd.s32 s7, s8  }
0x14: {  	s0 =	sadd.s32 $0x67C00, s0;
	s24 =	sadd.s32 $0x3E80, s5;
	[dreg:$0x4] =	wrdreg s16  }
0x15: {  	s17 =	sadd.s32 $0xBB80, s5;
	s18 =	sadd.s32 $0xFA00, s5;
	[dreg:$0xa] =	wrdreg s0  }
0x16: {  	s8 =	simm.s32 $0x280;
	s22 =	sadd.s32 $0x40, s11;
	[dreg:$0xc] =	wrdreg s24  }
0x17: {  	s16 =	sadd.s32 $0x7D00, s5;
	s0 =	sadd.s32 s23, s21;
	s21 =	sshrl.u32 @!p1 s9, $0x3  }
0x18: {  	s23 =	simm.s32 $0x7D;
	s24 =	simm.s32 $0x400;
	s9 =	simm.s32 $0x1  }
0x19: {  	[dreg:$0x9] =	wrdreg s22;
	s25 =	sor.u32 $0x600, s0;
	s0 =	sor.u32 $0x400, s0  }
0x1a: {  	s22 =	simm.s32 $0x5;
	s26 =	sshrl.u32 s25, $0x3;
	s0 =	sshrl.u32 s0, $0x3  }
0x1b: {  	s25 =	simm.s32 $0x200;
	s19 =	sadd.s32 s26, s7;
	s20 =	sadd.s32 s0, s7  }
0x1c: {  	v0 =	vimm.f32 $0.0e+00;
	s26 =	simm.s32 $0x3;
	s0 =	simm.s32 $0x4;
	s7 =	simm.s32 $0x300  }
.LBB2_1:
0x1d: {  	s12 =	simm.s32 $0x0;
	s13 =	simm.s32 $0x200  }
.LBB2_2:
0x1e: {  	p3 =	sne.s32 s13, $0xF800;
	[tilespmem:s12+$0x4470] =	vst v0  }
0x1f: {  	[tilespmem:s12+$0x400] =	vst v0  }
0x20: {  	[tilespmem:s12+$0x4400] =	vst v0  }
0x21: {  	[tilespmem:s12+$0x410] =	vst v0  }
0x22: {  	[tilespmem:s12+$0x4410] =	vst v0  }
0x23: {  	[tilespmem:s12+$0x420] =	vst v0  }
0x24: {  	[tilespmem:s12+$0x4420] =	vst v0  }
0x25: {  	[tilespmem:s12+$0x430] =	vst v0  }
0x26: {  	[tilespmem:s12+$0x4430] =	vst v0  }
0x27: {  	[tilespmem:s12+$0x440] =	vst v0  }
0x28: {  	[tilespmem:s12+$0x4440] =	vst v0  }
.Ltmp0:
0x29: {  	[tilespmem:s12+$0x450] =	vst v0;
	(pc) =	sbr.rel @p3 .LBB2_2-.Ltmp0, $4  }
0x2a: {  	[tilespmem:s12+$0x4450] =	vst v0  }
0x2b: {  	[tilespmem:s12+$0x460] =	vst v0  }
0x2c: {  	[tilespmem:s12+$0x4460] =	vst v0  }
0x2d: {  	[tilespmem:s12+$0x470] =	vst v0;
	s12 =	sshra.s32 s13, $0x2;
	s13 =	sadd.s32 $0x200, s13  }
0x2e: {  	[tilespmem:s12+$0x4470] =	vst v0  }
0x2f: {  	[tilespmem:s12+$0x400] =	vst v0  }
0x30: {  	[tilespmem:s12+$0x4400] =	vst v0  }
0x31: {  	[tilespmem:s12+$0x410] =	vst v0  }
0x32: {  	[tilespmem:s12+$0x4410] =	vst v0  }
0x33: {  	[tilespmem:s12+$0x420] =	vst v0  }
0x34: {  	[tilespmem:s12+$0x4420] =	vst v0  }
0x35: {  	[tilespmem:s12+$0x430] =	vst v0  }
0x36: {  	[tilespmem:s12+$0x4430] =	vst v0  }
0x37: {  	[tilespmem:s12+$0x440] =	vst v0  }
0x38: {  	[tilespmem:s12+$0x4440] =	vst v0  }
0x39: {  	[tilespmem:s12+$0x450] =	vst v0  }
0x3a: {  	[tilespmem:s12+$0x4450] =	vst v0  }
0x3b: {  	[tilespmem:s12+$0x460] =	vst v0  }
0x3c: {  	[tilespmem:s12+$0x4460] =	vst v0  }
0x3d: {  	[tilespmem:s12+$0x470] =	vst v0;
	s12 =	simm.s32 @!p1 $0x1FC5;
	s13 =	rddreg [dreg:$0x6]  }
0x3e: {  	[spmem:s21], [sflag:s12] =	dma.local @!p1 [hbm:s13], $0x1900  }
0x3f: {  	s12 =	simm.s32 @!p1 $0x5  }
0x40: {  	_ =	swait.ge @!p1 [sflag:s12], $0x1900  }
0x41: {  	[sflag:s12] =	ssyncset.done @!p1 $0x0  }
0x42: {  	s13 =	simm.s32 @!p1 $0x400;
	s15 =	rddreg [dreg:$0x7];
	[sflag:s12] =	ssyncadd.s32 @!p1 $0xFFFFE700  }
0x43: {  	[spmem:s15] =	stream.linear.scatter @!p1 [tilespmem:s13], [sflag:$0x5], $0x3E80, $0x38;
	[tilespmem:$0x1C400] =	vst v63  }
0x44: {  	_ =	swait.ge @!p1 [sflag:s12], $0x3E80  }
0x45: {  	[sflag:s12] =	ssyncset.done @!p1 $0x0  }
0x46: {  	s13 =	simm.s32 @!p1 $0x4400;
	s15 =	rddreg [dreg:$0x8];
	[sflag:s12] =	ssyncadd.s32 @!p1 $0xFFFFC180  }
0x47: {  	[spmem:s15] =	stream.linear.scatter @!p1 [tilespmem:s13], [sflag:$0x5], $0x3980, $0x38;
	[tilespmem:$0x1C400] =	vst v63  }
0x48: {  	_ =	swait.ge @!p1 [sflag:s12], $0x3980  }
0x49: {  	s13 =	sshll.u32 @!p2 s14, $0x6;
	[sflag:s12] =	ssyncset.done @!p1 $0x0;
	s14 =	rddreg [dreg:$0x5]  }
0x4a: {  	[sflag:s12] =	ssyncadd.s32 @!p1 $0xFFFFC680;
	s12 =	sor.u32 @!p2 $0x1C05, s13;
	s13 =	sshrl.u32 @!p2 s5, $0x3  }
0x4b: {  	[spmem:s13], [sflag:s12] =	dma.local @!p2 [hbm:s14], $0x2800  }
0x4c: {  	s12 =	simm.s32 @!p2 $0x5  }
0x4d: {  	_ =	swait.ge @!p2 [sflag:s12], $0x2800  }
0x4e: {  	[sflag:s12] =	ssyncset.done @!p2 $0x0  }
0x4f: {  	s13 =	simm.s32 @!p0 $0x5;
	[sflag:s12] =	ssyncadd.s32 @!p2 $0xFFFFD800;
	s12 =	simm.s32 @!p0 $0x400  }
0x50: {  	[spmem:s5] =	stream.linear.scatter @!p0 [tilespmem:s12], [sflag:$0x5], $0x3E80, $0x38;
	[tilespmem:$0x1C400] =	vst v63  }
0x51: {  	_ =	swait.ge @!p0 [sflag:s13], $0x3E80  }
0x52: {  	[sflag:s13] =	ssyncset.done @!p0 $0x0  }
0x53: {  	s14 =	rddreg [dreg:$0xc];
	[sflag:s13] =	ssyncadd.s32 @!p0 $0xFFFFC180  }
0x54: {  	[spmem:s14] =	stream.linear.scatter @!p0 [tilespmem:s12], [sflag:$0x5], $0x3E80, $0x38;
	[tilespmem:$0x1C400] =	vst v63  }
0x55: {  	_ =	swait.ge @!p0 [sflag:s13], $0x3E80  }
0x56: {  	[sflag:s13] =	ssyncset.done @!p0 $0x0  }
0x57: {  	[sflag:s13] =	ssyncadd.s32 @!p0 $0xFFFFC180  }
0x58: {  	[spmem:s16] =	stream.linear.scatter @!p0 [tilespmem:s12], [sflag:$0x5], $0x3E80, $0x38;
	[tilespmem:$0x1C400] =	vst v63  }
0x59: {  	_ =	swait.ge @!p0 [sflag:s13], $0x3E80  }
0x5a: {  	[sflag:s13] =	ssyncset.done @!p0 $0x0  }
0x5b: {  	[sflag:s13] =	ssyncadd.s32 @!p0 $0xFFFFC180  }
0x5c: {  	[spmem:s17] =	stream.linear.scatter @!p0 [tilespmem:s12], [sflag:$0x5], $0x3E80, $0x38;
	[tilespmem:$0x1C400] =	vst v63  }
0x5d: {  	_ =	swait.ge @!p0 [sflag:s13], $0x3E80  }
0x5e: {  	[sflag:s13] =	ssyncset.done @!p0 $0x0  }
0x5f: {  	[sflag:s13] =	ssyncadd.s32 @!p0 $0xFFFFC180  }
0x60: {  	[spmem:s18] =	stream.linear.scatter @!p0 [tilespmem:s12], [sflag:$0x5], $0x3E80, $0x38;
	[tilespmem:$0x1C400] =	vst v63  }
0x61: {  	_ =	swait.ge @!p0 [sflag:s13], $0x3E80  }
0x62: {  	[sflag:s13] =	ssyncset.done @!p0 $0x0  }
0x63: {  	s12 =	simm.s32 @!p0 $0x4400;
	s14 =	rddreg [dreg:$0x4];
	[sflag:s13] =	ssyncadd.s32 @!p0 $0xFFFFC180  }
0x64: {  	[spmem:s14] =	stream.linear.scatter @!p0 [tilespmem:s12], [sflag:$0x5], $0x780, $0x38;
	[tilespmem:$0x1C400] =	vst v63  }
0x65: {  	_ =	swait.ge @!p0 [sflag:s13], $0x780  }
0x66: {  	[sflag:s13] =	ssyncset.done @!p0 $0x0  }
0x67: {  	[sflag:s13] =	ssyncadd.s32 @!p0 $0xFFFFF880  }
0x68: {  	s13 =	simm.s32 $0x0;
	[bflag:$0x0] =	sbarrier.arrive $0xFFFF  }
0x69: {  	[tilespmem:s13], [sflag:$0x5] =	stream.linear.gather [hbm4b:s11+s13], $0x200, $0x38;
	[tilespmem:$0x1C400] =	vst v63  }
0x6a: {  	_ =	swait.ge [sflag:s22], $0x200  }
0x6b: {  	[sflag:s22] =	ssyncset.done $0x0  }
0x6c: {  	[sflag:s22] =	ssyncadd.s32 $0xFFFFFE00  }
0x6d: {  	[tilespmem:s24], [sflag:$0x3] =	stream.indirect.gather [hbm4b:s2+s23], $0x80, s13, s23, $0xb8;
	[tilespmem:$0x1C400] =	vst v63  }
0x6e: {  	s14 =	rddreg [dreg:$0x9]  }
0x6f: {  	[tilespmem:s25], [sflag:$0x2] =	stream.linear.gather [hbm4b:s14+s13], $0x200, $0x38;
	[tilespmem:$0x1C400] =	vst v63  }
0x70: {  	_ =	swait.ge [sflag:s26], $0x3E80  }
0x71: {  	[sflag:s26] =	ssyncset.done $0x0  }
0x72: {  	[sflag:s26] =	ssyncadd.s32 $0xFFFFC180  }
0x73: {  	[tilespmem:s29], [sflag:$0x4] =	stream.indirect.gather [hbm4b:s2+s23], $0x80, s28, s23, $0xb8;
	[tilespmem:$0x1C400] =	vst v63  }
0x74: {  	_ = 	snop  }
0x75: {  	[spmem:s3] =	stream.indirect.scatter.add.f32 [tilespmem:s24], [sflag:$0x5], $0x80, s30, s23, $0xb8;
	[tilespmem:$0x1C400] =	vst v63  }
0x76: {  	_ =	swait.ge [sflag:s22], $0x3E80  }
0x77: {  	[sflag:s22] =	ssyncset.done $0x0  }
0x78: {  	[sflag:s22] =	ssyncadd.s32 $0xFFFFC180  }
0x79: {  	_ =	swait.ge [sflag:s31], $0x200  }
0x7a: {  	[sflag:s31] =	ssyncset.done $0x0  }
0x7b: {  	[sflag:s31] =	ssyncadd.s32 $0xFFFFFE00  }
0x7c: {  	[tilespmem:s24], [sflag:$0x3] =	stream.indirect.gather [hbm4b:s2+s23], $0x80, s25, s23, $0xb8;
	[tilespmem:$0x1C400] =	vst v63  }
0x7d: {  	_ =	swait.ge [sflag:s0], $0x3E80  }
0x7e: {  	[sflag:s0] =	ssyncset.done $0x0  }
0x7f: {  	[sflag:s0] =	ssyncadd.s32 $0xFFFFC180  }
0x80: {  	[spmem:s3] =	stream.indirect.scatter.add.f32 [tilespmem:s29], [sflag:$0x5], $0x80, s6, s23, $0xb8;
	[tilespmem:$0x1C400] =	vst v63  }
0x81: {  	_ =	swait.ge [sflag:s22], $0x3E80  }
0x82: {  	[sflag:s22] =	ssyncset.done $0x0  }
0x83: {  	s15 =	sadd.s32 $0x0, s20;
	[sflag:s22] =	ssyncadd.s32 $0xFFFFC180  }
0x84: {  	[tilespmem:s4], [sflag:$0x1] =	stream.linear.gather [hbm4b:s15+s4], $0x200, $0x38;
	[tilespmem:$0x1C400] =	vst v63  }
0x85: {  	_ =	swait.ge [sflag:s26], $0x3E80  }
0x86: {  	[sflag:s26] =	ssyncset.done $0x0  }
0x87: {  	[sflag:s26] =	ssyncadd.s32 $0xFFFFC180  }
0x88: {  	[tilespmem:s29], [sflag:$0x4] =	stream.indirect.gather [hbm4b:s2+s23], $0x80, s7, s23, $0xb8;
	[tilespmem:$0x1C400] =	vst v63  }
0x89: {  	_ = 	snop  }
0x8a: {  	[spmem:s3] =	stream.indirect.scatter.add.f32 [tilespmem:s24], [sflag:$0x5], $0x80, s8, s23, $0xb8;
	[tilespmem:$0x1C400] =	vst v63  }
0x8b: {  	_ =	swait.ge [sflag:s22], $0x3E80  }
0x8c: {  	[sflag:s22] =	ssyncset.done $0x0  }
0x8d: {  	[sflag:s22] =	ssyncadd.s32 $0xFFFFC180  }
0x8e: {  	_ =	swait.ge [sflag:s9], $0x200  }
0x8f: {  	[sflag:s9] =	ssyncset.done $0x0  }
0x90: {  	[sflag:s9] =	ssyncadd.s32 $0xFFFFFE00  }
0x91: {  	[tilespmem:s24], [sflag:$0x3] =	stream.indirect.gather [hbm4b:s2+s23], $0x80, s4, s23, $0xb8;
	[tilespmem:$0x1C400] =	vst v63  }
0x92: {  	_ =	swait.ge [sflag:s0], $0x3E80  }
0x93: {  	[sflag:s0] =	ssyncset.done $0x0  }
0x94: {  	[sflag:s0] =	ssyncadd.s32 $0xFFFFC180  }
0x95: {  	[spmem:s3] =	stream.indirect.scatter.add.f32 [tilespmem:s29], [sflag:$0x5], $0x80, s10, s23, $0xb8;
	[tilespmem:$0x1C400] =	vst v63  }
0x96: {  	_ =	swait.ge [sflag:s22], $0x3E80  }
0x97: {  	[sflag:s22] =	ssyncset.done $0x0  }
0x98: {  	s12 =	simm.s32 $0x80;
	s13 =	sadd.s32 $0x0, s19;
	[sflag:s22] =	ssyncadd.s32 $0xFFFFC180  }
.LBB2_4:
0x99: {  	[tilespmem:s25], [sflag:$0x2] =	stream.linear.gather [hbm4b:s13+s4], $0x200, $0x38;
	[tilespmem:$0x1C400] =	vst v63  }
0x9a: {  	s13 =	smov.u32 s12  }
0x9b: {  	p3 =	sne.s32 s12, $0x900;
	s12 =	sadd.s32 $0x80, s12;
	_ =	swait.ge [sflag:s26], $0x3E80  }
0x9c: {  	[sflag:s26] =	ssyncset.done $0x0  }
0x9d: {  	[sflag:s26] =	ssyncadd.s32 $0xFFFFC180  }
0x9e: {  	[tilespmem:s29], [sflag:$0x4] =	stream.indirect.gather [hbm4b:s2+s23], $0x80, s28, s23, $0xb8;
	[tilespmem:$0x1C400] =	vst v63  }
0x9f: {  	_ = 	snop  }
0xa0: {  	[spmem:s3] =	stream.indirect.scatter.add.f32 [tilespmem:s24], [sflag:$0x5], $0x80, s30, s23, $0xb8;
	[tilespmem:$0x1C400] =	vst v63  }
0xa1: {  	_ =	swait.ge [sflag:s22], $0x3E80  }
0xa2: {  	[sflag:s22] =	ssyncset.done $0x0  }
0xa3: {  	[sflag:s22] =	ssyncadd.s32 $0xFFFFC180  }
0xa4: {  	_ =	swait.ge [sflag:s31], $0x200  }
0xa5: {  	[sflag:s31] =	ssyncset.done $0x0  }
0xa6: {  	[sflag:s31] =	ssyncadd.s32 $0xFFFFFE00  }
0xa7: {  	[tilespmem:s24], [sflag:$0x3] =	stream.indirect.gather [hbm4b:s2+s23], $0x80, s25, s23, $0xb8;
	[tilespmem:$0x1C400] =	vst v63  }
0xa8: {  	_ =	swait.ge [sflag:s0], $0x3E80  }
0xa9: {  	[sflag:s0] =	ssyncset.done $0x0  }
0xaa: {  	[sflag:s0] =	ssyncadd.s32 $0xFFFFC180  }
0xab: {  	[spmem:s3] =	stream.indirect.scatter.add.f32 [tilespmem:s29], [sflag:$0x5], $0x80, s6, s23, $0xb8;
	[tilespmem:$0x1C400] =	vst v63  }
0xac: {  	_ =	swait.ge [sflag:s22], $0x3E80  }
0xad: {  	[sflag:s22] =	ssyncset.done $0x0  }
0xae: {  	s14 =	sadd.s32 s13, s20;
	[sflag:s22] =	ssyncadd.s32 $0xFFFFC180  }
0xaf: {  	[tilespmem:s4], [sflag:$0x1] =	stream.linear.gather [hbm4b:s14+s4], $0x200, $0x38;
	[tilespmem:$0x1C400] =	vst v63  }
0xb0: {  	_ =	swait.ge [sflag:s26], $0x3E80  }
0xb1: {  	[sflag:s26] =	ssyncset.done $0x0  }
0xb2: {  	[sflag:s26] =	ssyncadd.s32 $0xFFFFC180  }
0xb3: {  	[tilespmem:s29], [sflag:$0x4] =	stream.indirect.gather [hbm4b:s2+s23], $0x80, s7, s23, $0xb8;
	[tilespmem:$0x1C400] =	vst v63  }
0xb4: {  	_ = 	snop  }
0xb5: {  	[spmem:s3] =	stream.indirect.scatter.add.f32 [tilespmem:s24], [sflag:$0x5], $0x80, s8, s23, $0xb8;
	[tilespmem:$0x1C400] =	vst v63  }
0xb6: {  	_ =	swait.ge [sflag:s22], $0x3E80  }
0xb7: {  	[sflag:s22] =	ssyncset.done $0x0  }
0xb8: {  	[sflag:s22] =	ssyncadd.s32 $0xFFFFC180  }
0xb9: {  	_ =	swait.ge [sflag:s9], $0x200  }
0xba: {  	[sflag:s9] =	ssyncset.done $0x0  }
0xbb: {  	[sflag:s9] =	ssyncadd.s32 $0xFFFFFE00  }
0xbc: {  	[tilespmem:s24], [sflag:$0x3] =	stream.indirect.gather [hbm4b:s2+s23], $0x80, s4, s23, $0xb8;
	[tilespmem:$0x1C400] =	vst v63  }
0xbd: {  	_ =	swait.ge [sflag:s0], $0x3E80  }
0xbe: {  	[sflag:s0] =	ssyncset.done $0x0  }
.Ltmp1:
0xbf: {  	[sflag:s0] =	ssyncadd.s32 $0xFFFFC180;
	(pc) =	sbr.rel @p3 .LBB2_4-.Ltmp1, $4  }
0xc0: {  	[spmem:s3] =	stream.indirect.scatter.add.f32 [tilespmem:s29], [sflag:$0x5], $0x80, s10, s23, $0xb8;
	[tilespmem:$0x1C400] =	vst v63  }
0xc1: {  	_ =	swait.ge [sflag:s22], $0x3E80  }
0xc2: {  	[sflag:s22] =	ssyncset.done $0x0  }
0xc3: {  	s13 =	sadd.s32 s13, s19;
	[sflag:s22] =	ssyncadd.s32 $0xFFFFC180  }
0xc4: {  	[tilespmem:s25], [sflag:$0x2] =	stream.linear.gather [hbm4b:s13+s4], $0x200, $0x38;
	[tilespmem:$0x1C400] =	vst v63  }
0xc5: {  	_ =	swait.ge [sflag:s26], $0x3E80  }
0xc6: {  	[sflag:s26] =	ssyncset.done $0x0  }
0xc7: {  	[sflag:s26] =	ssyncadd.s32 $0xFFFFC180  }
0xc8: {  	[tilespmem:s29], [sflag:$0x4] =	stream.indirect.gather [hbm4b:s2+s23], $0x80, s28, s23, $0xb8;
	[tilespmem:$0x1C400] =	vst v63  }
0xc9: {  	_ = 	snop  }
0xca: {  	[spmem:s3] =	stream.indirect.scatter.add.f32 [tilespmem:s24], [sflag:$0x5], $0x80, s30, s23, $0xb8;
	[tilespmem:$0x1C400] =	vst v63  }
0xcb: {  	_ =	swait.ge [sflag:s22], $0x3E80  }
0xcc: {  	[sflag:s22] =	ssyncset.done $0x0  }
0xcd: {  	[sflag:s22] =	ssyncadd.s32 $0xFFFFC180  }
0xce: {  	_ =	swait.ge [sflag:s31], $0x200  }
0xcf: {  	[sflag:s31] =	ssyncset.done $0x0  }
0xd0: {  	[sflag:s31] =	ssyncadd.s32 $0xFFFFFE00  }
0xd1: {  	[tilespmem:s24], [sflag:$0x3] =	stream.indirect.gather [hbm4b:s2+s23], $0x80, s25, s23, $0xb8;
	[tilespmem:$0x1C400] =	vst v63  }
0xd2: {  	_ =	swait.ge [sflag:s0], $0x3E80  }
0xd3: {  	[sflag:s0] =	ssyncset.done $0x0  }
0xd4: {  	[sflag:s0] =	ssyncadd.s32 $0xFFFFC180  }
0xd5: {  	[spmem:s3] =	stream.indirect.scatter.add.f32 [tilespmem:s29], [sflag:$0x5], $0x80, s6, s23, $0xb8;
	[tilespmem:$0x1C400] =	vst v63  }
0xd6: {  	_ =	swait.ge [sflag:s22], $0x3E80  }
0xd7: {  	[sflag:s22] =	ssyncset.done $0x0  }
0xd8: {  	[sflag:s22] =	ssyncadd.s32 $0xFFFFC180  }
0xd9: {  	_ =	swait.ge [sflag:s26], $0x3E80  }
0xda: {  	[sflag:s26] =	ssyncset.done $0x0  }
0xdb: {  	[sflag:s26] =	ssyncadd.s32 $0xFFFFC180  }
0xdc: {  	[tilespmem:s29], [sflag:$0x4] =	stream.indirect.gather [hbm4b:s2+s23], $0x80, s7, s23, $0xb8;
	[tilespmem:$0x1C400] =	vst v63  }
0xdd: {  	_ = 	snop  }
0xde: {  	[spmem:s3] =	stream.indirect.scatter.add.f32 [tilespmem:s24], [sflag:$0x5], $0x80, s8, s23, $0xb8;
	[tilespmem:$0x1C400] =	vst v63  }
0xdf: {  	_ =	swait.ge [sflag:s22], $0x3E80  }
0xe0: {  	[sflag:s22] =	ssyncset.done $0x0  }
0xe1: {  	[sflag:s22] =	ssyncadd.s32 $0xFFFFC180  }
0xe2: {  	_ =	swait.ge [sflag:s0], $0x3E80  }
0xe3: {  	[sflag:s0] =	ssyncset.done $0x0  }
0xe4: {  	[sflag:s0] =	ssyncadd.s32 $0xFFFFC180  }
0xe5: {  	[spmem:s3] =	stream.indirect.scatter.add.f32 [tilespmem:s29], [sflag:$0x5], $0x80, s10, s23, $0xb8;
	[tilespmem:$0x1C400] =	vst v63  }
0xe6: {  	_ =	swait.ge [sflag:s22], $0x3E80  }
0xe7: {  	[sflag:s22] =	ssyncset.done $0x0  }
0xe8: {  	s14 =	stileid.u32;
	[sflag:s22] =	ssyncadd.s32 $0xFFFFC180  }
0xe9: {  	s12 =	sshll.u32 s14, $0x6;
	[bflag:$0x0] =	sbarrier.arrive $0xFFFF  }
0xea: {  	s13 =	sshrl.u32 s5, $0x3;
	s12 =	sor.u32 $0x1C05, s12;
	s15 =	rddreg [dreg:$0xa]  }
0xeb: {  	[hbm:s15], [sflag:s12] =	dma.local [spmem:s13], $0x2800  }
0xec: {  	_ =	swait.ge [sflag:s22], $0x2800  }
0xed: {  	s1 =	sadd.s32 $0x1, s1;
	s15 =	rddreg [dreg:$0xb]  }
0xee: {  	p3 =	sne.s32 s1, s15  }
.Ltmp2:
0xef: {  	_ = 	snop;
	(pc) =	sbr.rel @p3 .LBB2_1-.Ltmp2, $3  }
0xf0: {  	_ =	sdelay $0x1  }
0xf1: {  	[sflag:s22] =	ssyncset.done $0x0  }
0xf2: {  	[sflag:s22] =	ssyncadd.s32 $0xFFFFD800  }
0xf3: {  	_ =	sfence.sel $0x180000  }
0xf4: {  	[bflag:$0x0] =	sbarrier.arrive $0xFFFF  }
0xf5: {  	_ =	strace $0x9000004A  }
0xf6: {  	[bflag:$0x2] =	sbarrier.arrive $0xFFFF  }
0xf7: {  	p0 =	sne.s32 s14, $0x0;
	s0 =	rddreg [dreg:$0x3]  }
0xf8: {  	s0 =	sadd.s32 @!p0 $0x100000, s0  }
0xf9: {  	[sflag:s0] =	ssyncadd.tile.s32 @!p0 $0x1;
	_ =	shalt  }
.Lfunc_end2:
_tile_overlayer_lowered:
.L_overlay_start_2:
0xfa: {  	(tag) =	ssettag $0x2  }
0xfb: {  	s0 =	rddreg [dreg:$0x0];
	s2 =	stileid.u32  }
0xfc: {  	s1 =	rddreg [dreg:$0x1];
	p0 =	sne.s32 s2, $0x0  }
0xfd: {  	s3 =	rddreg [dreg:$0x2];
	[bflag:$0x3] =	sbarrier.arrive $0xFFFF;
	s2 =	simm.s32 @!p0 $0x1C05  }
0xfe: {  	[timem:s3], [sflag:s2] =	dma.local @!p0 [hbm:s0], s1  }
0xff: {  	s0 =	simm.s32 @!p0 $0x5  }
0x100: {  	_ =	swait.ge @!p0 [sflag:s0], s1  }
0x101: {  	s1 =	ssub.s32 @!p0 $0x0, s1;
	[sflag:s0] =	ssyncset.done @!p0 $0x0  }
0x102: {  	[sflag:s0] =	ssyncadd.s32 @!p0 s1  }
0x103: {  	[bflag:$0x3] =	sbarrier.arrive $0xFFFF  }
0x104: {  	_ =	shalt  }

// kernel: kernel.14.cloned.1.call-start
scs
__scs_entry_jumppad:
0x0: {  	(pc) =	sbr.rel $0x88, $3  }
0x1: {  	(tag) =	ssettag $0x0;
	lr =	simm.s32 $0x1  }
0x2: {  	[smem:$0x3F9B] =	sst lr;
	_ =	strace $0xD0000000  }
0x3: {  	_ = 	snop  }
0x4: {  	_ = 	snop  }
0x5: {  	_ = 	snop  }
0x6: {  	_ = 	snop  }
0x7: {  	_ = 	snop  }
__scs_overlays_trampoline_lowered:
0x8: {  	[smem:$0x3FAA] =	sst s0  }
0x9: {  	[smem:$0x3FAB] =	sst s1  }
0xa: {  	[smem:$0x3FAC] =	sst s2  }
0xb: {  	[smem:$0x3FAD] =	sst s3  }
0xc: {  	[smem:$0x3FAE] =	sst s4  }
0xd: {  	[smem:$0x3FAF] =	sst s5  }
0xe: {  	[smem:$0x3FB0] =	sst s6  }
0xf: {  	[smem:$0x3FB1] =	sst s7  }
0x10: {  	[smem:$0x3FB2] =	sst s8  }
0x11: {  	[smem:$0x3FB3] =	sst s9;
	s0 =	simm.s32 @!p0 $0x0  }
0x12: {  	s1 =	sld [smem:$0x3F99];
	s0 =	simm.s32 @p0 $0x1  }
0x13: {  	[smem:$0x3FB4] =	sst s0;
	s0 =	simm.s32 @!p1 $0x0  }
0x14: {  	s2 =	sld [smem:$0x3F98];
	s0 =	simm.s32 @p1 $0x1  }
0x15: {  	[smem:$0x3FB5] =	sst s0;
	s0 =	simm.s32 @!p2 $0x0  }
0x16: {  	s3 =	sld [smem:$0x3FDB];
	s0 =	simm.s32 @p2 $0x1  }
0x17: {  	s4 =	simm.s32 $0x1BF5;
	[smem:$0x3FB7] =	sst s0  }
0x18: {  	s0 =	sld [smem:$0x3F9A];
	_ =	swait.ge [sflag:s4], $0x0  }
0x19: {  	s7 =	sld [smem:$0x3F9B]  }
0x1a: {  	s8 =	sadd.s32 $0xFFFFE003, lr  }
0x1b: {  	s9 =	sadd.s32 $0xFFFFFEF7, lr;
	s5 =	simm.s32 $0xFFFFFFFF;
	p2 =	slt.u32 s8, $0xFFFFF086  }
0x1c: {  	p1 =	slt.u32 s9, $0xF7A;
	s5 =	simm.s32 @!p2 $0x0  }
0x1d: {  	s5 =	simm.s32 @p1 $0x1;
	p0 =	seq.s32 s7, s2  }
0x1e: {  	s7 =	smul.u32 @!p0 $0xF7A, s2;
	p2 =	seq.s32 @!p0 s5, $0x0  }
0x1f: {  	s9 =	smul.u32 $0xF7A, s1;
	s8 =	simm.s32 @!p0 $0x1BF5;
	p2 =	por !p2, p0  }
0x20: {  	[sflag:s8] =	ssyncset.s32 @!p0 $0xFFFFF086;
	s6 =	sadd.s32 @!p0 s3, s7;
	s7 =	simm.s32 @!p0 $0x108  }
0x21: {  	s3 =	sadd.s32 s3, s9;
	s6 =	sadd.s32 @!p0 $0x88, s6;
	s7 =	simm.s32 @p2 $0x1082  }
0x22: {  	[simem:s7], [sflag:s8] =	dma.local @!p0 [hbm:s6], $0xF7A  }
0x23: {  	s9 =	sor.u32 $0xD0000000, s2;
	s6 =	simm.s32 $0x108;
	_ =	swait.ge @!p0 [sflag:s8], $0x0  }
0x24: {  	s3 =	sadd.s32 $0x88, s3;
	s6 =	simm.s32 @!p1 $0x1082;
	[sflag:s4] =	ssyncset.s32 $0xFFFFF086  }
0x25: {  	[simem:s6], [sflag:s4] =	dma.local [hbm:s3], $0xF7A  }
0x26: {  	[smem:$0x3F9B] =	sst s1;
	(tag) =	ssettag s2;
	_ =	strace s9  }
0x27: {  	s1 =	sld [smem:$0x3FAB]  }
0x28: {  	s2 =	sld [smem:$0x3FAC]  }
0x29: {  	s4 =	sld [smem:$0x3FAE]  }
0x2a: {  	p0 =	seq.s32 s5, $0x0;
	s5 =	sld [smem:$0x3FAF]  }
0x2b: {  	s6 =	sld [smem:$0x3FB0]  }
0x2c: {  	s7 =	sld [smem:$0x3FB1]  }
0x2d: {  	s3 =	simm.s32 $0x108;
	s8 =	sld [smem:$0x3FB2]  }
0x2e: {  	s3 =	simm.s32 @!p0 $0x1082;
	s9 =	sld [smem:$0x3FB3]  }
0x2f: {  	lr =	sadd.s32 s0, s3;
	s0 =	sld [smem:$0x3FAA]  }
0x30: {  	s3 =	sld [smem:$0x3FAD]  }
0x31: {  	[smem:$0x3FB6] =	sst s10  }
0x32: {  	s10 =	sld [smem:$0x3FB4];
	_ =	sdelay $0x3  }
0x33: {  	p0 =	seq.s32 s10, $0x1;
	s10 =	sld [smem:$0x3FB6];
	_ =	sdelay $0x3  }
0x34: {  	[smem:$0x3FB6] =	sst s10  }
0x35: {  	s10 =	sld [smem:$0x3FB5];
	_ =	sdelay $0x3  }
0x36: {  	p1 =	seq.s32 s10, $0x1;
	s10 =	sld [smem:$0x3FB6];
	_ =	sdelay $0x3  }
0x37: {  	[smem:$0x3FB6] =	sst s10  }
0x38: {  	s10 =	sld [smem:$0x3FB7]  }
0x39: {  	_ = 	snop;
	(pc) =	sbr.ind lr, $3  }
0x3a: {  	_ = 	snop  }
0x3b: {  	_ = 	snop  }
0x3c: {  	p2 =	seq.s32 s10, $0x1;
	s10 =	sld [smem:$0x3FB6]  }
0x3d: {  	_ =	shalt  }
0x3e: {  	_ =	shalt  }
0x3f: {  	_ =	shalt  }
0x40: {  	_ =	shalt  }
0x41: {  	_ =	shalt  }
0x42: {  	_ =	shalt  }
0x43: {  	_ =	shalt  }
0x44: {  	_ =	shalt  }
0x45: {  	_ =	shalt  }
0x46: {  	_ =	shalt  }
0x47: {  	_ =	shalt  }
0x48: {  	_ =	shalt  }
0x49: {  	_ =	shalt  }
0x4a: {  	_ =	shalt  }
0x4b: {  	_ =	shalt  }
0x4c: {  	_ =	shalt  }
0x4d: {  	_ =	shalt  }
0x4e: {  	_ =	shalt  }
0x4f: {  	_ =	shalt  }
0x50: {  	_ =	shalt  }
0x51: {  	_ =	shalt  }
0x52: {  	_ =	shalt  }
0x53: {  	_ =	shalt  }
0x54: {  	_ =	shalt  }
0x55: {  	_ =	shalt  }
0x56: {  	_ =	shalt  }
0x57: {  	_ =	shalt  }
0x58: {  	_ =	shalt  }
0x59: {  	_ =	shalt  }
0x5a: {  	_ =	shalt  }
0x5b: {  	_ =	shalt  }
0x5c: {  	_ =	shalt  }
0x5d: {  	_ =	shalt  }
0x5e: {  	_ =	shalt  }
0x5f: {  	_ =	shalt  }
0x60: {  	_ =	shalt  }
0x61: {  	_ =	shalt  }
0x62: {  	_ =	shalt  }
0x63: {  	_ =	shalt  }
0x64: {  	_ =	shalt  }
0x65: {  	_ =	shalt  }
0x66: {  	_ =	shalt  }
0x67: {  	_ =	shalt  }
0x68: {  	_ =	shalt  }
0x69: {  	_ =	shalt  }
0x6a: {  	_ =	shalt  }
0x6b: {  	_ =	shalt  }
0x6c: {  	_ =	shalt  }
0x6d: {  	_ =	shalt  }
0x6e: {  	_ =	shalt  }
0x6f: {  	_ =	shalt  }
0x70: {  	_ =	shalt  }
0x71: {  	_ =	shalt  }
0x72: {  	_ =	shalt  }
0x73: {  	_ =	shalt  }
0x74: {  	_ =	shalt  }
0x75: {  	_ =	shalt  }
0x76: {  	_ =	shalt  }
0x77: {  	_ =	shalt  }
0x78: {  	_ =	shalt  }
0x79: {  	_ =	shalt  }
0x7a: {  	_ =	shalt  }
0x7b: {  	_ =	shalt  }
0x7c: {  	_ =	shalt  }
0x7d: {  	_ =	shalt  }
0x7e: {  	_ =	shalt  }
0x7f: {  	_ =	shalt  }
0x80: {  	_ =	shalt  }
0x81: {  	_ =	shalt  }
0x82: {  	_ =	shalt  }
0x83: {  	_ =	shalt  }
0x84: {  	_ =	shalt  }
0x85: {  	_ =	shalt  }
0x86: {  	_ =	shalt  }
0x87: {  	_ =	shalt  }
.Lfunc_end0:
.L_simem_size_0:
called_computation.2_lowered:
.L_overlay_start_0:
0x88: {  	s2 =	sld [smem:$0x3FD9]  }
0x89: {  	s3 =	sld [smem:$0x3FFE];
	_ =	sdelay $0x1  }
0x8a: {  	s1 =	srdreg.scid  }
0x8b: {  	s0 =	sand.u32 $0x1, s1  }
0x8c: {  	s17 =	sshll.u32 s0, $0xA;
	s2 =	sadd.s32 s3, s2  }
0x8d: {  	s2 =	sadd.s32 s2, s17  }
0x8e: {  	[smem:$0x3FC2] =	sst s2  }
0x8f: {  	_ = 	snop  }
0x90: {  	s2 =	sld [smem:$0x3FD0];
	(tm) =	ssettm $0x1  }
0x91: {  	s18 =	sld [smem:$0x3FFB];
	_ =	sdelay $0x3  }
0x92: {  	_ =	strace s18  }
0x93: {  	s3 =	sld [smem:$0x3FFC];
	_ =	sdelay $0x3  }
0x94: {  	_ =	strace s3  }
0x95: {  	s3 =	sld [smem:$0x3FFD];
	_ =	sdelay $0x3  }
0x96: {  	_ =	strace s3  }
0x97: {  	_ =	strace $0x8FFFFFFF  }
0x98: {  	s19 =	sld [smem:$0x3FDB];
	_ =	sdelay $0x1  }
0x99: {  	s4 =	simm.s32 $_scs_section_size  }
0x9a: {  	s5 =	simm.s32 $_size__tile_overlayer_lowered;
	s6 =	simm.s32 $_tile_overlayer_lowered  }
0x9b: {  	s22 =	simm.s32 $0x1BFF;
	s21 =	sshll.u32 s6, $0x1;
	s3 =	sadd.s32 s4, s19  }
0x9c: {  	s7 =	simm.s32 $0x0;
	s20 =	sshll.u32 s5, $0x1;
	s5 =	sadd.s32 s21, s3  }
0x9d: {  	[timem:s7], [sflag:s22] =	dma.local [hbm:s5], s20  }
0x9e: {  	_ =	swait.ge [sflag:s22], s20  }
0x9f: {  	s4 =	ssub.s32 $0x0, s20;
	[sflag:s22] =	ssyncset.done $0x0  }
0xa0: {  	[sflag:s22] =	ssyncadd.s32 s4;
	_ =	sdelay $0x1  }
0xa1: {  	s23 =	simm.s32 $0x1B8B  }
0xa2: {  	_ =	swait.ge [sflag:s23], $0x1  }
0xa3: {  	[sflag:s23] =	ssyncset.done $0x0  }
0xa4: {  	s25 =	simm.s32 $0x1B8E;
	s24 =	sld [smem:$0x3FFE];
	[sflag:s23] =	ssyncadd.s32 $0xFFFFFFFF  }
0xa5: {  	s26 =	simm.s32 $execute0_lowered;
	[smem:$0x3FD2] =	sst s25  }
0xa6: {  	s5 =	sshll.u32 s26, $0x1;
	_ =	strace $0x8000004C;
	[dreg:$0x1] =	wrdreg $0xFFFFFFFF  }
0xa7: {  	s28 =	simm.s32 $_size_execute0_lowered;
	s3 =	sadd.s32 s3, s5;
	[dreg:$0x0] =	wrdreg $0x0  }
0xa8: {  	s5 =	sshll.u32 s28, $0x1;
	[dreg:$0x2] =	wrdreg s3  }
0xa9: {  	[dreg:$0x3] =	wrdreg s5  }
0xaa: {  	[dreg:$0x4] =	wrdreg $0xC0  }
0xab: {  	_ =	task [dreg:s7], $0x5FFFF  }
0xac: {  	[dreg:$0x1] =	wrdreg $0xFFFFFFFF  }
0xad: {  	[dreg:$0x0] =	wrdreg $0x60  }
0xae: {  	[dreg:$0x2] =	wrdreg s24  }
0xaf: {  	[dreg:$0x3] =	wrdreg s2  }
0xb0: {  	[dreg:$0x4] =	wrdreg $0x84000  }
0xb1: {  	[dreg:$0x5] =	wrdreg $0x9  }
0xb2: {  	_ =	task.clear_ibuf [dreg:s7], $0x6FFFF;
	_ =	strace $0x9000004C  }
0xb3: {  	s29 =	simm.s32 $0x9;
	_ =	strace $0x8000004E  }
0xb4: {  	_ =	swait.ge [sflag:s29], $0x1  }
0xb5: {  	[sflag:s29] =	ssyncadd.s32 $0xFFFFFFFF  }
0xb6: {  	_ =	strace $0x9000004E  }
0xb7: {  	_ =	sfence  }
0xb8: {  	s30 =	sld [smem:$0x0];
	_ =	sdelay $0x2  }
0xb9: {  	s31 =	sshll.u32 s1, $0xD;
	s1 =	sshrl.u32 s1, $0x2  }
0xba: {  	s3 =	sand.u32 $0x4000, s31;
	s1 =	sadd.s32 s1, s30  }
0xbb: {  	s0 =	sor.u32 s3, s0;
	s1 =	sshll.u32 s1, $0x11  }
0xbc: {  	s0 =	sor.u32 s1, s0  }
0xbd: {  	s0 =	sadd.s32 $0x8F2B, s0  }
0xbe: {  	[sflag:s0] =	ssyncadd.remote.s32 $0x1  }
0xbf: {  	_ =	sfence.sel $0xFFFF  }
0xc0: {  	[dreg:$0x0] =	wrdreg $0xFFFFFFFF;
	(pc) =	sbr.abs _section_cstart, $3  }
0xc1: {  	[dreg:$0x1] =	wrdreg $0xFFFFFFFF  }
0xc2: {  	_ =	task.clear_ibuf [dreg:s7], $0x2FFFF;
	_ =	strace $0x9FFFFFFF  }
0xc3: {  	(tm) =	ssettm $0x7FFFFFFF  }
tec
execute0_lowered:
.L_overlay_start_1:
0x0: {  	(tag) =	ssettag $0x1  }
0x1: {  	s0 =	rddreg [dreg:$0x0]  }
0x2: {  	s2 =	rddreg [dreg:$0x1]  }
0x3: {  	s1 =	srdreg.scid;
	s3 =	rddreg [dreg:$0x2]  }
0x4: {  	s14 =	stileid.u32;
	s4 =	simm.s32 $0x0;
	s28 =	simm.s32 $0x100  }
0x5: {  	s29 =	simm.s32 $0x4400;
	s30 =	simm.s32 $0x80;
	s31 =	simm.s32 $0x2  }
0x6: {  	s1 =	sand.u32 $0x1, s1;
	s6 =	smul.u32 $0x14000, s14;
	[smem:$0x7FF] =	sst s4  }
0x7: {  	s7 =	sadd.s32 $0x3C00, s0;
	s8 =	smul.u32 $0x50000, s14;
	s9 =	sshll.u32 s14, $0x1  }
0x8: {  	s10 =	smul.u32 $0x2800, s14;
	s18 =	sadd.s32 $0x25800, s2;
	s19 =	sadd.s32 $0x138800, s3  }
0x9: {  	s21 =	smul.u32 $0xA000, s14;
	_ =	strace $0x8000004D;
	[dreg:$0x6] =	wrdreg s18  }
0xa: {  	s20 =	sadd.s32 $0x13C680, s3;
	s5 =	smul.u32 $0x140000, s1;
	[dreg:$0x7] =	wrdreg s19  }
0xb: {  	s12 =	ssub.s32 $0x2, s1;
	s9 =	sor.u32 s1, s9;
	[dreg:$0x8] =	wrdreg s20  }
0xc: {  	s23 =	smul.u32 $0x5000, s1;
	p0 =	seq.s32 s1, $0x0;
	s1 =	simm.s32 $0x0  }
0xd: {  	s13 =	sshrl.u32 s12, $0x1;
	s8 =	sshrl.u32 s8, $0x2;
	s15 =	smul.u32 $0x5000, s9  }
0xe: {  	s17 =	sadd.s32 s2, s10;
	s9 =	sadd.s32 $0x12C000, s3;
	p2 =	seq.s32 @p0 s14, $0xF  }
0xf: {  	s10 =	simm.s32 $0x380;
	s5 =	sadd.s32 s6, s5;
	s6 =	ssub.s32 s12, s13  }
0x10: {  	[dreg:$0x5] =	wrdreg s17;
	p1 =	por !p2, !p0;
	s5 =	sshrl.u32 s5, $0x3  }
0x11: {  	p2 =	por p2, !p0;
	s6 =	smax.u32 s6, $0x1;
	s0 =	sadd.s32 s5, s0  }
0x12: {  	s5 =	sadd.s32 s8, s3;
	s8 =	sshrl.u32 s15, $0x3;
	[dreg:$0xb] =	wrdreg s6  }
0x13: {  	s6 =	simm.s32 $0x180;
	s16 =	sadd.s32 $0x13880, s5;
	s11 =	sadd.s32 s7, s8  }
0x14: {  	s0 =	sadd.s32 $0x67C00, s0;
	s24 =	sadd.s32 $0x3E80, s5;
	[dreg:$0x4] =	wrdreg s16  }
0x15: {  	s17 =	sadd.s32 $0xBB80, s5;
	s18 =	sadd.s32 $0xFA00, s5;
	[dreg:$0xa] =	wrdreg s0  }
0x16: {  	s8 =	simm.s32 $0x280;
	s22 =	sadd.s32 $0x40, s11;
	[dreg:$0xc] =	wrdreg s24  }
0x17: {  	s16 =	sadd.s32 $0x7D00, s5;
	s0 =	sadd.s32 s23, s21;
	s21 =	sshrl.u32 @!p1 s9, $0x3  }
0x18: {  	s23 =	simm.s32 $0x7D;
	s24 =	simm.s32 $0x400;
	s9 =	simm.s32 $0x1  }
0x19: {  	[dreg:$0x9] =	wrdreg s22;
	s25 =	sor.u32 $0x600, s0;
	s0 =	sor.u32 $0x400, s0  }
0x1a: {  	s22 =	simm.s32 $0x5;
	s26 =	sshrl.u32 s25, $0x3;
	s0 =	sshrl.u32 s0, $0x3  }
0x1b: {  	s25 =	simm.s32 $0x200;
	s19 =	sadd.s32 s26, s7;
	s20 =	sadd.s32 s0, s7  }
0x1c: {  	v0 =	vimm.f32 $0.0e+00;
	s26 =	simm.s32 $0x3;
	s0 =	simm.s32 $0x4;
	s7 =	simm.s32 $0x300  }
.LBB2_1:
0x1d: {  	s12 =	simm.s32 $0x0;
	s13 =	simm.s32 $0x200  }
.LBB2_2:
0x1e: {  	p3 =	sne.s32 s13, $0xF800;
	[tilespmem:s12+$0x4470] =	vst v0  }
0x1f: {  	[tilespmem:s12+$0x400] =	vst v0  }
0x20: {  	[tilespmem:s12+$0x4400] =	vst v0  }
0x21: {  	[tilespmem:s12+$0x410] =	vst v0  }
0x22: {  	[tilespmem:s12+$0x4410] =	vst v0  }
0x23: {  	[tilespmem:s12+$0x420] =	vst v0  }
0x24: {  	[tilespmem:s12+$0x4420] =	vst v0  }
0x25: {  	[tilespmem:s12+$0x430] =	vst v0  }
0x26: {  	[tilespmem:s12+$0x4430] =	vst v0  }
0x27: {  	[tilespmem:s12+$0x440] =	vst v0  }
0x28: {  	[tilespmem:s12+$0x4440] =	vst v0  }
.Ltmp0:
0x29: {  	[tilespmem:s12+$0x450] =	vst v0;
	(pc) =	sbr.rel @p3 .LBB2_2-.Ltmp0, $4  }
0x2a: {  	[tilespmem:s12+$0x4450] =	vst v0  }
0x2b: {  	[tilespmem:s12+$0x460] =	vst v0  }
0x2c: {  	[tilespmem:s12+$0x4460] =	vst v0  }
0x2d: {  	[tilespmem:s12+$0x470] =	vst v0;
	s12 =	sshra.s32 s13, $0x2;
	s13 =	sadd.s32 $0x200, s13  }
0x2e: {  	[tilespmem:s12+$0x4470] =	vst v0  }
0x2f: {  	[tilespmem:s12+$0x400] =	vst v0  }
0x30: {  	[tilespmem:s12+$0x4400] =	vst v0  }
0x31: {  	[tilespmem:s12+$0x410] =	vst v0  }
0x32: {  	[tilespmem:s12+$0x4410] =	vst v0  }
0x33: {  	[tilespmem:s12+$0x420] =	vst v0  }
0x34: {  	[tilespmem:s12+$0x4420] =	vst v0  }
0x35: {  	[tilespmem:s12+$0x430] =	vst v0  }
0x36: {  	[tilespmem:s12+$0x4430] =	vst v0  }
0x37: {  	[tilespmem:s12+$0x440] =	vst v0  }
0x38: {  	[tilespmem:s12+$0x4440] =	vst v0  }
0x39: {  	[tilespmem:s12+$0x450] =	vst v0  }
0x3a: {  	[tilespmem:s12+$0x4450] =	vst v0  }
0x3b: {  	[tilespmem:s12+$0x460] =	vst v0  }
0x3c: {  	[tilespmem:s12+$0x4460] =	vst v0  }
0x3d: {  	[tilespmem:s12+$0x470] =	vst v0;
	s12 =	simm.s32 @!p1 $0x1FC5;
	s13 =	rddreg [dreg:$0x6]  }
0x3e: {  	[spmem:s21], [sflag:s12] =	dma.local @!p1 [hbm:s13], $0x1900  }
0x3f: {  	s12 =	simm.s32 @!p1 $0x5  }
0x40: {  	_ =	swait.ge @!p1 [sflag:s12], $0x1900  }
0x41: {  	[sflag:s12] =	ssyncset.done @!p1 $0x0  }
0x42: {  	s13 =	simm.s32 @!p1 $0x400;
	s15 =	rddreg [dreg:$0x7];
	[sflag:s12] =	ssyncadd.s32 @!p1 $0xFFFFE700  }
0x43: {  	[spmem:s15] =	stream.linear.scatter @!p1 [tilespmem:s13], [sflag:$0x5], $0x3E80, $0x38;
	[tilespmem:$0x1C400] =	vst v63  }
0x44: {  	_ =	swait.ge @!p1 [sflag:s12], $0x3E80  }
0x45: {  	[sflag:s12] =	ssyncset.done @!p1 $0x0  }
0x46: {  	s13 =	simm.s32 @!p1 $0x4400;
	s15 =	rddreg [dreg:$0x8];
	[sflag:s12] =	ssyncadd.s32 @!p1 $0xFFFFC180  }
0x47: {  	[spmem:s15] =	stream.linear.scatter @!p1 [tilespmem:s13], [sflag:$0x5], $0x3980, $0x38;
	[tilespmem:$0x1C400] =	vst v63  }
0x48: {  	_ =	swait.ge @!p1 [sflag:s12], $0x3980  }
0x49: {  	s13 =	sshll.u32 @!p2 s14, $0x6;
	[sflag:s12] =	ssyncset.done @!p1 $0x0;
	s14 =	rddreg [dreg:$0x5]  }
0x4a: {  	[sflag:s12] =	ssyncadd.s32 @!p1 $0xFFFFC680;
	s12 =	sor.u32 @!p2 $0x1C05, s13;
	s13 =	sshrl.u32 @!p2 s5, $0x3  }
0x4b: {  	[spmem:s13], [sflag:s12] =	dma.local @!p2 [hbm:s14], $0x2800  }
0x4c: {  	s12 =	simm.s32 @!p2 $0x5  }
0x4d: {  	_ =	swait.ge @!p2 [sflag:s12], $0x2800  }
0x4e: {  	[sflag:s12] =	ssyncset.done @!p2 $0x0  }
0x4f: {  	s13 =	simm.s32 @!p0 $0x5;
	[sflag:s12] =	ssyncadd.s32 @!p2 $0xFFFFD800;
	s12 =	simm.s32 @!p0 $0x400  }
0x50: {  	[spmem:s5] =	stream.linear.scatter @!p0 [tilespmem:s12], [sflag:$0x5], $0x3E80, $0x38;
	[tilespmem:$0x1C400] =	vst v63  }
0x51: {  	_ =	swait.ge @!p0 [sflag:s13], $0x3E80  }
0x52: {  	[sflag:s13] =	ssyncset.done @!p0 $0x0  }
0x53: {  	s14 =	rddreg [dreg:$0xc];
	[sflag:s13] =	ssyncadd.s32 @!p0 $0xFFFFC180  }
0x54: {  	[spmem:s14] =	stream.linear.scatter @!p0 [tilespmem:s12], [sflag:$0x5], $0x3E80, $0x38;
	[tilespmem:$0x1C400] =	vst v63  }
0x55: {  	_ =	swait.ge @!p0 [sflag:s13], $0x3E80  }
0x56: {  	[sflag:s13] =	ssyncset.done @!p0 $0x0  }
0x57: {  	[sflag:s13] =	ssyncadd.s32 @!p0 $0xFFFFC180  }
0x58: {  	[spmem:s16] =	stream.linear.scatter @!p0 [tilespmem:s12], [sflag:$0x5], $0x3E80, $0x38;
	[tilespmem:$0x1C400] =	vst v63  }
0x59: {  	_ =	swait.ge @!p0 [sflag:s13], $0x3E80  }
0x5a: {  	[sflag:s13] =	ssyncset.done @!p0 $0x0  }
0x5b: {  	[sflag:s13] =	ssyncadd.s32 @!p0 $0xFFFFC180  }
0x5c: {  	[spmem:s17] =	stream.linear.scatter @!p0 [tilespmem:s12], [sflag:$0x5], $0x3E80, $0x38;
	[tilespmem:$0x1C400] =	vst v63  }
0x5d: {  	_ =	swait.ge @!p0 [sflag:s13], $0x3E80  }
0x5e: {  	[sflag:s13] =	ssyncset.done @!p0 $0x0  }
0x5f: {  	[sflag:s13] =	ssyncadd.s32 @!p0 $0xFFFFC180  }
0x60: {  	[spmem:s18] =	stream.linear.scatter @!p0 [tilespmem:s12], [sflag:$0x5], $0x3E80, $0x38;
	[tilespmem:$0x1C400] =	vst v63  }
0x61: {  	_ =	swait.ge @!p0 [sflag:s13], $0x3E80  }
0x62: {  	[sflag:s13] =	ssyncset.done @!p0 $0x0  }
0x63: {  	s12 =	simm.s32 @!p0 $0x4400;
	s14 =	rddreg [dreg:$0x4];
	[sflag:s13] =	ssyncadd.s32 @!p0 $0xFFFFC180  }
0x64: {  	[spmem:s14] =	stream.linear.scatter @!p0 [tilespmem:s12], [sflag:$0x5], $0x780, $0x38;
	[tilespmem:$0x1C400] =	vst v63  }
0x65: {  	_ =	swait.ge @!p0 [sflag:s13], $0x780  }
0x66: {  	[sflag:s13] =	ssyncset.done @!p0 $0x0  }
0x67: {  	[sflag:s13] =	ssyncadd.s32 @!p0 $0xFFFFF880  }
0x68: {  	s13 =	simm.s32 $0x0;
	[bflag:$0x0] =	sbarrier.arrive $0xFFFF  }
0x69: {  	[tilespmem:s13], [sflag:$0x5] =	stream.linear.gather [hbm4b:s11+s13], $0x200, $0x38;
	[tilespmem:$0x1C400] =	vst v63  }
0x6a: {  	_ =	swait.ge [sflag:s22], $0x200  }
0x6b: {  	[sflag:s22] =	ssyncset.done $0x0  }
0x6c: {  	[sflag:s22] =	ssyncadd.s32 $0xFFFFFE00  }
0x6d: {  	[tilespmem:s24], [sflag:$0x3] =	stream.indirect.gather [hbm4b:s2+s23], $0x80, s13, s23, $0xb8;
	[tilespmem:$0x1C400] =	vst v63  }
0x6e: {  	s14 =	rddreg [dreg:$0x9]  }
0x6f: {  	[tilespmem:s25], [sflag:$0x2] =	stream.linear.gather [hbm4b:s14+s13], $0x200, $0x38;
	[tilespmem:$0x1C400] =	vst v63  }
0x70: {  	_ =	swait.ge [sflag:s26], $0x3E80  }
0x71: {  	[sflag:s26] =	ssyncset.done $0x0  }
0x72: {  	[sflag:s26] =	ssyncadd.s32 $0xFFFFC180  }
0x73: {  	[tilespmem:s29], [sflag:$0x4] =	stream.indirect.gather [hbm4b:s2+s23], $0x80, s28, s23, $0xb8;
	[tilespmem:$0x1C400] =	vst v63  }
0x74: {  	_ = 	snop  }
0x75: {  	[spmem:s3] =	stream.indirect.scatter.add.f32 [tilespmem:s24], [sflag:$0x5], $0x80, s30, s23, $0xb8;
	[tilespmem:$0x1C400] =	vst v63  }
0x76: {  	_ =	swait.ge [sflag:s22], $0x3E80  }
0x77: {  	[sflag:s22] =	ssyncset.done $0x0  }
0x78: {  	[sflag:s22] =	ssyncadd.s32 $0xFFFFC180  }
0x79: {  	_ =	swait.ge [sflag:s31], $0x200  }
0x7a: {  	[sflag:s31] =	ssyncset.done $0x0  }
0x7b: {  	[sflag:s31] =	ssyncadd.s32 $0xFFFFFE00  }
0x7c: {  	[tilespmem:s24], [sflag:$0x3] =	stream.indirect.gather [hbm4b:s2+s23], $0x80, s25, s23, $0xb8;
	[tilespmem:$0x1C400] =	vst v63  }
0x7d: {  	_ =	swait.ge [sflag:s0], $0x3E80  }
0x7e: {  	[sflag:s0] =	ssyncset.done $0x0  }
0x7f: {  	[sflag:s0] =	ssyncadd.s32 $0xFFFFC180  }
0x80: {  	[spmem:s3] =	stream.indirect.scatter.add.f32 [tilespmem:s29], [sflag:$0x5], $0x80, s6, s23, $0xb8;
	[tilespmem:$0x1C400] =	vst v63  }
0x81: {  	_ =	swait.ge [sflag:s22], $0x3E80  }
0x82: {  	[sflag:s22] =	ssyncset.done $0x0  }
0x83: {  	s15 =	sadd.s32 $0x0, s20;
	[sflag:s22] =	ssyncadd.s32 $0xFFFFC180  }
0x84: {  	[tilespmem:s4], [sflag:$0x1] =	stream.linear.gather [hbm4b:s15+s4], $0x200, $0x38;
	[tilespmem:$0x1C400] =	vst v63  }
0x85: {  	_ =	swait.ge [sflag:s26], $0x3E80  }
0x86: {  	[sflag:s26] =	ssyncset.done $0x0  }
0x87: {  	[sflag:s26] =	ssyncadd.s32 $0xFFFFC180  }
0x88: {  	[tilespmem:s29], [sflag:$0x4] =	stream.indirect.gather [hbm4b:s2+s23], $0x80, s7, s23, $0xb8;
	[tilespmem:$0x1C400] =	vst v63  }
0x89: {  	_ = 	snop  }
0x8a: {  	[spmem:s3] =	stream.indirect.scatter.add.f32 [tilespmem:s24], [sflag:$0x5], $0x80, s8, s23, $0xb8;
	[tilespmem:$0x1C400] =	vst v63  }
0x8b: {  	_ =	swait.ge [sflag:s22], $0x3E80  }
0x8c: {  	[sflag:s22] =	ssyncset.done $0x0  }
0x8d: {  	[sflag:s22] =	ssyncadd.s32 $0xFFFFC180  }
0x8e: {  	_ =	swait.ge [sflag:s9], $0x200  }
0x8f: {  	[sflag:s9] =	ssyncset.done $0x0  }
0x90: {  	[sflag:s9] =	ssyncadd.s32 $0xFFFFFE00  }
0x91: {  	[tilespmem:s24], [sflag:$0x3] =	stream.indirect.gather [hbm4b:s2+s23], $0x80, s4, s23, $0xb8;
	[tilespmem:$0x1C400] =	vst v63  }
0x92: {  	_ =	swait.ge [sflag:s0], $0x3E80  }
0x93: {  	[sflag:s0] =	ssyncset.done $0x0  }
0x94: {  	[sflag:s0] =	ssyncadd.s32 $0xFFFFC180  }
0x95: {  	[spmem:s3] =	stream.indirect.scatter.add.f32 [tilespmem:s29], [sflag:$0x5], $0x80, s10, s23, $0xb8;
	[tilespmem:$0x1C400] =	vst v63  }
0x96: {  	_ =	swait.ge [sflag:s22], $0x3E80  }
0x97: {  	[sflag:s22] =	ssyncset.done $0x0  }
0x98: {  	s12 =	simm.s32 $0x80;
	s13 =	sadd.s32 $0x0, s19;
	[sflag:s22] =	ssyncadd.s32 $0xFFFFC180  }
.LBB2_4:
0x99: {  	[tilespmem:s25], [sflag:$0x2] =	stream.linear.gather [hbm4b:s13+s4], $0x200, $0x38;
	[tilespmem:$0x1C400] =	vst v63  }
0x9a: {  	s13 =	smov.u32 s12  }
0x9b: {  	p3 =	sne.s32 s12, $0x900;
	s12 =	sadd.s32 $0x80, s12;
	_ =	swait.ge [sflag:s26], $0x3E80  }
0x9c: {  	[sflag:s26] =	ssyncset.done $0x0  }
0x9d: {  	[sflag:s26] =	ssyncadd.s32 $0xFFFFC180  }
0x9e: {  	[tilespmem:s29], [sflag:$0x4] =	stream.indirect.gather [hbm4b:s2+s23], $0x80, s28, s23, $0xb8;
	[tilespmem:$0x1C400] =	vst v63  }
0x9f: {  	_ = 	snop  }
0xa0: {  	[spmem:s3] =	stream.indirect.scatter.add.f32 [tilespmem:s24], [sflag:$0x5], $0x80, s30, s23, $0xb8;
	[tilespmem:$0x1C400] =	vst v63  }
0xa1: {  	_ =	swait.ge [sflag:s22], $0x3E80  }
0xa2: {  	[sflag:s22] =	ssyncset.done $0x0  }
0xa3: {  	[sflag:s22] =	ssyncadd.s32 $0xFFFFC180  }
0xa4: {  	_ =	swait.ge [sflag:s31], $0x200  }
0xa5: {  	[sflag:s31] =	ssyncset.done $0x0  }
0xa6: {  	[sflag:s31] =	ssyncadd.s32 $0xFFFFFE00  }
0xa7: {  	[tilespmem:s24], [sflag:$0x3] =	stream.indirect.gather [hbm4b:s2+s23], $0x80, s25, s23, $0xb8;
	[tilespmem:$0x1C400] =	vst v63  }
0xa8: {  	_ =	swait.ge [sflag:s0], $0x3E80  }
0xa9: {  	[sflag:s0] =	ssyncset.done $0x0  }
0xaa: {  	[sflag:s0] =	ssyncadd.s32 $0xFFFFC180  }
0xab: {  	[spmem:s3] =	stream.indirect.scatter.add.f32 [tilespmem:s29], [sflag:$0x5], $0x80, s6, s23, $0xb8;
	[tilespmem:$0x1C400] =	vst v63  }
0xac: {  	_ =	swait.ge [sflag:s22], $0x3E80  }
0xad: {  	[sflag:s22] =	ssyncset.done $0x0  }
0xae: {  	s14 =	sadd.s32 s13, s20;
	[sflag:s22] =	ssyncadd.s32 $0xFFFFC180  }
0xaf: {  	[tilespmem:s4], [sflag:$0x1] =	stream.linear.gather [hbm4b:s14+s4], $0x200, $0x38;
	[tilespmem:$0x1C400] =	vst v63  }
0xb0: {  	_ =	swait.ge [sflag:s26], $0x3E80  }
0xb1: {  	[sflag:s26] =	ssyncset.done $0x0  }
0xb2: {  	[sflag:s26] =	ssyncadd.s32 $0xFFFFC180  }
0xb3: {  	[tilespmem:s29], [sflag:$0x4] =	stream.indirect.gather [hbm4b:s2+s23], $0x80, s7, s23, $0xb8;
	[tilespmem:$0x1C400] =	vst v63  }
0xb4: {  	_ = 	snop  }
0xb5: {  	[spmem:s3] =	stream.indirect.scatter.add.f32 [tilespmem:s24], [sflag:$0x5], $0x80, s8, s23, $0xb8;
	[tilespmem:$0x1C400] =	vst v63  }
0xb6: {  	_ =	swait.ge [sflag:s22], $0x3E80  }
0xb7: {  	[sflag:s22] =	ssyncset.done $0x0  }
0xb8: {  	[sflag:s22] =	ssyncadd.s32 $0xFFFFC180  }
0xb9: {  	_ =	swait.ge [sflag:s9], $0x200  }
0xba: {  	[sflag:s9] =	ssyncset.done $0x0  }
0xbb: {  	[sflag:s9] =	ssyncadd.s32 $0xFFFFFE00  }
0xbc: {  	[tilespmem:s24], [sflag:$0x3] =	stream.indirect.gather [hbm4b:s2+s23], $0x80, s4, s23, $0xb8;
	[tilespmem:$0x1C400] =	vst v63  }
0xbd: {  	_ =	swait.ge [sflag:s0], $0x3E80  }
0xbe: {  	[sflag:s0] =	ssyncset.done $0x0  }
.Ltmp1:
0xbf: {  	[sflag:s0] =	ssyncadd.s32 $0xFFFFC180;
	(pc) =	sbr.rel @p3 .LBB2_4-.Ltmp1, $4  }
0xc0: {  	[spmem:s3] =	stream.indirect.scatter.add.f32 [tilespmem:s29], [sflag:$0x5], $0x80, s10, s23, $0xb8;
	[tilespmem:$0x1C400] =	vst v63  }
0xc1: {  	_ =	swait.ge [sflag:s22], $0x3E80  }
0xc2: {  	[sflag:s22] =	ssyncset.done $0x0  }
0xc3: {  	s13 =	sadd.s32 s13, s19;
	[sflag:s22] =	ssyncadd.s32 $0xFFFFC180  }
0xc4: {  	[tilespmem:s25], [sflag:$0x2] =	stream.linear.gather [hbm4b:s13+s4], $0x200, $0x38;
	[tilespmem:$0x1C400] =	vst v63  }
0xc5: {  	_ =	swait.ge [sflag:s26], $0x3E80  }
0xc6: {  	[sflag:s26] =	ssyncset.done $0x0  }
0xc7: {  	[sflag:s26] =	ssyncadd.s32 $0xFFFFC180  }
0xc8: {  	[tilespmem:s29], [sflag:$0x4] =	stream.indirect.gather [hbm4b:s2+s23], $0x80, s28, s23, $0xb8;
	[tilespmem:$0x1C400] =	vst v63  }
0xc9: {  	_ = 	snop  }
0xca: {  	[spmem:s3] =	stream.indirect.scatter.add.f32 [tilespmem:s24], [sflag:$0x5], $0x80, s30, s23, $0xb8;
	[tilespmem:$0x1C400] =	vst v63  }
0xcb: {  	_ =	swait.ge [sflag:s22], $0x3E80  }
0xcc: {  	[sflag:s22] =	ssyncset.done $0x0  }
0xcd: {  	[sflag:s22] =	ssyncadd.s32 $0xFFFFC180  }
0xce: {  	_ =	swait.ge [sflag:s31], $0x200  }
0xcf: {  	[sflag:s31] =	ssyncset.done $0x0  }
0xd0: {  	[sflag:s31] =	ssyncadd.s32 $0xFFFFFE00  }
0xd1: {  	[tilespmem:s24], [sflag:$0x3] =	stream.indirect.gather [hbm4b:s2+s23], $0x80, s25, s23, $0xb8;
	[tilespmem:$0x1C400] =	vst v63  }
0xd2: {  	_ =	swait.ge [sflag:s0], $0x3E80  }
0xd3: {  	[sflag:s0] =	ssyncset.done $0x0  }
0xd4: {  	[sflag:s0] =	ssyncadd.s32 $0xFFFFC180  }
0xd5: {  	[spmem:s3] =	stream.indirect.scatter.add.f32 [tilespmem:s29], [sflag:$0x5], $0x80, s6, s23, $0xb8;
	[tilespmem:$0x1C400] =	vst v63  }
0xd6: {  	_ =	swait.ge [sflag:s22], $0x3E80  }
0xd7: {  	[sflag:s22] =	ssyncset.done $0x0  }
0xd8: {  	[sflag:s22] =	ssyncadd.s32 $0xFFFFC180  }
0xd9: {  	_ =	swait.ge [sflag:s26], $0x3E80  }
0xda: {  	[sflag:s26] =	ssyncset.done $0x0  }
0xdb: {  	[sflag:s26] =	ssyncadd.s32 $0xFFFFC180  }
0xdc: {  	[tilespmem:s29], [sflag:$0x4] =	stream.indirect.gather [hbm4b:s2+s23], $0x80, s7, s23, $0xb8;
	[tilespmem:$0x1C400] =	vst v63  }
0xdd: {  	_ = 	snop  }
0xde: {  	[spmem:s3] =	stream.indirect.scatter.add.f32 [tilespmem:s24], [sflag:$0x5], $0x80, s8, s23, $0xb8;
	[tilespmem:$0x1C400] =	vst v63  }
0xdf: {  	_ =	swait.ge [sflag:s22], $0x3E80  }
0xe0: {  	[sflag:s22] =	ssyncset.done $0x0  }
0xe1: {  	[sflag:s22] =	ssyncadd.s32 $0xFFFFC180  }
0xe2: {  	_ =	swait.ge [sflag:s0], $0x3E80  }
0xe3: {  	[sflag:s0] =	ssyncset.done $0x0  }
0xe4: {  	[sflag:s0] =	ssyncadd.s32 $0xFFFFC180  }
0xe5: {  	[spmem:s3] =	stream.indirect.scatter.add.f32 [tilespmem:s29], [sflag:$0x5], $0x80, s10, s23, $0xb8;
	[tilespmem:$0x1C400] =	vst v63  }
0xe6: {  	_ =	swait.ge [sflag:s22], $0x3E80  }
0xe7: {  	[sflag:s22] =	ssyncset.done $0x0  }
0xe8: {  	s14 =	stileid.u32;
	[sflag:s22] =	ssyncadd.s32 $0xFFFFC180  }
0xe9: {  	s12 =	sshll.u32 s14, $0x6;
	[bflag:$0x0] =	sbarrier.arrive $0xFFFF  }
0xea: {  	s13 =	sshrl.u32 s5, $0x3;
	s12 =	sor.u32 $0x1C05, s12;
	s15 =	rddreg [dreg:$0xa]  }
0xeb: {  	[hbm:s15], [sflag:s12] =	dma.local [spmem:s13], $0x2800  }
0xec: {  	_ =	swait.ge [sflag:s22], $0x2800  }
0xed: {  	s1 =	sadd.s32 $0x1, s1;
	s15 =	rddreg [dreg:$0xb]  }
0xee: {  	p3 =	sne.s32 s1, s15  }
.Ltmp2:
0xef: {  	_ = 	snop;
	(pc) =	sbr.rel @p3 .LBB2_1-.Ltmp2, $3  }
0xf0: {  	_ =	sdelay $0x1  }
0xf1: {  	[sflag:s22] =	ssyncset.done $0x0  }
0xf2: {  	[sflag:s22] =	ssyncadd.s32 $0xFFFFD800  }
0xf3: {  	_ =	sfence.sel $0x180000  }
0xf4: {  	[bflag:$0x0] =	sbarrier.arrive $0xFFFF  }
0xf5: {  	_ =	strace $0x9000004D  }
0xf6: {  	[bflag:$0x2] =	sbarrier.arrive $0xFFFF  }
0xf7: {  	p0 =	sne.s32 s14, $0x0;
	s0 =	rddreg [dreg:$0x3]  }
0xf8: {  	s0 =	sadd.s32 @!p0 $0x100000, s0  }
0xf9: {  	[sflag:s0] =	ssyncadd.tile.s32 @!p0 $0x1;
	_ =	shalt  }
.Lfunc_end2:
_tile_overlayer_lowered:
.L_overlay_start_2:
0xfa: {  	(tag) =	ssettag $0x2  }
0xfb: {  	s0 =	rddreg [dreg:$0x0];
	s2 =	stileid.u32  }
0xfc: {  	s1 =	rddreg [dreg:$0x1];
	p0 =	sne.s32 s2, $0x0  }
0xfd: {  	s3 =	rddreg [dreg:$0x2];
	[bflag:$0x3] =	sbarrier.arrive $0xFFFF;
	s2 =	simm.s32 @!p0 $0x1C05  }
0xfe: {  	[timem:s3], [sflag:s2] =	dma.local @!p0 [hbm:s0], s1  }
0xff: {  	s0 =	simm.s32 @!p0 $0x5  }
0x100: {  	_ =	swait.ge @!p0 [sflag:s0], s1  }
0x101: {  	s1 =	ssub.s32 @!p0 $0x0, s1;
	[sflag:s0] =	ssyncset.done @!p0 $0x0  }
0x102: {  	[sflag:s0] =	ssyncadd.s32 @!p0 s1  }
0x103: {  	[bflag:$0x3] =	sbarrier.arrive $0xFFFF  }
0x104: {  	_ =	shalt  }

// kernel: kernel.8.cloned.1.call-start
scs
__scs_entry_jumppad:
0x0: {  	(pc) =	sbr.rel $0x88, $3  }
0x1: {  	(tag) =	ssettag $0x0;
	lr =	simm.s32 $0x1  }
0x2: {  	[smem:$0x3F9B] =	sst lr;
	_ =	strace $0xD0000000  }
0x3: {  	_ = 	snop  }
0x4: {  	_ = 	snop  }
0x5: {  	_ = 	snop  }
0x6: {  	_ = 	snop  }
0x7: {  	_ = 	snop  }
__scs_overlays_trampoline_lowered:
0x8: {  	[smem:$0x3FAA] =	sst s0  }
0x9: {  	[smem:$0x3FAB] =	sst s1  }
0xa: {  	[smem:$0x3FAC] =	sst s2  }
0xb: {  	[smem:$0x3FAD] =	sst s3  }
0xc: {  	[smem:$0x3FAE] =	sst s4  }
0xd: {  	[smem:$0x3FAF] =	sst s5  }
0xe: {  	[smem:$0x3FB0] =	sst s6  }
0xf: {  	[smem:$0x3FB1] =	sst s7  }
0x10: {  	[smem:$0x3FB2] =	sst s8  }
0x11: {  	[smem:$0x3FB3] =	sst s9;
	s0 =	simm.s32 @!p0 $0x0  }
0x12: {  	s1 =	sld [smem:$0x3F99];
	s0 =	simm.s32 @p0 $0x1  }
0x13: {  	[smem:$0x3FB4] =	sst s0;
	s0 =	simm.s32 @!p1 $0x0  }
0x14: {  	s2 =	sld [smem:$0x3F98];
	s0 =	simm.s32 @p1 $0x1  }
0x15: {  	[smem:$0x3FB5] =	sst s0;
	s0 =	simm.s32 @!p2 $0x0  }
0x16: {  	s3 =	sld [smem:$0x3FDB];
	s0 =	simm.s32 @p2 $0x1  }
0x17: {  	s4 =	simm.s32 $0x1BF5;
	[smem:$0x3FB7] =	sst s0  }
0x18: {  	s0 =	sld [smem:$0x3F9A];
	_ =	swait.ge [sflag:s4], $0x0  }
0x19: {  	s7 =	sld [smem:$0x3F9B]  }
0x1a: {  	s8 =	sadd.s32 $0xFFFFE003, lr  }
0x1b: {  	s9 =	sadd.s32 $0xFFFFFEF7, lr;
	s5 =	simm.s32 $0xFFFFFFFF;
	p2 =	slt.u32 s8, $0xFFFFF086  }
0x1c: {  	p1 =	slt.u32 s9, $0xF7A;
	s5 =	simm.s32 @!p2 $0x0  }
0x1d: {  	s5 =	simm.s32 @p1 $0x1;
	p0 =	seq.s32 s7, s2  }
0x1e: {  	s7 =	smul.u32 @!p0 $0xF7A, s2;
	p2 =	seq.s32 @!p0 s5, $0x0  }
0x1f: {  	s9 =	smul.u32 $0xF7A, s1;
	s8 =	simm.s32 @!p0 $0x1BF5;
	p2 =	por !p2, p0  }
0x20: {  	[sflag:s8] =	ssyncset.s32 @!p0 $0xFFFFF086;
	s6 =	sadd.s32 @!p0 s3, s7;
	s7 =	simm.s32 @!p0 $0x108  }
0x21: {  	s3 =	sadd.s32 s3, s9;
	s6 =	sadd.s32 @!p0 $0x88, s6;
	s7 =	simm.s32 @p2 $0x1082  }
0x22: {  	[simem:s7], [sflag:s8] =	dma.local @!p0 [hbm:s6], $0xF7A  }
0x23: {  	s9 =	sor.u32 $0xD0000000, s2;
	s6 =	simm.s32 $0x108;
	_ =	swait.ge @!p0 [sflag:s8], $0x0  }
0x24: {  	s3 =	sadd.s32 $0x88, s3;
	s6 =	simm.s32 @!p1 $0x1082;
	[sflag:s4] =	ssyncset.s32 $0xFFFFF086  }
0x25: {  	[simem:s6], [sflag:s4] =	dma.local [hbm:s3], $0xF7A  }
0x26: {  	[smem:$0x3F9B] =	sst s1;
	(tag) =	ssettag s2;
	_ =	strace s9  }
0x27: {  	s1 =	sld [smem:$0x3FAB]  }
0x28: {  	s2 =	sld [smem:$0x3FAC]  }
0x29: {  	s4 =	sld [smem:$0x3FAE]  }
0x2a: {  	p0 =	seq.s32 s5, $0x0;
	s5 =	sld [smem:$0x3FAF]  }
0x2b: {  	s6 =	sld [smem:$0x3FB0]  }
0x2c: {  	s7 =	sld [smem:$0x3FB1]  }
0x2d: {  	s3 =	simm.s32 $0x108;
	s8 =	sld [smem:$0x3FB2]  }
0x2e: {  	s3 =	simm.s32 @!p0 $0x1082;
	s9 =	sld [smem:$0x3FB3]  }
0x2f: {  	lr =	sadd.s32 s0, s3;
	s0 =	sld [smem:$0x3FAA]  }
0x30: {  	s3 =	sld [smem:$0x3FAD]  }
0x31: {  	[smem:$0x3FB6] =	sst s10  }
0x32: {  	s10 =	sld [smem:$0x3FB4];
	_ =	sdelay $0x3  }
0x33: {  	p0 =	seq.s32 s10, $0x1;
	s10 =	sld [smem:$0x3FB6];
	_ =	sdelay $0x3  }
0x34: {  	[smem:$0x3FB6] =	sst s10  }
0x35: {  	s10 =	sld [smem:$0x3FB5];
	_ =	sdelay $0x3  }
0x36: {  	p1 =	seq.s32 s10, $0x1;
	s10 =	sld [smem:$0x3FB6];
	_ =	sdelay $0x3  }
0x37: {  	[smem:$0x3FB6] =	sst s10  }
0x38: {  	s10 =	sld [smem:$0x3FB7]  }
0x39: {  	_ = 	snop;
	(pc) =	sbr.ind lr, $3  }
0x3a: {  	_ = 	snop  }
0x3b: {  	_ = 	snop  }
0x3c: {  	p2 =	seq.s32 s10, $0x1;
	s10 =	sld [smem:$0x3FB6]  }
0x3d: {  	_ =	shalt  }
0x3e: {  	_ =	shalt  }
0x3f: {  	_ =	shalt  }
0x40: {  	_ =	shalt  }
0x41: {  	_ =	shalt  }
0x42: {  	_ =	shalt  }
0x43: {  	_ =	shalt  }
0x44: {  	_ =	shalt  }
0x45: {  	_ =	shalt  }
0x46: {  	_ =	shalt  }
0x47: {  	_ =	shalt  }
0x48: {  	_ =	shalt  }
0x49: {  	_ =	shalt  }
0x4a: {  	_ =	shalt  }
0x4b: {  	_ =	shalt  }
0x4c: {  	_ =	shalt  }
0x4d: {  	_ =	shalt  }
0x4e: {  	_ =	shalt  }
0x4f: {  	_ =	shalt  }
0x50: {  	_ =	shalt  }
0x51: {  	_ =	shalt  }
0x52: {  	_ =	shalt  }
0x53: {  	_ =	shalt  }
0x54: {  	_ =	shalt  }
0x55: {  	_ =	shalt  }
0x56: {  	_ =	shalt  }
0x57: {  	_ =	shalt  }
0x58: {  	_ =	shalt  }
0x59: {  	_ =	shalt  }
0x5a: {  	_ =	shalt  }
0x5b: {  	_ =	shalt  }
0x5c: {  	_ =	shalt  }
0x5d: {  	_ =	shalt  }
0x5e: {  	_ =	shalt  }
0x5f: {  	_ =	shalt  }
0x60: {  	_ =	shalt  }
0x61: {  	_ =	shalt  }
0x62: {  	_ =	shalt  }
0x63: {  	_ =	shalt  }
0x64: {  	_ =	shalt  }
0x65: {  	_ =	shalt  }
0x66: {  	_ =	shalt  }
0x67: {  	_ =	shalt  }
0x68: {  	_ =	shalt  }
0x69: {  	_ =	shalt  }
0x6a: {  	_ =	shalt  }
0x6b: {  	_ =	shalt  }
0x6c: {  	_ =	shalt  }
0x6d: {  	_ =	shalt  }
0x6e: {  	_ =	shalt  }
0x6f: {  	_ =	shalt  }
0x70: {  	_ =	shalt  }
0x71: {  	_ =	shalt  }
0x72: {  	_ =	shalt  }
0x73: {  	_ =	shalt  }
0x74: {  	_ =	shalt  }
0x75: {  	_ =	shalt  }
0x76: {  	_ =	shalt  }
0x77: {  	_ =	shalt  }
0x78: {  	_ =	shalt  }
0x79: {  	_ =	shalt  }
0x7a: {  	_ =	shalt  }
0x7b: {  	_ =	shalt  }
0x7c: {  	_ =	shalt  }
0x7d: {  	_ =	shalt  }
0x7e: {  	_ =	shalt  }
0x7f: {  	_ =	shalt  }
0x80: {  	_ =	shalt  }
0x81: {  	_ =	shalt  }
0x82: {  	_ =	shalt  }
0x83: {  	_ =	shalt  }
0x84: {  	_ =	shalt  }
0x85: {  	_ =	shalt  }
0x86: {  	_ =	shalt  }
0x87: {  	_ =	shalt  }
.Lfunc_end0:
.L_simem_size_0:
called_computation_lowered:
.L_overlay_start_0:
0x88: {  	s2 =	sld [smem:$0x3FD9]  }
0x89: {  	s3 =	sld [smem:$0x3FFE];
	_ =	sdelay $0x1  }
0x8a: {  	s1 =	srdreg.scid  }
0x8b: {  	s0 =	sand.u32 $0x1, s1  }
0x8c: {  	s17 =	sshll.u32 s0, $0xA;
	s2 =	sadd.s32 s3, s2  }
0x8d: {  	s2 =	sadd.s32 s2, s17  }
0x8e: {  	[smem:$0x3FC2] =	sst s2  }
0x8f: {  	_ = 	snop  }
0x90: {  	s2 =	sld [smem:$0x3FD0];
	(tm) =	ssettm $0x1  }
0x91: {  	s18 =	sld [smem:$0x3FFB];
	_ =	sdelay $0x3  }
0x92: {  	_ =	strace s18  }
0x93: {  	s3 =	sld [smem:$0x3FFC];
	_ =	sdelay $0x3  }
0x94: {  	_ =	strace s3  }
0x95: {  	s3 =	sld [smem:$0x3FFD];
	_ =	sdelay $0x3  }
0x96: {  	_ =	strace s3  }
0x97: {  	_ =	strace $0x8FFFFFFF  }
0x98: {  	s19 =	sld [smem:$0x3FDB];
	_ =	sdelay $0x1  }
0x99: {  	s4 =	simm.s32 $_scs_section_size  }
0x9a: {  	s5 =	simm.s32 $_size__tile_overlayer_lowered;
	s6 =	simm.s32 $_tile_overlayer_lowered  }
0x9b: {  	s22 =	simm.s32 $0x1BFF;
	s21 =	sshll.u32 s6, $0x1;
	s3 =	sadd.s32 s4, s19  }
0x9c: {  	s7 =	simm.s32 $0x0;
	s20 =	sshll.u32 s5, $0x1;
	s5 =	sadd.s32 s21, s3  }
0x9d: {  	[timem:s7], [sflag:s22] =	dma.local [hbm:s5], s20  }
0x9e: {  	_ =	swait.ge [sflag:s22], s20  }
0x9f: {  	s4 =	ssub.s32 $0x0, s20;
	[sflag:s22] =	ssyncset.done $0x0  }
0xa0: {  	[sflag:s22] =	ssyncadd.s32 s4;
	_ =	sdelay $0x1  }
0xa1: {  	s23 =	simm.s32 $0x1B8B  }
0xa2: {  	_ =	swait.ge [sflag:s23], $0x1  }
0xa3: {  	[sflag:s23] =	ssyncset.done $0x0  }
0xa4: {  	s25 =	simm.s32 $0x1B8E;
	s24 =	sld [smem:$0x3FFE];
	[sflag:s23] =	ssyncadd.s32 $0xFFFFFFFF  }
0xa5: {  	s26 =	simm.s32 $execute0_lowered;
	[smem:$0x3FD2] =	sst s25  }
0xa6: {  	s5 =	sshll.u32 s26, $0x1;
	_ =	strace $0x80000046;
	[dreg:$0x1] =	wrdreg $0xFFFFFFFF  }
0xa7: {  	s28 =	simm.s32 $_size_execute0_lowered;
	s3 =	sadd.s32 s3, s5;
	[dreg:$0x0] =	wrdreg $0x0  }
0xa8: {  	s5 =	sshll.u32 s28, $0x1;
	[dreg:$0x2] =	wrdreg s3  }
0xa9: {  	[dreg:$0x3] =	wrdreg s5  }
0xaa: {  	[dreg:$0x4] =	wrdreg $0xC0  }
0xab: {  	_ =	task [dreg:s7], $0x5FFFF  }
0xac: {  	[dreg:$0x1] =	wrdreg $0xFFFFFFFF  }
0xad: {  	[dreg:$0x0] =	wrdreg $0x60  }
0xae: {  	[dreg:$0x2] =	wrdreg s2  }
0xaf: {  	[dreg:$0x3] =	wrdreg s24  }
0xb0: {  	[dreg:$0x4] =	wrdreg $0x28800  }
0xb1: {  	[dreg:$0x5] =	wrdreg $0x9  }
0xb2: {  	_ =	task.clear_ibuf [dreg:s7], $0x6FFFF;
	_ =	strace $0x90000046  }
0xb3: {  	s29 =	simm.s32 $0x9;
	_ =	strace $0x80000048  }
0xb4: {  	_ =	swait.ge [sflag:s29], $0x1  }
0xb5: {  	[sflag:s29] =	ssyncadd.s32 $0xFFFFFFFF  }
0xb6: {  	_ =	strace $0x90000048  }
0xb7: {  	_ =	sfence  }
0xb8: {  	s30 =	sld [smem:$0x0];
	_ =	sdelay $0x2  }
0xb9: {  	s31 =	sshll.u32 s1, $0xD;
	s1 =	sshrl.u32 s1, $0x2  }
0xba: {  	s3 =	sand.u32 $0x4000, s31;
	s1 =	sadd.s32 s1, s30  }
0xbb: {  	s0 =	sor.u32 s3, s0;
	s1 =	sshll.u32 s1, $0x11  }
0xbc: {  	s0 =	sor.u32 s1, s0  }
0xbd: {  	s0 =	sadd.s32 $0x8F2B, s0  }
0xbe: {  	[sflag:s0] =	ssyncadd.remote.s32 $0x1  }
0xbf: {  	_ =	sfence.sel $0xFFFF  }
0xc0: {  	[dreg:$0x0] =	wrdreg $0xFFFFFFFF;
	(pc) =	sbr.abs _section_cstart, $3  }
0xc1: {  	[dreg:$0x1] =	wrdreg $0xFFFFFFFF  }
0xc2: {  	_ =	task.clear_ibuf [dreg:s7], $0x2FFFF;
	_ =	strace $0x9FFFFFFF  }
0xc3: {  	(tm) =	ssettm $0x7FFFFFFF  }
tec
execute0_lowered:
.L_overlay_start_1:
0x0: {  	(tag) =	ssettag $0x1  }
0x1: {  	s5 =	rddreg [dreg:$0x0]  }
0x2: {  	s6 =	rddreg [dreg:$0x1]  }
0x3: {  	s2 =	rddreg [dreg:$0x2]  }
0x4: {  	s0 =	rddreg [dreg:$0x3];
	s3 =	simm.s32 $0x0;
	s1 =	stileid.u32  }
0x5: {  	s4 =	srdreg.scid;
	s13 =	simm.s32 $0x7D;
	s14 =	simm.s32 $0x20  }
0x6: {  	s15 =	simm.s32 $0x10;
	s16 =	simm.s32 $0x0;
	s7 =	smul.u32 $0x280, s1  }
0x7: {  	[smem:$0x7FF] =	sst s3;
	s8 =	sand.u32 $0x1, s4;
	s9 =	smul.u32 $0x500, s1  }
0x8: {  	s4 =	sadd.s32 $0x2A00, s6;
	s11 =	sshll.u32 s1, $0x1;
	s31 =	sshll.u32 s1, $0x6  }
0x9: {  	_ =	strace $0x80000047;
	s10 =	sshll.u32 s8, $0x7;
	s26 =	sor.u32 s8, s11  }
0xa: {  	s8 =	ssub.s32 $0x2, s8;
	s11 =	sor.u32 $0x1C01, s31;
	s12 =	sshrl.u32 s7, $0x3  }
0xb: {  	s9 =	sor.u32 s10, s9;
	s10 =	smul.u32 $0x500, s26;
	s29 =	sshrl.u32 s8, $0x1  }
0xc: {  	s30 =	sadd.s32 s7, s2;
	s9 =	sshrl.u32 s9, $0x3;
	s28 =	sadd.s32 s12, s6  }
0xd: {  	s8 =	ssub.s32 s8, s29;
	s12 =	sshrl.u32 s30, $0x3;
	s9 =	sadd.s32 s9, s6  }
0xe: {  	s5 =	sadd.s32 s5, s10;
	s6 =	sadd.s32 $0x2C00, s28;
	s8 =	smax.u32 s8, $0x1  }
0xf: {  	s10 =	simm.s32 $0x2800;
	s7 =	sadd.s32 $0x3200, s9;
	s9 =	simm.s32 $0x1  }
.LBB2_1:
0x10: {  	[tilespmem:s3], [sflag:$0x1] =	stream.linear.gather [hbm4b:s5+s3], $0x2800, $0x38;
	[tilespmem:$0x2B00] =	vst v63  }
0x11: {  	_ =	swait.ge [sflag:s9], $0x2800  }
0x12: {  	[sflag:s9] =	ssyncset.done $0x0  }
0x13: {  	[sflag:s9] =	ssyncadd.s32 $0xFFFFD800  }
0x14: {  	[tilespmem:s10], [sflag:$0x1] =	stream.linear.gather [hbm4b:s4+s3], $0x80, $0x38;
	[tilespmem:$0x2B00] =	vst v63  }
0x15: {  	_ =	swait.ge [sflag:s9], $0x80  }
0x16: {  	[sflag:s9] =	ssyncset.done $0x0  }
0x17: {  	[sflag:s9] =	ssyncadd.s32 $0xFFFFFF80  }
0x18: {  	[spmem:s12], [sflag:s11] =	dma.local [hbm:s6], $0x50  }
0x19: {  	_ =	swait.ge [sflag:s9], $0x50  }
0x1a: {  	[sflag:s9] =	ssyncset.done $0x0  }
0x1b: {  	[sflag:s9] =	ssyncadd.s32 $0xFFFFFFB0  }
0x1c: {  	s17 =	simm.s32 $0x0;
	[bflag:$0x0] =	sbarrier.arrive $0xFFFF  }
0x1d: {  	[spmem:s2] =	stream.indirect.scatter.add.f32 [tilespmem:s10], [sflag:$0x1], $0x1, s17, s13, $0xb8;
	[tilespmem:$0x2B00] =	vst v63  }
0x1e: {  	_ =	swait.ge [sflag:s9], $0x7D  }
0x1f: {  	s17 =	simm.s32 $0x200;
	[sflag:s9] =	ssyncset.done $0x0  }
.LBB2_2:
0x20: {  	s18 =	sshra.s32 s17, $0x2;
	[sflag:s9] =	ssyncadd.s32 $0xFFFFFF83;
	p0 =	sne.s32 s17, $0x9E00  }
0x21: {  	[spmem:s2] =	stream.indirect.scatter.add.f32 [tilespmem:s10], [sflag:$0x1], $0x1, s18, s13, $0xb8;
	[tilespmem:$0x2B00] =	vst v63  }
.Ltmp0:
0x22: {  	_ = 	snop;
	(pc) =	sbr.rel @p0 .LBB2_2-.Ltmp0, $4  }
0x23: {  	_ = 	snop  }
0x24: {  	s17 =	sadd.s32 $0x200, s17  }
0x25: {  	_ =	swait.ge [sflag:s9], $0x7D  }
0x26: {  	[sflag:s9] =	ssyncset.done $0x0  }
0x27: {  	s16 =	sadd.s32 $0x1, s16  }
0x28: {  	[sflag:s9] =	ssyncadd.s32 $0xFFFFFF83;
	p0 =	sne.s32 s16, s8  }
.Ltmp1:
0x29: {  	[bflag:$0x0] =	sbarrier.arrive $0xFFFF;
	(pc) =	sbr.rel @p0 .LBB2_1-.Ltmp1, $4  }
0x2a: {  	[hbm:s7@s14], [sflag:s11] =	dma.strided [spmem:s12@s15], $0x50, s9, $0x10   }
0x2b: {  	_ =	swait.ge [sflag:s9], $0x50  }
0x2c: {  	[sflag:s9] =	ssyncset.done $0x0  }
0x2d: {  	[sflag:s9] =	ssyncadd.s32 $0xFFFFFFB0  }
0x2e: {  	_ =	sfence.sel $0x180000  }
0x2f: {  	[bflag:$0x0] =	sbarrier.arrive $0xFFFF  }
0x30: {  	p0 =	sne.s32 s1, $0x0;
	_ =	strace $0x90000047  }
0x31: {  	s0 =	sadd.s32 @!p0 $0x100000, s0;
	[bflag:$0x2] =	sbarrier.arrive $0xFFFF  }
0x32: {  	[sflag:s0] =	ssyncadd.tile.s32 @!p0 $0x1;
	_ =	shalt  }
.Lfunc_end2:
_tile_overlayer_lowered:
.L_overlay_start_2:
0x33: {  	(tag) =	ssettag $0x2  }
0x34: {  	s0 =	rddreg [dreg:$0x0];
	s2 =	stileid.u32  }
0x35: {  	s1 =	rddreg [dreg:$0x1];
	p0 =	sne.s32 s2, $0x0  }
0x36: {  	s3 =	rddreg [dreg:$0x2];
	[bflag:$0x3] =	sbarrier.arrive $0xFFFF;
	s2 =	simm.s32 @!p0 $0x1C01  }
0x37: {  	[timem:s3], [sflag:s2] =	dma.local @!p0 [hbm:s0], s1  }
0x38: {  	s0 =	simm.s32 @!p0 $0x1  }
0x39: {  	_ =	swait.ge @!p0 [sflag:s0], s1  }
0x3a: {  	s1 =	ssub.s32 @!p0 $0x0, s1;
	[sflag:s0] =	ssyncset.done @!p0 $0x0  }
0x3b: {  	[sflag:s0] =	ssyncadd.s32 @!p0 s1  }
0x3c: {  	[bflag:$0x3] =	sbarrier.arrive $0xFFFF  }
0x3d: {  	_ =	shalt  }

</sc_bundles>
